<compile_context>
chip_gen: v7x
topology: tpu7x:2x2x1
jax: 0.10.2.dev20260603
libtpu: 0.0.44.dev20260713+nightly
codegen_flags: <defaults>
</compile_context>

<pallas_src>
import functools

import jax
import jax.numpy as jnp
from jax import lax
from jax.experimental import pallas as pl
from jax.experimental.pallas import tpu as pltpu
from jax.experimental.pallas import tpu_sc as plsc

_B = 16384
_D = 64
_NC = 2
_NS = 16
_NW = _NC * _NS
_NB = _B // _NW
_C = 128
_NCHUNK = _NB // _C
_L = 16
_MARGIN = 1.0


def _tree_sum(vs):
    while len(vs) > 1:
        vs = [a + b for a, b in zip(vs[::2], vs[1::2])]
    return vs[0]


def _sc_body(pp_hbm, ng_hbm, rels_hbm, ent_hbm, rel_hbm, out_hbm,
             pp_v, ng_v, rl_v,
             hbuf, tbuf, nhbuf, ntbuf, rbuf,
             dscratch, loss_st, sem):
    wid = lax.axis_index("s") * _NC + lax.axis_index("c")

    def chunk_body(c, lvec):
        base = pl.multiple_of(wid * _NB + c * _C, _C)
        pltpu.sync_copy(pp_hbm.at[pl.ds(0, 1), pl.ds(base, _C)], pp_v.at[pl.ds(0, 1)])
        pltpu.sync_copy(pp_hbm.at[pl.ds(1, 1), pl.ds(base, _C)], pp_v.at[pl.ds(1, 1)])
        pltpu.sync_copy(ng_hbm.at[pl.ds(0, 1), pl.ds(base, _C)], ng_v.at[pl.ds(0, 1)])
        pltpu.sync_copy(ng_hbm.at[pl.ds(1, 1), pl.ds(base, _C)], ng_v.at[pl.ds(1, 1)])
        pltpu.sync_copy(rels_hbm.at[pl.ds(base, _C)], rl_v)

        def fire_body(g, carry):
            e0 = g * _L
            hvv = pp_v[0, pl.ds(e0, _L)]
            tvv = pp_v[1, pl.ds(e0, _L)]
            nhvv = ng_v[0, pl.ds(e0, _L)]
            ntvv = ng_v[1, pl.ds(e0, _L)]
            rvv = rl_v[pl.ds(e0, _L)]
            for m in range(_L):
                i = e0 + m
                pltpu.async_copy(ent_hbm.at[hvv[m]], hbuf.at[i], sem)
                pltpu.async_copy(ent_hbm.at[tvv[m]], tbuf.at[i], sem)
                pltpu.async_copy(ent_hbm.at[nhvv[m]], nhbuf.at[i], sem)
                pltpu.async_copy(ent_hbm.at[ntvv[m]], ntbuf.at[i], sem)
                pltpu.async_copy(rel_hbm.at[rvv[m]], rbuf.at[i], sem)
            return carry

        lax.fori_loop(0, _C // _L, fire_body, 0)
        for buf in (hbuf, tbuf, nhbuf, ntbuf, rbuf):
            pltpu.make_async_copy(ent_hbm.at[pl.ds(0, _C), :], buf, sem).wait()

        def e_body(i, carry):
            qs = []
            for k in range(_D // _L):
                sl = pl.ds(_L * k, _L)
                h = hbuf[i, sl]
                t = tbuf[i, sl]
                nh = nhbuf[i, sl]
                nt = ntbuf[i, sl]
                r = rbuf[i, sl]
                qs.append((nh * nt - h * t) * r)
            dscratch[pl.ds(i * _L, _L)] = _tree_sum(qs)
            return carry

        lax.fori_loop(0, _C, e_body, 0)

        iota16 = lax.iota(jnp.int32, _L) * _L

        def g_body(g, lv):
            vs = [
                plsc.load_gather(dscratch, [iota16 + (g * (_L * _L) + j)])
                for j in range(_L)
            ]
            return lv + jnp.maximum(_MARGIN + _tree_sum(vs), 0.0)

        return lax.fori_loop(0, _C // _L, g_body, lvec)

    lvec = lax.fori_loop(0, _NCHUNK, chunk_body, jnp.zeros((_L,), jnp.float32))
    loss_st[...] = lvec
    pltpu.sync_copy(loss_st, out_hbm.at[wid])


@functools.cache
def _make_sc_score():
    return pl.kernel(
        _sc_body,
        out_type=jax.ShapeDtypeStruct((_NW, _L), jnp.float32),
        mesh=plsc.VectorSubcoreMesh(core_axis_name="c", subcore_axis_name="s"),
        compiler_params=pltpu.CompilerParams(
            needs_layout_passes=False, use_tc_tiling_on_sc=True
        ),
        scratch_types=[
            pltpu.VMEM((2, _C), jnp.int32),
            pltpu.VMEM((2, _C), jnp.int32),
            pltpu.VMEM((_C,), jnp.int32),
            pltpu.VMEM((_C, _D), jnp.float32),
            pltpu.VMEM((_C, _D), jnp.float32),
            pltpu.VMEM((_C, _D), jnp.float32),
            pltpu.VMEM((_C, _D), jnp.float32),
            pltpu.VMEM((_C, _D), jnp.float32),
            pltpu.VMEM((_C * _L,), jnp.float32),
            pltpu.VMEM((_L,), jnp.float32),
            pltpu.SemaphoreType.DMA,
        ],
    )


def _reduce_body(x_ref, o_ref):
    o_ref[0, 0] = jnp.sum(x_ref[...]) * (1.0 / _B)


def kernel(pos_pairs, rels, neg_idx, ent_emb, rel_emb):
    ppT = pos_pairs.T.astype(jnp.int32)
    ng = neg_idx.astype(jnp.int32)
    partials = _make_sc_score()(ppT, ng, rels.astype(jnp.int32), ent_emb, rel_emb)
    loss = pl.pallas_call(
        _reduce_body,
        out_shape=jax.ShapeDtypeStruct((1, 1), jnp.float32),
        out_specs=pl.BlockSpec(memory_space=pltpu.SMEM),
    )(partials)
    return loss[0, 0]

# --- scband reference (transcript-rebuilt; emitter-appended) ---
"""Pipeline reference for scband-link-prediction-with-neg-strategy-23235773071451 (READ-ONLY COPY).

The authoritative reference and input builder live on the scoring server;
editing this copy changes nothing except your own understanding.
"""

import jax, jax.numpy as jnp
import numpy as np

NUM_ENTITIES = 1000000
NUM_RELATIONS = 1000
DIM = 64
BATCH = 16384


def setup_inputs(seed: int = 0) -> dict:
    key = jax.random.key(seed)
    k1, k2, k3, k4, k5 = jax.random.split(key, 5)
    pos_pairs = jax.random.randint(k1, (BATCH, 2), 0, NUM_ENTITIES, dtype=jnp.int64 if jax.config.jax_enable_x64 else jnp.int32)
    rels = jax.random.randint(k2, (BATCH,), 0, NUM_RELATIONS, dtype=jnp.int64 if jax.config.jax_enable_x64 else jnp.int32)
    neg_idx = jax.random.randint(k3, (2, BATCH), 0, NUM_ENTITIES, dtype=jnp.int64 if jax.config.jax_enable_x64 else jnp.int32)
    # xavier_uniform init for both embedding tables
    a_ent = float(np.sqrt(6.0 / (NUM_ENTITIES + DIM)))
    a_rel = float(np.sqrt(6.0 / (NUM_RELATIONS + DIM)))
    ent_emb = jax.random.uniform(k4, (NUM_ENTITIES, DIM), minval=-a_ent, maxval=a_ent, dtype=jnp.float32)
    rel_emb = jax.random.uniform(k5, (NUM_RELATIONS, DIM), minval=-a_rel, maxval=a_rel, dtype=jnp.float32)
    return {"pos_pairs": pos_pairs, "rels": rels, "neg_idx": neg_idx, "ent_emb": ent_emb, "rel_emb": rel_emb}


def distmult_score(heads, tails, rels):
    return jnp.sum(heads * rels * tails, axis=-1)


def margin_loss(pos_scores, neg_scores, margin=1.0):
    return jnp.mean(jax.nn.relu(margin - pos_scores + neg_scores))


def reference(pos_pairs, rels, neg_idx, ent_emb, rel_emb):
    # encode: gather entity embeddings (distmult => no normalization)
    embs = jnp.take(ent_emb, pos_pairs, axis=0)        # [B, 2, d]
    r = jnp.take(rel_emb, rels, axis=0)                # [B, d]
    # chunk along dim=1 into heads/tails, squeeze to [B, d]
    heads = embs[:, 0, :]
    tails = embs[:, 1, :]
    pos_scores = distmult_score(heads, tails, r)       # [B]
    # regularizer == 0 -> no reg loss
    neg_embs = jnp.take(ent_emb, neg_idx, axis=0)      # [2, B, d]
    neg_heads = neg_embs[0]                            # [B, d] (chunk dim=0 + squeeze)
    neg_tails = neg_embs[1]
    neg_scores = distmult_score(neg_heads, neg_tails, r)  # [B]
    model_loss = margin_loss(pos_scores, neg_scores)
    return model_loss

if __name__ == "__main__":
    import jax
    _d = setup_inputs()
    print(jax.jit(kernel)(*tuple(_d.values())))

</pallas_src>

<mosaic_0001>
#map = affine_map<(d0, d1) -> (0, 0)>
#map1 = affine_map<(d0, d1) -> (0)>
module attributes {stable_mosaic.version = 14 : i64} {
  func.func @_sc_body(%arg0: i32, %arg1: i32, %arg2: memref<2x16384xi32, #tpu.memory_space<hbm>>, %arg3: memref<2x16384xi32, #tpu.memory_space<hbm>>, %arg4: memref<16384xi32, #tpu.memory_space<hbm>>, %arg5: memref<1000000x64xf32, #tpu.memory_space<hbm>>, %arg6: memref<1000x64xf32, #tpu.memory_space<hbm>>, %arg7: memref<32x16xf32, #tpu.memory_space<hbm>>, %arg8: memref<2x128xi32, #tpu.memory_space<vmem>>, %arg9: memref<2x128xi32, #tpu.memory_space<vmem>>, %arg10: memref<128xi32, #tpu.memory_space<vmem>>, %arg11: memref<128x64xf32, #tpu.memory_space<vmem>>, %arg12: memref<128x64xf32, #tpu.memory_space<vmem>>, %arg13: memref<128x64xf32, #tpu.memory_space<vmem>>, %arg14: memref<128x64xf32, #tpu.memory_space<vmem>>, %arg15: memref<128x64xf32, #tpu.memory_space<vmem>>, %arg16: memref<2048xf32, #tpu.memory_space<vmem>>, %arg17: memref<16xf32, #tpu.memory_space<vmem>>, %arg18: memref<!tpu.dma_semaphore, #tpu.memory_space<semaphore_mem>>) attributes {dimension_semantics = [#tpu.dimension_semantics<core_parallel>, #tpu.dimension_semantics<subcore_parallel>], iteration_bounds = array<i64: 2, 16>, scalar_prefetch = 0 : i64, scratch_operands = 11 : i64, tpu.core_type = #tpu.core_type<sc_vector_subcore>, window_params = [{transform_indices = #map}, {transform_indices = #map}, {transform_indices = #map1}, {transform_indices = #map}, {transform_indices = #map}, {transform_indices = #map}]} {
    %mul3A = arith.constant 2 : i32
    %mul3A_0 = arith.muli %arg1, %mul3A : i32
    %add3A = arith.addi %mul3A_0, %arg0 : i32
    %broadcast_in_dim3A = arith.constant 0.000000e+00 : f32
    %broadcast_in_dim3A_1 = vector.broadcast %broadcast_in_dim3A : f32 to vector<16xf32>
    %scan3A = arith.constant 0 : i32
    %scan3A_2 = arith.constant 4 : i32
    %scan3A_3 = arith.addi %scan3A, %scan3A_2 : i32
    %scan3A_4 = arith.constant 1 : i32
    %scan3A_5 = scf.for %scan3A_8 = %scan3A to %scan3A_3 step %scan3A_4 iter_args(%scan3A_9 = %broadcast_in_dim3A_1) -> (vector<16xf32>)  : i32 {
      %mul3A_10 = arith.constant 512 : i32
      %mul3A_11 = arith.muli %add3A, %mul3A_10 : i32
      %mul3A_12 = arith.constant 128 : i32
      %mul3A_13 = arith.muli %scan3A_8, %mul3A_12 : i32
      %add3A_14 = arith.addi %mul3A_11, %mul3A_13 : i32
      %multiple_of3A = tpu.assume_multiple %add3A_14, 128 : i32
      "tpu.region"() ({
        %run_scoped3A = tpu.sem_alloc : memref<!tpu.dma_semaphore, #tpu.memory_space<semaphore_mem>>
        %dma_start3A = arith.constant 0 : i32
        %dma_start3A_65 = arith.constant 0 : i32
        %dma_start3A_66 = tpu.memref_slice %arg8[%dma_start3A, %dma_start3A_65] : memref<2x128xi32, #tpu.memory_space<vmem>> -> memref<1x128xi32, #tpu.memory_space<vmem>>
        %dma_start3A_67 = arith.constant 0 : i32
        %dma_start3A_68 = tpu.memref_slice %arg2[%dma_start3A_67, %multiple_of3A] : memref<2x16384xi32, #tpu.memory_space<hbm>> -> memref<1x128xi32, #tpu.memory_space<hbm>>
        %dma_start3A_69 = arith.constant 0 : i32
        %dma_start3A_70 = arith.constant 0 : i32
        %dma_start3A_71 = tpu.memref_slice %arg8[%dma_start3A_69, %dma_start3A_70] : memref<2x128xi32, #tpu.memory_space<vmem>> -> memref<1x128xi32, #tpu.memory_space<vmem>>
        %dma_start3A_72 = arith.constant 0 : i32
        %dma_start3A_73 = tpu.memref_slice %arg2[%dma_start3A_72, %multiple_of3A] : memref<2x16384xi32, #tpu.memory_space<hbm>> -> memref<1x128xi32, #tpu.memory_space<hbm>>
        tpu.enqueue_dma source(%dma_start3A_73 : memref<1x128xi32, #tpu.memory_space<hbm>>) target(%dma_start3A_71 : memref<1x128xi32, #tpu.memory_space<vmem>>) target_semaphore(%run_scoped3A : memref<!tpu.dma_semaphore, #tpu.memory_space<semaphore_mem>>)
        %dma_wait3A_74 = arith.constant 0 : i32
        %dma_wait3A_75 = arith.constant 0 : i32
        %dma_wait3A_76 = tpu.memref_slice %arg8[%dma_wait3A_74, %dma_wait3A_75] : memref<2x128xi32, #tpu.memory_space<vmem>> -> memref<1x128xi32, #tpu.memory_space<vmem>>
        %dma_wait3A_77 = arith.constant 0 : i32
        %dma_wait3A_78 = tpu.memref_slice %arg2[%dma_wait3A_77, %multiple_of3A] : memref<2x16384xi32, #tpu.memory_space<hbm>> -> memref<1x128xi32, #tpu.memory_space<hbm>>
        %dma_wait3A_79 = arith.constant 0 : i32
        %dma_wait3A_80 = arith.constant 0 : i32
        %dma_wait3A_81 = tpu.memref_slice %arg8[%dma_wait3A_79, %dma_wait3A_80] : memref<2x128xi32, #tpu.memory_space<vmem>> -> memref<1x128xi32, #tpu.memory_space<vmem>>
        %dma_wait3A_82 = arith.constant 0 : i32
        %dma_wait3A_83 = tpu.memref_slice %arg2[%dma_wait3A_82, %multiple_of3A] : memref<2x16384xi32, #tpu.memory_space<hbm>> -> memref<1x128xi32, #tpu.memory_space<hbm>>
        tpu.wait_dma2 semaphore(%run_scoped3A : memref<!tpu.dma_semaphore, #tpu.memory_space<semaphore_mem>>) src(%dma_wait3A_83 : memref<1x128xi32, #tpu.memory_space<hbm>>) dst(%dma_wait3A_81 : memref<1x128xi32, #tpu.memory_space<vmem>>)
        tpu.yield
      }) : () -> ()
      "tpu.region"() ({
        %run_scoped3A = tpu.sem_alloc : memref<!tpu.dma_semaphore, #tpu.memory_space<semaphore_mem>>
        %dma_start3A = arith.constant 1 : i32
        %dma_start3A_65 = arith.constant 0 : i32
        %dma_start3A_66 = tpu.memref_slice %arg8[%dma_start3A, %dma_start3A_65] : memref<2x128xi32, #tpu.memory_space<vmem>> -> memref<1x128xi32, #tpu.memory_space<vmem>>
        %dma_start3A_67 = arith.constant 1 : i32
        %dma_start3A_68 = tpu.memref_slice %arg2[%dma_start3A_67, %multiple_of3A] : memref<2x16384xi32, #tpu.memory_space<hbm>> -> memref<1x128xi32, #tpu.memory_space<hbm>>
        %dma_start3A_69 = arith.constant 1 : i32
        %dma_start3A_70 = arith.constant 0 : i32
        %dma_start3A_71 = tpu.memref_slice %arg8[%dma_start3A_69, %dma_start3A_70] : memref<2x128xi32, #tpu.memory_space<vmem>> -> memref<1x128xi32, #tpu.memory_space<vmem>>
        %dma_start3A_72 = arith.constant 1 : i32
        %dma_start3A_73 = tpu.memref_slice %arg2[%dma_start3A_72, %multiple_of3A] : memref<2x16384xi32, #tpu.memory_space<hbm>> -> memref<1x128xi32, #tpu.memory_space<hbm>>
        tpu.enqueue_dma source(%dma_start3A_73 : memref<1x128xi32, #tpu.memory_space<hbm>>) target(%dma_start3A_71 : memref<1x128xi32, #tpu.memory_space<vmem>>) target_semaphore(%run_scoped3A : memref<!tpu.dma_semaphore, #tpu.memory_space<semaphore_mem>>)
        %dma_wait3A_74 = arith.constant 1 : i32
        %dma_wait3A_75 = arith.constant 0 : i32
        %dma_wait3A_76 = tpu.memref_slice %arg8[%dma_wait3A_74, %dma_wait3A_75] : memref<2x128xi32, #tpu.memory_space<vmem>> -> memref<1x128xi32, #tpu.memory_space<vmem>>
        %dma_wait3A_77 = arith.constant 1 : i32
        %dma_wait3A_78 = tpu.memref_slice %arg2[%dma_wait3A_77, %multiple_of3A] : memref<2x16384xi32, #tpu.memory_space<hbm>> -> memref<1x128xi32, #tpu.memory_space<hbm>>
        %dma_wait3A_79 = arith.constant 1 : i32
        %dma_wait3A_80 = arith.constant 0 : i32
        %dma_wait3A_81 = tpu.memref_slice %arg8[%dma_wait3A_79, %dma_wait3A_80] : memref<2x128xi32, #tpu.memory_space<vmem>> -> memref<1x128xi32, #tpu.memory_space<vmem>>
        %dma_wait3A_82 = arith.constant 1 : i32
        %dma_wait3A_83 = tpu.memref_slice %arg2[%dma_wait3A_82, %multiple_of3A] : memref<2x16384xi32, #tpu.memory_space<hbm>> -> memref<1x128xi32, #tpu.memory_space<hbm>>
        tpu.wait_dma2 semaphore(%run_scoped3A : memref<!tpu.dma_semaphore, #tpu.memory_space<semaphore_mem>>) src(%dma_wait3A_83 : memref<1x128xi32, #tpu.memory_space<hbm>>) dst(%dma_wait3A_81 : memref<1x128xi32, #tpu.memory_space<vmem>>)
        tpu.yield
      }) : () -> ()
      "tpu.region"() ({
        %run_scoped3A = tpu.sem_alloc : memref<!tpu.dma_semaphore, #tpu.memory_space<semaphore_mem>>
        %dma_start3A = arith.constant 0 : i32
        %dma_start3A_65 = arith.constant 0 : i32
        %dma_start3A_66 = tpu.memref_slice %arg9[%dma_start3A, %dma_start3A_65] : memref<2x128xi32, #tpu.memory_space<vmem>> -> memref<1x128xi32, #tpu.memory_space<vmem>>
        %dma_start3A_67 = arith.constant 0 : i32
        %dma_start3A_68 = tpu.memref_slice %arg3[%dma_start3A_67, %multiple_of3A] : memref<2x16384xi32, #tpu.memory_space<hbm>> -> memref<1x128xi32, #tpu.memory_space<hbm>>
        %dma_start3A_69 = arith.constant 0 : i32
        %dma_start3A_70 = arith.constant 0 : i32
        %dma_start3A_71 = tpu.memref_slice %arg9[%dma_start3A_69, %dma_start3A_70] : memref<2x128xi32, #tpu.memory_space<vmem>> -> memref<1x128xi32, #tpu.memory_space<vmem>>
        %dma_start3A_72 = arith.constant 0 : i32
        %dma_start3A_73 = tpu.memref_slice %arg3[%dma_start3A_72, %multiple_of3A] : memref<2x16384xi32, #tpu.memory_space<hbm>> -> memref<1x128xi32, #tpu.memory_space<hbm>>
        tpu.enqueue_dma source(%dma_start3A_73 : memref<1x128xi32, #tpu.memory_space<hbm>>) target(%dma_start3A_71 : memref<1x128xi32, #tpu.memory_space<vmem>>) target_semaphore(%run_scoped3A : memref<!tpu.dma_semaphore, #tpu.memory_space<semaphore_mem>>)
        %dma_wait3A_74 = arith.constant 0 : i32
        %dma_wait3A_75 = arith.constant 0 : i32
        %dma_wait3A_76 = tpu.memref_slice %arg9[%dma_wait3A_74, %dma_wait3A_75] : memref<2x128xi32, #tpu.memory_space<vmem>> -> memref<1x128xi32, #tpu.memory_space<vmem>>
        %dma_wait3A_77 = arith.constant 0 : i32
        %dma_wait3A_78 = tpu.memref_slice %arg3[%dma_wait3A_77, %multiple_of3A] : memref<2x16384xi32, #tpu.memory_space<hbm>> -> memref<1x128xi32, #tpu.memory_space<hbm>>
        %dma_wait3A_79 = arith.constant 0 : i32
        %dma_wait3A_80 = arith.constant 0 : i32
        %dma_wait3A_81 = tpu.memref_slice %arg9[%dma_wait3A_79, %dma_wait3A_80] : memref<2x128xi32, #tpu.memory_space<vmem>> -> memref<1x128xi32, #tpu.memory_space<vmem>>
        %dma_wait3A_82 = arith.constant 0 : i32
        %dma_wait3A_83 = tpu.memref_slice %arg3[%dma_wait3A_82, %multiple_of3A] : memref<2x16384xi32, #tpu.memory_space<hbm>> -> memref<1x128xi32, #tpu.memory_space<hbm>>
        tpu.wait_dma2 semaphore(%run_scoped3A : memref<!tpu.dma_semaphore, #tpu.memory_space<semaphore_mem>>) src(%dma_wait3A_83 : memref<1x128xi32, #tpu.memory_space<hbm>>) dst(%dma_wait3A_81 : memref<1x128xi32, #tpu.memory_space<vmem>>)
        tpu.yield
      }) : () -> ()
      "tpu.region"() ({
        %run_scoped3A = tpu.sem_alloc : memref<!tpu.dma_semaphore, #tpu.memory_space<semaphore_mem>>
        %dma_start3A = arith.constant 1 : i32
        %dma_start3A_65 = arith.constant 0 : i32
        %dma_start3A_66 = tpu.memref_slice %arg9[%dma_start3A, %dma_start3A_65] : memref<2x128xi32, #tpu.memory_space<vmem>> -> memref<1x128xi32, #tpu.memory_space<vmem>>
        %dma_start3A_67 = arith.constant 1 : i32
        %dma_start3A_68 = tpu.memref_slice %arg3[%dma_start3A_67, %multiple_of3A] : memref<2x16384xi32, #tpu.memory_space<hbm>> -> memref<1x128xi32, #tpu.memory_space<hbm>>
        %dma_start3A_69 = arith.constant 1 : i32
        %dma_start3A_70 = arith.constant 0 : i32
        %dma_start3A_71 = tpu.memref_slice %arg9[%dma_start3A_69, %dma_start3A_70] : memref<2x128xi32, #tpu.memory_space<vmem>> -> memref<1x128xi32, #tpu.memory_space<vmem>>
        %dma_start3A_72 = arith.constant 1 : i32
        %dma_start3A_73 = tpu.memref_slice %arg3[%dma_start3A_72, %multiple_of3A] : memref<2x16384xi32, #tpu.memory_space<hbm>> -> memref<1x128xi32, #tpu.memory_space<hbm>>
        tpu.enqueue_dma source(%dma_start3A_73 : memref<1x128xi32, #tpu.memory_space<hbm>>) target(%dma_start3A_71 : memref<1x128xi32, #tpu.memory_space<vmem>>) target_semaphore(%run_scoped3A : memref<!tpu.dma_semaphore, #tpu.memory_space<semaphore_mem>>)
        %dma_wait3A_74 = arith.constant 1 : i32
        %dma_wait3A_75 = arith.constant 0 : i32
        %dma_wait3A_76 = tpu.memref_slice %arg9[%dma_wait3A_74, %dma_wait3A_75] : memref<2x128xi32, #tpu.memory_space<vmem>> -> memref<1x128xi32, #tpu.memory_space<vmem>>
        %dma_wait3A_77 = arith.constant 1 : i32
        %dma_wait3A_78 = tpu.memref_slice %arg3[%dma_wait3A_77, %multiple_of3A] : memref<2x16384xi32, #tpu.memory_space<hbm>> -> memref<1x128xi32, #tpu.memory_space<hbm>>
        %dma_wait3A_79 = arith.constant 1 : i32
        %dma_wait3A_80 = arith.constant 0 : i32
        %dma_wait3A_81 = tpu.memref_slice %arg9[%dma_wait3A_79, %dma_wait3A_80] : memref<2x128xi32, #tpu.memory_space<vmem>> -> memref<1x128xi32, #tpu.memory_space<vmem>>
        %dma_wait3A_82 = arith.constant 1 : i32
        %dma_wait3A_83 = tpu.memref_slice %arg3[%dma_wait3A_82, %multiple_of3A] : memref<2x16384xi32, #tpu.memory_space<hbm>> -> memref<1x128xi32, #tpu.memory_space<hbm>>
        tpu.wait_dma2 semaphore(%run_scoped3A : memref<!tpu.dma_semaphore, #tpu.memory_space<semaphore_mem>>) src(%dma_wait3A_83 : memref<1x128xi32, #tpu.memory_space<hbm>>) dst(%dma_wait3A_81 : memref<1x128xi32, #tpu.memory_space<vmem>>)
        tpu.yield
      }) : () -> ()
      "tpu.region"() ({
        %run_scoped3A = tpu.sem_alloc : memref<!tpu.dma_semaphore, #tpu.memory_space<semaphore_mem>>
        %dma_start3A = tpu.memref_slice %arg4[%multiple_of3A] : memref<16384xi32, #tpu.memory_space<hbm>> -> memref<128xi32, #tpu.memory_space<hbm>>
        %dma_start3A_65 = tpu.memref_slice %arg4[%multiple_of3A] : memref<16384xi32, #tpu.memory_space<hbm>> -> memref<128xi32, #tpu.memory_space<hbm>>
        tpu.enqueue_dma source(%dma_start3A_65 : memref<128xi32, #tpu.memory_space<hbm>>) target(%arg10 : memref<128xi32, #tpu.memory_space<vmem>>) target_semaphore(%run_scoped3A : memref<!tpu.dma_semaphore, #tpu.memory_space<semaphore_mem>>)
        %dma_wait3A_66 = tpu.memref_slice %arg4[%multiple_of3A] : memref<16384xi32, #tpu.memory_space<hbm>> -> memref<128xi32, #tpu.memory_space<hbm>>
        %dma_wait3A_67 = tpu.memref_slice %arg4[%multiple_of3A] : memref<16384xi32, #tpu.memory_space<hbm>> -> memref<128xi32, #tpu.memory_space<hbm>>
        tpu.wait_dma2 semaphore(%run_scoped3A : memref<!tpu.dma_semaphore, #tpu.memory_space<semaphore_mem>>) src(%dma_wait3A_67 : memref<128xi32, #tpu.memory_space<hbm>>) dst(%arg10 : memref<128xi32, #tpu.memory_space<vmem>>)
        tpu.yield
      }) : () -> ()
      %scan3A_15 = arith.constant 0 : i32
      %scan3A_16 = arith.constant 0 : i32
      %scan3A_17 = arith.constant 8 : i32
      %scan3A_18 = arith.addi %scan3A_16, %scan3A_17 : i32
      %scan3A_19 = arith.constant 1 : i32
      scf.for %scan3A_65 = %scan3A_16 to %scan3A_18 step %scan3A_19  : i32 {
        %mul3A_66 = arith.constant 16 : i32
        %mul3A_67 = arith.muli %scan3A_65, %mul3A_66 : i32
        %get3A = arith.constant 0 : i32
        %get3A_68 = arith.index_cast %get3A : i32 to index
        %get3A_69 = arith.index_cast %mul3A_67 : i32 to index
        %get3A_70 = tpu.vector_load %arg8[%get3A_68, %get3A_69] {strides = array<i32>} : memref<2x128xi32, #tpu.memory_space<vmem>>, vector<16xi32>,
        %get3A_71 = arith.constant 1 : i32
        %get3A_72 = arith.index_cast %get3A_71 : i32 to index
        %get3A_73 = arith.index_cast %mul3A_67 : i32 to index
        %get3A_74 = tpu.vector_load %arg8[%get3A_72, %get3A_73] {strides = array<i32>} : memref<2x128xi32, #tpu.memory_space<vmem>>, vector<16xi32>,
        %get3A_75 = arith.constant 0 : i32
        %get3A_76 = arith.index_cast %get3A_75 : i32 to index
        %get3A_77 = arith.index_cast %mul3A_67 : i32 to index
        %get3A_78 = tpu.vector_load %arg9[%get3A_76, %get3A_77] {strides = array<i32>} : memref<2x128xi32, #tpu.memory_space<vmem>>, vector<16xi32>,
        %get3A_79 = arith.constant 1 : i32
        %get3A_80 = arith.index_cast %get3A_79 : i32 to index
        %get3A_81 = arith.index_cast %mul3A_67 : i32 to index
        %get3A_82 = tpu.vector_load %arg9[%get3A_80, %get3A_81] {strides = array<i32>} : memref<2x128xi32, #tpu.memory_space<vmem>>, vector<16xi32>,
        %get3A_83 = arith.index_cast %mul3A_67 : i32 to index
        %get3A_84 = tpu.vector_load %arg10[%get3A_83] {strides = array<i32>} : memref<128xi32, #tpu.memory_space<vmem>>, vector<16xi32>,
        %add3A_85 = arith.constant 0 : i32
        %add3A_86 = arith.addi %mul3A_67, %add3A_85 : i32
        %slice3A = vector.extract_strided_slice %get3A_70 {offsets = [0], sizes = [1], strides = [1]} : vector<16xi32> to vector<1xi32>
        %squeeze3A = vector.extract %slice3A[0] : i32 from vector<1xi32>
        %dma_start3A = arith.constant 0 : i32
        %dma_start3A_87 = tpu.memref_slice %arg11[%add3A_86, %dma_start3A] : memref<128x64xf32, #tpu.memory_space<vmem>> -> memref<1x64xf32, #tpu.memory_space<vmem>>
        %dma_start3A_88 = tpu.memref_squeeze %dma_start3A_87 : memref<1x64xf32, #tpu.memory_space<vmem>> -> memref<64xf32, #tpu.memory_space<vmem>>
        %dma_start3A_89 = arith.constant 0 : i32
        %dma_start3A_90 = tpu.memref_slice %arg5[%squeeze3A, %dma_start3A_89] : memref<1000000x64xf32, #tpu.memory_space<hbm>> -> memref<1x64xf32, #tpu.memory_space<hbm>>
        %dma_start3A_91 = tpu.memref_squeeze %dma_start3A_90 : memref<1x64xf32, #tpu.memory_space<hbm>> -> memref<64xf32, #tpu.memory_space<hbm>>
        %dma_start3A_92 = arith.constant 0 : i32
        %dma_start3A_93 = tpu.memref_slice %arg11[%add3A_86, %dma_start3A_92] : memref<128x64xf32, #tpu.memory_space<vmem>> -> memref<1x64xf32, #tpu.memory_space<vmem>>
        %dma_start3A_94 = tpu.memref_squeeze %dma_start3A_93 : memref<1x64xf32, #tpu.memory_space<vmem>> -> memref<64xf32, #tpu.memory_space<vmem>>
        %dma_start3A_95 = arith.constant 0 : i32
        %dma_start3A_96 = tpu.memref_slice %arg5[%squeeze3A, %dma_start3A_95] : memref<1000000x64xf32, #tpu.memory_space<hbm>> -> memref<1x64xf32, #tpu.memory_space<hbm>>
        %dma_start3A_97 = tpu.memref_squeeze %dma_start3A_96 : memref<1x64xf32, #tpu.memory_space<hbm>> -> memref<64xf32, #tpu.memory_space<hbm>>
        tpu.enqueue_dma source(%dma_start3A_97 : memref<64xf32, #tpu.memory_space<hbm>>) target(%dma_start3A_94 : memref<64xf32, #tpu.memory_space<vmem>>) target_semaphore(%arg18 : memref<!tpu.dma_semaphore, #tpu.memory_space<semaphore_mem>>)
        %slice3A_98 = vector.extract_strided_slice %get3A_74 {offsets = [0], sizes = [1], strides = [1]} : vector<16xi32> to vector<1xi32>
        %squeeze3A_99 = vector.extract %slice3A_98[0] : i32 from vector<1xi32>
        %dma_start3A_100 = arith.constant 0 : i32
        %dma_start3A_101 = tpu.memref_slice %arg12[%add3A_86, %dma_start3A_100] : memref<128x64xf32, #tpu.memory_space<vmem>> -> memref<1x64xf32, #tpu.memory_space<vmem>>
        %dma_start3A_102 = tpu.memref_squeeze %dma_start3A_101 : memref<1x64xf32, #tpu.memory_space<vmem>> -> memref<64xf32, #tpu.memory_space<vmem>>
        %dma_start3A_103 = arith.constant 0 : i32
        %dma_start3A_104 = tpu.memref_slice %arg5[%squeeze3A_99, %dma_start3A_103] : memref<1000000x64xf32, #tpu.memory_space<hbm>> -> memref<1x64xf32, #tpu.memory_space<hbm>>
        %dma_start3A_105 = tpu.memref_squeeze %dma_start3A_104 : memref<1x64xf32, #tpu.memory_space<hbm>> -> memref<64xf32, #tpu.memory_space<hbm>>
        %dma_start3A_106 = arith.constant 0 : i32
        %dma_start3A_107 = tpu.memref_slice %arg12[%add3A_86, %dma_start3A_106] : memref<128x64xf32, #tpu.memory_space<vmem>> -> memref<1x64xf32, #tpu.memory_space<vmem>>
        %dma_start3A_108 = tpu.memref_squeeze %dma_start3A_107 : memref<1x64xf32, #tpu.memory_space<vmem>> -> memref<64xf32, #tpu.memory_space<vmem>>
        %dma_start3A_109 = arith.constant 0 : i32
        %dma_start3A_110 = tpu.memref_slice %arg5[%squeeze3A_99, %dma_start3A_109] : memref<1000000x64xf32, #tpu.memory_space<hbm>> -> memref<1x64xf32, #tpu.memory_space<hbm>>
        %dma_start3A_111 = tpu.memref_squeeze %dma_start3A_110 : memref<1x64xf32, #tpu.memory_space<hbm>> -> memref<64xf32, #tpu.memory_space<hbm>>
        tpu.enqueue_dma source(%dma_start3A_111 : memref<64xf32, #tpu.memory_space<hbm>>) target(%dma_start3A_108 : memref<64xf32, #tpu.memory_space<vmem>>) target_semaphore(%arg18 : memref<!tpu.dma_semaphore, #tpu.memory_space<semaphore_mem>>)
        %slice3A_112 = vector.extract_strided_slice %get3A_78 {offsets = [0], sizes = [1], strides = [1]} : vector<16xi32> to vector<1xi32>
        %squeeze3A_113 = vector.extract %slice3A_112[0] : i32 from vector<1xi32>
        %dma_start3A_114 = arith.constant 0 : i32
        %dma_start3A_115 = tpu.memref_slice %arg13[%add3A_86, %dma_start3A_114] : memref<128x64xf32, #tpu.memory_space<vmem>> -> memref<1x64xf32, #tpu.memory_space<vmem>>
        %dma_start3A_116 = tpu.memref_squeeze %dma_start3A_115 : memref<1x64xf32, #tpu.memory_space<vmem>> -> memref<64xf32, #tpu.memory_space<vmem>>
        %dma_start3A_117 = arith.constant 0 : i32
        %dma_start3A_118 = tpu.memref_slice %arg5[%squeeze3A_113, %dma_start3A_117] : memref<1000000x64xf32, #tpu.memory_space<hbm>> -> memref<1x64xf32, #tpu.memory_space<hbm>>
        %dma_start3A_119 = tpu.memref_squeeze %dma_start3A_118 : memref<1x64xf32, #tpu.memory_space<hbm>> -> memref<64xf32, #tpu.memory_space<hbm>>
        %dma_start3A_120 = arith.constant 0 : i32
        %dma_start3A_121 = tpu.memref_slice %arg13[%add3A_86, %dma_start3A_120] : memref<128x64xf32, #tpu.memory_space<vmem>> -> memref<1x64xf32, #tpu.memory_space<vmem>>
        %dma_start3A_122 = tpu.memref_squeeze %dma_start3A_121 : memref<1x64xf32, #tpu.memory_space<vmem>> -> memref<64xf32, #tpu.memory_space<vmem>>
        %dma_start3A_123 = arith.constant 0 : i32
        %dma_start3A_124 = tpu.memref_slice %arg5[%squeeze3A_113, %dma_start3A_123] : memref<1000000x64xf32, #tpu.memory_space<hbm>> -> memref<1x64xf32, #tpu.memory_space<hbm>>
        %dma_start3A_125 = tpu.memref_squeeze %dma_start3A_124 : memref<1x64xf32, #tpu.memory_space<hbm>> -> memref<64xf32, #tpu.memory_space<hbm>>
        tpu.enqueue_dma source(%dma_start3A_125 : memref<64xf32, #tpu.memory_space<hbm>>) target(%dma_start3A_122 : memref<64xf32, #tpu.memory_space<vmem>>) target_semaphore(%arg18 : memref<!tpu.dma_semaphore, #tpu.memory_space<semaphore_mem>>)
        %slice3A_126 = vector.extract_strided_slice %get3A_82 {offsets = [0], sizes = [1], strides = [1]} : vector<16xi32> to vector<1xi32>
        %squeeze3A_127 = vector.extract %slice3A_126[0] : i32 from vector<1xi32>
        %dma_start3A_128 = arith.constant 0 : i32
        %dma_start3A_129 = tpu.memref_slice %arg14[%add3A_86, %dma_start3A_128] : memref<128x64xf32, #tpu.memory_space<vmem>> -> memref<1x64xf32, #tpu.memory_space<vmem>>
        %dma_start3A_130 = tpu.memref_squeeze %dma_start3A_129 : memref<1x64xf32, #tpu.memory_space<vmem>> -> memref<64xf32, #tpu.memory_space<vmem>>
        %dma_start3A_131 = arith.constant 0 : i32
        %dma_start3A_132 = tpu.memref_slice %arg5[%squeeze3A_127, %dma_start3A_131] : memref<1000000x64xf32, #tpu.memory_space<hbm>> -> memref<1x64xf32, #tpu.memory_space<hbm>>
        %dma_start3A_133 = tpu.memref_squeeze %dma_start3A_132 : memref<1x64xf32, #tpu.memory_space<hbm>> -> memref<64xf32, #tpu.memory_space<hbm>>
        %dma_start3A_134 = arith.constant 0 : i32
        %dma_start3A_135 = tpu.memref_slice %arg14[%add3A_86, %dma_start3A_134] : memref<128x64xf32, #tpu.memory_space<vmem>> -> memref<1x64xf32, #tpu.memory_space<vmem>>
        %dma_start3A_136 = tpu.memref_squeeze %dma_start3A_135 : memref<1x64xf32, #tpu.memory_space<vmem>> -> memref<64xf32, #tpu.memory_space<vmem>>
        %dma_start3A_137 = arith.constant 0 : i32
        %dma_start3A_138 = tpu.memref_slice %arg5[%squeeze3A_127, %dma_start3A_137] : memref<1000000x64xf32, #tpu.memory_space<hbm>> -> memref<1x64xf32, #tpu.memory_space<hbm>>
        %dma_start3A_139 = tpu.memref_squeeze %dma_start3A_138 : memref<1x64xf32, #tpu.memory_space<hbm>> -> memref<64xf32, #tpu.memory_space<hbm>>
        tpu.enqueue_dma source(%dma_start3A_139 : memref<64xf32, #tpu.memory_space<hbm>>) target(%dma_start3A_136 : memref<64xf32, #tpu.memory_space<vmem>>) target_semaphore(%arg18 : memref<!tpu.dma_semaphore, #tpu.memory_space<semaphore_mem>>)
        %slice3A_140 = vector.extract_strided_slice %get3A_84 {offsets = [0], sizes = [1], strides = [1]} : vector<16xi32> to vector<1xi32>
        %squeeze3A_141 = vector.extract %slice3A_140[0] : i32 from vector<1xi32>
        %dma_start3A_142 = arith.constant 0 : i32
        %dma_start3A_143 = tpu.memref_slice %arg15[%add3A_86, %dma_start3A_142] : memref<128x64xf32, #tpu.memory_space<vmem>> -> memref<1x64xf32, #tpu.memory_space<vmem>>
        %dma_start3A_144 = tpu.memref_squeeze %dma_start3A_143 : memref<1x64xf32, #tpu.memory_space<vmem>> -> memref<64xf32, #tpu.memory_space<vmem>>
        %dma_start3A_145 = arith.constant 0 : i32
        %dma_start3A_146 = tpu.memref_slice %arg6[%squeeze3A_141, %dma_start3A_145] : memref<1000x64xf32, #tpu.memory_space<hbm>> -> memref<1x64xf32, #tpu.memory_space<hbm>>
        %dma_start3A_147 = tpu.memref_squeeze %dma_start3A_146 : memref<1x64xf32, #tpu.memory_space<hbm>> -> memref<64xf32, #tpu.memory_space<hbm>>
        %dma_start3A_148 = arith.constant 0 : i32
        %dma_start3A_149 = tpu.memref_slice %arg15[%add3A_86, %dma_start3A_148] : memref<128x64xf32, #tpu.memory_space<vmem>> -> memref<1x64xf32, #tpu.memory_space<vmem>>
        %dma_start3A_150 = tpu.memref_squeeze %dma_start3A_149 : memref<1x64xf32, #tpu.memory_space<vmem>> -> memref<64xf32, #tpu.memory_space<vmem>>
        %dma_start3A_151 = arith.constant 0 : i32
        %dma_start3A_152 = tpu.memref_slice %arg6[%squeeze3A_141, %dma_start3A_151] : memref<1000x64xf32, #tpu.memory_space<hbm>> -> memref<1x64xf32, #tpu.memory_space<hbm>>
        %dma_start3A_153 = tpu.memref_squeeze %dma_start3A_152 : memref<1x64xf32, #tpu.memory_space<hbm>> -> memref<64xf32, #tpu.memory_space<hbm>>
        tpu.enqueue_dma source(%dma_start3A_153 : memref<64xf32, #tpu.memory_space<hbm>>) target(%dma_start3A_150 : memref<64xf32, #tpu.memory_space<vmem>>) target_semaphore(%arg18 : memref<!tpu.dma_semaphore, #tpu.memory_space<semaphore_mem>>)
        %add3A_154 = arith.constant 1 : i32
        %add3A_155 = arith.addi %mul3A_67, %add3A_154 : i32
        %slice3A_156 = vector.extract_strided_slice %get3A_70 {offsets = [1], sizes = [1], strides = [1]} : vector<16xi32> to vector<1xi32>
        %squeeze3A_157 = vector.extract %slice3A_156[0] : i32 from vector<1xi32>
        %dma_start3A_158 = arith.constant 0 : i32
        %dma_start3A_159 = tpu.memref_slice %arg11[%add3A_155, %dma_start3A_158] : memref<128x64xf32, #tpu.memory_space<vmem>> -> memref<1x64xf32, #tpu.memory_space<vmem>>
        %dma_start3A_160 = tpu.memref_squeeze %dma_start3A_159 : memref<1x64xf32, #tpu.memory_space<vmem>> -> memref<64xf32, #tpu.memory_space<vmem>>
        %dma_start3A_161 = arith.constant 0 : i32
        %dma_start3A_162 = tpu.memref_slice %arg5[%squeeze3A_157, %dma_start3A_161] : memref<1000000x64xf32, #tpu.memory_space<hbm>> -> memref<1x64xf32, #tpu.memory_space<hbm>>
        %dma_start3A_163 = tpu.memref_squeeze %dma_start3A_162 : memref<1x64xf32, #tpu.memory_space<hbm>> -> memref<64xf32, #tpu.memory_space<hbm>>
        %dma_start3A_164 = arith.constant 0 : i32
        %dma_start3A_165 = tpu.memref_slice %arg11[%add3A_155, %dma_start3A_164] : memref<128x64xf32, #tpu.memory_space<vmem>> -> memref<1x64xf32, #tpu.memory_space<vmem>>
        %dma_start3A_166 = tpu.memref_squeeze %dma_start3A_165 : memref<1x64xf32, #tpu.memory_space<vmem>> -> memref<64xf32, #tpu.memory_space<vmem>>
        %dma_start3A_167 = arith.constant 0 : i32
        %dma_start3A_168 = tpu.memref_slice %arg5[%squeeze3A_157, %dma_start3A_167] : memref<1000000x64xf32, #tpu.memory_space<hbm>> -> memref<1x64xf32, #tpu.memory_space<hbm>>
        %dma_start3A_169 = tpu.memref_squeeze %dma_start3A_168 : memref<1x64xf32, #tpu.memory_space<hbm>> -> memref<64xf32, #tpu.memory_space<hbm>>
        tpu.enqueue_dma source(%dma_start3A_169 : memref<64xf32, #tpu.memory_space<hbm>>) target(%dma_start3A_166 : memref<64xf32, #tpu.memory_space<vmem>>) target_semaphore(%arg18 : memref<!tpu.dma_semaphore, #tpu.memory_space<semaphore_mem>>)
        %slice3A_170 = vector.extract_strided_slice %get3A_74 {offsets = [1], sizes = [1], strides = [1]} : vector<16xi32> to vector<1xi32>
        %squeeze3A_171 = vector.extract %slice3A_170[0] : i32 from vector<1xi32>
        %dma_start3A_172 = arith.constant 0 : i32
        %dma_start3A_173 = tpu.memref_slice %arg12[%add3A_155, %dma_start3A_172] : memref<128x64xf32, #tpu.memory_space<vmem>> -> memref<1x64xf32, #tpu.memory_space<vmem>>
        %dma_start3A_174 = tpu.memref_squeeze %dma_start3A_173 : memref<1x64xf32, #tpu.memory_space<vmem>> -> memref<64xf32, #tpu.memory_space<vmem>>
        %dma_start3A_175 = arith.constant 0 : i32
        %dma_start3A_176 = tpu.memref_slice %arg5[%squeeze3A_171, %dma_start3A_175] : memref<1000000x64xf32, #tpu.memory_space<hbm>> -> memref<1x64xf32, #tpu.memory_space<hbm>>
        %dma_start3A_177 = tpu.memref_squeeze %dma_start3A_176 : memref<1x64xf32, #tpu.memory_space<hbm>> -> memref<64xf32, #tpu.memory_space<hbm>>
        %dma_start3A_178 = arith.constant 0 : i32
        %dma_start3A_179 = tpu.memref_slice %arg12[%add3A_155, %dma_start3A_178] : memref<128x64xf32, #tpu.memory_space<vmem>> -> memref<1x64xf32, #tpu.memory_space<vmem>>
        %dma_start3A_180 = tpu.memref_squeeze %dma_start3A_179 : memref<1x64xf32, #tpu.memory_space<vmem>> -> memref<64xf32, #tpu.memory_space<vmem>>
        %dma_start3A_181 = arith.constant 0 : i32
        %dma_start3A_182 = tpu.memref_slice %arg5[%squeeze3A_171, %dma_start3A_181] : memref<1000000x64xf32, #tpu.memory_space<hbm>> -> memref<1x64xf32, #tpu.memory_space<hbm>>
        %dma_start3A_183 = tpu.memref_squeeze %dma_start3A_182 : memref<1x64xf32, #tpu.memory_space<hbm>> -> memref<64xf32, #tpu.memory_space<hbm>>
        tpu.enqueue_dma source(%dma_start3A_183 : memref<64xf32, #tpu.memory_space<hbm>>) target(%dma_start3A_180 : memref<64xf32, #tpu.memory_space<vmem>>) target_semaphore(%arg18 : memref<!tpu.dma_semaphore, #tpu.memory_space<semaphore_mem>>)
        %slice3A_184 = vector.extract_strided_slice %get3A_78 {offsets = [1], sizes = [1], strides = [1]} : vector<16xi32> to vector<1xi32>
        %squeeze3A_185 = vector.extract %slice3A_184[0] : i32 from vector<1xi32>
        %dma_start3A_186 = arith.constant 0 : i32
        %dma_start3A_187 = tpu.memref_slice %arg13[%add3A_155, %dma_start3A_186] : memref<128x64xf32, #tpu.memory_space<vmem>> -> memref<1x64xf32, #tpu.memory_space<vmem>>
        %dma_start3A_188 = tpu.memref_squeeze %dma_start3A_187 : memref<1x64xf32, #tpu.memory_space<vmem>> -> memref<64xf32, #tpu.memory_space<vmem>>
        %dma_start3A_189 = arith.constant 0 : i32
        %dma_start3A_190 = tpu.memref_slice %arg5[%squeeze3A_185, %dma_start3A_189] : memref<1000000x64xf32, #tpu.memory_space<hbm>> -> memref<1x64xf32, #tpu.memory_space<hbm>>
        %dma_start3A_191 = tpu.memref_squeeze %dma_start3A_190 : memref<1x64xf32, #tpu.memory_space<hbm>> -> memref<64xf32, #tpu.memory_space<hbm>>
        %dma_start3A_192 = arith.constant 0 : i32
        %dma_start3A_193 = tpu.memref_slice %arg13[%add3A_155, %dma_start3A_192] : memref<128x64xf32, #tpu.memory_space<vmem>> -> memref<1x64xf32, #tpu.memory_space<vmem>>
        %dma_start3A_194 = tpu.memref_squeeze %dma_start3A_193 : memref<1x64xf32, #tpu.memory_space<vmem>> -> memref<64xf32, #tpu.memory_space<vmem>>
        %dma_start3A_195 = arith.constant 0 : i32
        %dma_start3A_196 = tpu.memref_slice %arg5[%squeeze3A_185, %dma_start3A_195] : memref<1000000x64xf32, #tpu.memory_space<hbm>> -> memref<1x64xf32, #tpu.memory_space<hbm>>
        %dma_start3A_197 = tpu.memref_squeeze %dma_start3A_196 : memref<1x64xf32, #tpu.memory_space<hbm>> -> memref<64xf32, #tpu.memory_space<hbm>>
        tpu.enqueue_dma source(%dma_start3A_197 : memref<64xf32, #tpu.memory_space<hbm>>) target(%dma_start3A_194 : memref<64xf32, #tpu.memory_space<vmem>>) target_semaphore(%arg18 : memref<!tpu.dma_semaphore, #tpu.memory_space<semaphore_mem>>)
        %slice3A_198 = vector.extract_strided_slice %get3A_82 {offsets = [1], sizes = [1], strides = [1]} : vector<16xi32> to vector<1xi32>
        %squeeze3A_199 = vector.extract %slice3A_198[0] : i32 from vector<1xi32>
        %dma_start3A_200 = arith.constant 0 : i32
        %dma_start3A_201 = tpu.memref_slice %arg14[%add3A_155, %dma_start3A_200] : memref<128x64xf32, #tpu.memory_space<vmem>> -> memref<1x64xf32, #tpu.memory_space<vmem>>
        %dma_start3A_202 = tpu.memref_squeeze %dma_start3A_201 : memref<1x64xf32, #tpu.memory_space<vmem>> -> memref<64xf32, #tpu.memory_space<vmem>>
        %dma_start3A_203 = arith.constant 0 : i32
        %dma_start3A_204 = tpu.memref_slice %arg5[%squeeze3A_199, %dma_start3A_203] : memref<1000000x64xf32, #tpu.memory_space<hbm>> -> memref<1x64xf32, #tpu.memory_space<hbm>>
        %dma_start3A_205 = tpu.memref_squeeze %dma_start3A_204 : memref<1x64xf32, #tpu.memory_space<hbm>> -> memref<64xf32, #tpu.memory_space<hbm>>
        %dma_start3A_206 = arith.constant 0 : i32
        %dma_start3A_207 = tpu.memref_slice %arg14[%add3A_155, %dma_start3A_206] : memref<128x64xf32, #tpu.memory_space<vmem>> -> memref<1x64xf32, #tpu.memory_space<vmem>>
        %dma_start3A_208 = tpu.memref_squeeze %dma_start3A_207 : memref<1x64xf32, #tpu.memory_space<vmem>> -> memref<64xf32, #tpu.memory_space<vmem>>
        %dma_start3A_209 = arith.constant 0 : i32
        %dma_start3A_210 = tpu.memref_slice %arg5[%squeeze3A_199, %dma_start3A_209] : memref<1000000x64xf32, #tpu.memory_space<hbm>> -> memref<1x64xf32, #tpu.memory_space<hbm>>
        %dma_start3A_211 = tpu.memref_squeeze %dma_start3A_210 : memref<1x64xf32, #tpu.memory_space<hbm>> -> memref<64xf32, #tpu.memory_space<hbm>>
        tpu.enqueue_dma source(%dma_start3A_211 : memref<64xf32, #tpu.memory_space<hbm>>) target(%dma_start3A_208 : memref<64xf32, #tpu.memory_space<vmem>>) target_semaphore(%arg18 : memref<!tpu.dma_semaphore, #tpu.memory_space<semaphore_mem>>)
        %slice3A_212 = vector.extract_strided_slice %get3A_84 {offsets = [1], sizes = [1], strides = [1]} : vector<16xi32> to vector<1xi32>
        %squeeze3A_213 = vector.extract %slice3A_212[0] : i32 from vector<1xi32>
        %dma_start3A_214 = arith.constant 0 : i32
        %dma_start3A_215 = tpu.memref_slice %arg15[%add3A_155, %dma_start3A_214] : memref<128x64xf32, #tpu.memory_space<vmem>> -> memref<1x64xf32, #tpu.memory_space<vmem>>
        %dma_start3A_216 = tpu.memref_squeeze %dma_start3A_215 : memref<1x64xf32, #tpu.memory_space<vmem>> -> memref<64xf32, #tpu.memory_space<vmem>>
        %dma_start3A_217 = arith.constant 0 : i32
        %dma_start3A_218 = tpu.memref_slice %arg6[%squeeze3A_213, %dma_start3A_217] : memref<1000x64xf32, #tpu.memory_space<hbm>> -> memref<1x64xf32, #tpu.memory_space<hbm>>
        %dma_start3A_219 = tpu.memref_squeeze %dma_start3A_218 : memref<1x64xf32, #tpu.memory_space<hbm>> -> memref<64xf32, #tpu.memory_space<hbm>>
        %dma_start3A_220 = arith.constant 0 : i32
        %dma_start3A_221 = tpu.memref_slice %arg15[%add3A_155, %dma_start3A_220] : memref<128x64xf32, #tpu.memory_space<vmem>> -> memref<1x64xf32, #tpu.memory_space<vmem>>
        %dma_start3A_222 = tpu.memref_squeeze %dma_start3A_221 : memref<1x64xf32, #tpu.memory_space<vmem>> -> memref<64xf32, #tpu.memory_space<vmem>>
        %dma_start3A_223 = arith.constant 0 : i32
        %dma_start3A_224 = tpu.memref_slice %arg6[%squeeze3A_213, %dma_start3A_223] : memref<1000x64xf32, #tpu.memory_space<hbm>> -> memref<1x64xf32, #tpu.memory_space<hbm>>
        %dma_start3A_225 = tpu.memref_squeeze %dma_start3A_224 : memref<1x64xf32, #tpu.memory_space<hbm>> -> memref<64xf32, #tpu.memory_space<hbm>>
        tpu.enqueue_dma source(%dma_start3A_225 : memref<64xf32, #tpu.memory_space<hbm>>) target(%dma_start3A_222 : memref<64xf32, #tpu.memory_space<vmem>>) target_semaphore(%arg18 : memref<!tpu.dma_semaphore, #tpu.memory_space<semaphore_mem>>)
        %add3A_226 = arith.constant 2 : i32
        %add3A_227 = arith.addi %mul3A_67, %add3A_226 : i32
        %slice3A_228 = vector.extract_strided_slice %get3A_70 {offsets = [2], sizes = [1], strides = [1]} : vector<16xi32> to vector<1xi32>
        %squeeze3A_229 = vector.extract %slice3A_228[0] : i32 from vector<1xi32>
        %dma_start3A_230 = arith.constant 0 : i32
        %dma_start3A_231 = tpu.memref_slice %arg11[%add3A_227, %dma_start3A_230] : memref<128x64xf32, #tpu.memory_space<vmem>> -> memref<1x64xf32, #tpu.memory_space<vmem>>
        %dma_start3A_232 = tpu.memref_squeeze %dma_start3A_231 : memref<1x64xf32, #tpu.memory_space<vmem>> -> memref<64xf32, #tpu.memory_space<vmem>>
        %dma_start3A_233 = arith.constant 0 : i32
        %dma_start3A_234 = tpu.memref_slice %arg5[%squeeze3A_229, %dma_start3A_233] : memref<1000000x64xf32, #tpu.memory_space<hbm>> -> memref<1x64xf32, #tpu.memory_space<hbm>>
        %dma_start3A_235 = tpu.memref_squeeze %dma_start3A_234 : memref<1x64xf32, #tpu.memory_space<hbm>> -> memref<64xf32, #tpu.memory_space<hbm>>
        %dma_start3A_236 = arith.constant 0 : i32
        %dma_start3A_237 = tpu.memref_slice %arg11[%add3A_227, %dma_start3A_236] : memref<128x64xf32, #tpu.memory_space<vmem>> -> memref<1x64xf32, #tpu.memory_space<vmem>>
        %dma_start3A_238 = tpu.memref_squeeze %dma_start3A_237 : memref<1x64xf32, #tpu.memory_space<vmem>> -> memref<64xf32, #tpu.memory_space<vmem>>
        %dma_start3A_239 = arith.constant 0 : i32
        %dma_start3A_240 = tpu.memref_slice %arg5[%squeeze3A_229, %dma_start3A_239] : memref<1000000x64xf32, #tpu.memory_space<hbm>> -> memref<1x64xf32, #tpu.memory_space<hbm>>
        %dma_start3A_241 = tpu.memref_squeeze %dma_start3A_240 : memref<1x64xf32, #tpu.memory_space<hbm>> -> memref<64xf32, #tpu.memory_space<hbm>>
        tpu.enqueue_dma source(%dma_start3A_241 : memref<64xf32, #tpu.memory_space<hbm>>) target(%dma_start3A_238 : memref<64xf32, #tpu.memory_space<vmem>>) target_semaphore(%arg18 : memref<!tpu.dma_semaphore, #tpu.memory_space<semaphore_mem>>)
        %slice3A_242 = vector.extract_strided_slice %get3A_74 {offsets = [2], sizes = [1], strides = [1]} : vector<16xi32> to vector<1xi32>
        %squeeze3A_243 = vector.extract %slice3A_242[0] : i32 from vector<1xi32>
        %dma_start3A_244 = arith.constant 0 : i32
        %dma_start3A_245 = tpu.memref_slice %arg12[%add3A_227, %dma_start3A_244] : memref<128x64xf32, #tpu.memory_space<vmem>> -> memref<1x64xf32, #tpu.memory_space<vmem>>
        %dma_start3A_246 = tpu.memref_squeeze %dma_start3A_245 : memref<1x64xf32, #tpu.memory_space<vmem>> -> memref<64xf32, #tpu.memory_space<vmem>>
        %dma_start3A_247 = arith.constant 0 : i32
        %dma_start3A_248 = tpu.memref_slice %arg5[%squeeze3A_243, %dma_start3A_247] : memref<1000000x64xf32, #tpu.memory_space<hbm>> -> memref<1x64xf32, #tpu.memory_space<hbm>>
        %dma_start3A_249 = tpu.memref_squeeze %dma_start3A_248 : memref<1x64xf32, #tpu.memory_space<hbm>> -> memref<64xf32, #tpu.memory_space<hbm>>
        %dma_start3A_250 = arith.constant 0 : i32
        %dma_start3A_251 = tpu.memref_slice %arg12[%add3A_227, %dma_start3A_250] : memref<128x64xf32, #tpu.memory_space<vmem>> -> memref<1x64xf32, #tpu.memory_space<vmem>>
        %dma_start3A_252 = tpu.memref_squeeze %dma_start3A_251 : memref<1x64xf32, #tpu.memory_space<vmem>> -> memref<64xf32, #tpu.memory_space<vmem>>
        %dma_start3A_253 = arith.constant 0 : i32
        %dma_start3A_254 = tpu.memref_slice %arg5[%squeeze3A_243, %dma_start3A_253] : memref<1000000x64xf32, #tpu.memory_space<hbm>> -> memref<1x64xf32, #tpu.memory_space<hbm>>
        %dma_start3A_255 = tpu.memref_squeeze %dma_start3A_254 : memref<1x64xf32, #tpu.memory_space<hbm>> -> memref<64xf32, #tpu.memory_space<hbm>>
        tpu.enqueue_dma source(%dma_start3A_255 : memref<64xf32, #tpu.memory_space<hbm>>) target(%dma_start3A_252 : memref<64xf32, #tpu.memory_space<vmem>>) target_semaphore(%arg18 : memref<!tpu.dma_semaphore, #tpu.memory_space<semaphore_mem>>)
        %slice3A_256 = vector.extract_strided_slice %get3A_78 {offsets = [2], sizes = [1], strides = [1]} : vector<16xi32> to vector<1xi32>
        %squeeze3A_257 = vector.extract %slice3A_256[0] : i32 from vector<1xi32>
        %dma_start3A_258 = arith.constant 0 : i32
        %dma_start3A_259 = tpu.memref_slice %arg13[%add3A_227, %dma_start3A_258] : memref<128x64xf32, #tpu.memory_space<vmem>> -> memref<1x64xf32, #tpu.memory_space<vmem>>
        %dma_start3A_260 = tpu.memref_squeeze %dma_start3A_259 : memref<1x64xf32, #tpu.memory_space<vmem>> -> memref<64xf32, #tpu.memory_space<vmem>>
        %dma_start3A_261 = arith.constant 0 : i32
        %dma_start3A_262 = tpu.memref_slice %arg5[%squeeze3A_257, %dma_start3A_261] : memref<1000000x64xf32, #tpu.memory_space<hbm>> -> memref<1x64xf32, #tpu.memory_space<hbm>>
        %dma_start3A_263 = tpu.memref_squeeze %dma_start3A_262 : memref<1x64xf32, #tpu.memory_space<hbm>> -> memref<64xf32, #tpu.memory_space<hbm>>
        %dma_start3A_264 = arith.constant 0 : i32
        %dma_start3A_265 = tpu.memref_slice %arg13[%add3A_227, %dma_start3A_264] : memref<128x64xf32, #tpu.memory_space<vmem>> -> memref<1x64xf32, #tpu.memory_space<vmem>>
        %dma_start3A_266 = tpu.memref_squeeze %dma_start3A_265 : memref<1x64xf32, #tpu.memory_space<vmem>> -> memref<64xf32, #tpu.memory_space<vmem>>
        %dma_start3A_267 = arith.constant 0 : i32
        %dma_start3A_268 = tpu.memref_slice %arg5[%squeeze3A_257, %dma_start3A_267] : memref<1000000x64xf32, #tpu.memory_space<hbm>> -> memref<1x64xf32, #tpu.memory_space<hbm>>
        %dma_start3A_269 = tpu.memref_squeeze %dma_start3A_268 : memref<1x64xf32, #tpu.memory_space<hbm>> -> memref<64xf32, #tpu.memory_space<hbm>>
        tpu.enqueue_dma source(%dma_start3A_269 : memref<64xf32, #tpu.memory_space<hbm>>) target(%dma_start3A_266 : memref<64xf32, #tpu.memory_space<vmem>>) target_semaphore(%arg18 : memref<!tpu.dma_semaphore, #tpu.memory_space<semaphore_mem>>)
        %slice3A_270 = vector.extract_strided_slice %get3A_82 {offsets = [2], sizes = [1], strides = [1]} : vector<16xi32> to vector<1xi32>
        %squeeze3A_271 = vector.extract %slice3A_270[0] : i32 from vector<1xi32>
        %dma_start3A_272 = arith.constant 0 : i32
        %dma_start3A_273 = tpu.memref_slice %arg14[%add3A_227, %dma_start3A_272] : memref<128x64xf32, #tpu.memory_space<vmem>> -> memref<1x64xf32, #tpu.memory_space<vmem>>
        %dma_start3A_274 = tpu.memref_squeeze %dma_start3A_273 : memref<1x64xf32, #tpu.memory_space<vmem>> -> memref<64xf32, #tpu.memory_space<vmem>>
        %dma_start3A_275 = arith.constant 0 : i32
        %dma_start3A_276 = tpu.memref_slice %arg5[%squeeze3A_271, %dma_start3A_275] : memref<1000000x64xf32, #tpu.memory_space<hbm>> -> memref<1x64xf32, #tpu.memory_space<hbm>>
        %dma_start3A_277 = tpu.memref_squeeze %dma_start3A_276 : memref<1x64xf32, #tpu.memory_space<hbm>> -> memref<64xf32, #tpu.memory_space<hbm>>
        %dma_start3A_278 = arith.constant 0 : i32
        %dma_start3A_279 = tpu.memref_slice %arg14[%add3A_227, %dma_start3A_278] : memref<128x64xf32, #tpu.memory_space<vmem>> -> memref<1x64xf32, #tpu.memory_space<vmem>>
        %dma_start3A_280 = tpu.memref_squeeze %dma_start3A_279 : memref<1x64xf32, #tpu.memory_space<vmem>> -> memref<64xf32, #tpu.memory_space<vmem>>
        %dma_start3A_281 = arith.constant 0 : i32
        %dma_start3A_282 = tpu.memref_slice %arg5[%squeeze3A_271, %dma_start3A_281] : memref<1000000x64xf32, #tpu.memory_space<hbm>> -> memref<1x64xf32, #tpu.memory_space<hbm>>
        %dma_start3A_283 = tpu.memref_squeeze %dma_start3A_282 : memref<1x64xf32, #tpu.memory_space<hbm>> -> memref<64xf32, #tpu.memory_space<hbm>>
        tpu.enqueue_dma source(%dma_start3A_283 : memref<64xf32, #tpu.memory_space<hbm>>) target(%dma_start3A_280 : memref<64xf32, #tpu.memory_space<vmem>>) target_semaphore(%arg18 : memref<!tpu.dma_semaphore, #tpu.memory_space<semaphore_mem>>)
        %slice3A_284 = vector.extract_strided_slice %get3A_84 {offsets = [2], sizes = [1], strides = [1]} : vector<16xi32> to vector<1xi32>
        %squeeze3A_285 = vector.extract %slice3A_284[0] : i32 from vector<1xi32>
        %dma_start3A_286 = arith.constant 0 : i32
        %dma_start3A_287 = tpu.memref_slice %arg15[%add3A_227, %dma_start3A_286] : memref<128x64xf32, #tpu.memory_space<vmem>> -> memref<1x64xf32, #tpu.memory_space<vmem>>
        %dma_start3A_288 = tpu.memref_squeeze %dma_start3A_287 : memref<1x64xf32, #tpu.memory_space<vmem>> -> memref<64xf32, #tpu.memory_space<vmem>>
        %dma_start3A_289 = arith.constant 0 : i32
        %dma_start3A_290 = tpu.memref_slice %arg6[%squeeze3A_285, %dma_start3A_289] : memref<1000x64xf32, #tpu.memory_space<hbm>> -> memref<1x64xf32, #tpu.memory_space<hbm>>
        %dma_start3A_291 = tpu.memref_squeeze %dma_start3A_290 : memref<1x64xf32, #tpu.memory_space<hbm>> -> memref<64xf32, #tpu.memory_space<hbm>>
        %dma_start3A_292 = arith.constant 0 : i32
        %dma_start3A_293 = tpu.memref_slice %arg15[%add3A_227, %dma_start3A_292] : memref<128x64xf32, #tpu.memory_space<vmem>> -> memref<1x64xf32, #tpu.memory_space<vmem>>
        %dma_start3A_294 = tpu.memref_squeeze %dma_start3A_293 : memref<1x64xf32, #tpu.memory_space<vmem>> -> memref<64xf32, #tpu.memory_space<vmem>>
        %dma_start3A_295 = arith.constant 0 : i32
        %dma_start3A_296 = tpu.memref_slice %arg6[%squeeze3A_285, %dma_start3A_295] : memref<1000x64xf32, #tpu.memory_space<hbm>> -> memref<1x64xf32, #tpu.memory_space<hbm>>
        %dma_start3A_297 = tpu.memref_squeeze %dma_start3A_296 : memref<1x64xf32, #tpu.memory_space<hbm>> -> memref<64xf32, #tpu.memory_space<hbm>>
        tpu.enqueue_dma source(%dma_start3A_297 : memref<64xf32, #tpu.memory_space<hbm>>) target(%dma_start3A_294 : memref<64xf32, #tpu.memory_space<vmem>>) target_semaphore(%arg18 : memref<!tpu.dma_semaphore, #tpu.memory_space<semaphore_mem>>)
        %add3A_298 = arith.constant 3 : i32
        %add3A_299 = arith.addi %mul3A_67, %add3A_298 : i32
        %slice3A_300 = vector.extract_strided_slice %get3A_70 {offsets = [3], sizes = [1], strides = [1]} : vector<16xi32> to vector<1xi32>
        %squeeze3A_301 = vector.extract %slice3A_300[0] : i32 from vector<1xi32>
        %dma_start3A_302 = arith.constant 0 : i32
        %dma_start3A_303 = tpu.memref_slice %arg11[%add3A_299, %dma_start3A_302] : memref<128x64xf32, #tpu.memory_space<vmem>> -> memref<1x64xf32, #tpu.memory_space<vmem>>
        %dma_start3A_304 = tpu.memref_squeeze %dma_start3A_303 : memref<1x64xf32, #tpu.memory_space<vmem>> -> memref<64xf32, #tpu.memory_space<vmem>>
        %dma_start3A_305 = arith.constant 0 : i32
        %dma_start3A_306 = tpu.memref_slice %arg5[%squeeze3A_301, %dma_start3A_305] : memref<1000000x64xf32, #tpu.memory_space<hbm>> -> memref<1x64xf32, #tpu.memory_space<hbm>>
        %dma_start3A_307 = tpu.memref_squeeze %dma_start3A_306 : memref<1x64xf32, #tpu.memory_space<hbm>> -> memref<64xf32, #tpu.memory_space<hbm>>
        %dma_start3A_308 = arith.constant 0 : i32
        %dma_start3A_309 = tpu.memref_slice %arg11[%add3A_299, %dma_start3A_308] : memref<128x64xf32, #tpu.memory_space<vmem>> -> memref<1x64xf32, #tpu.memory_space<vmem>>
        %dma_start3A_310 = tpu.memref_squeeze %dma_start3A_309 : memref<1x64xf32, #tpu.memory_space<vmem>> -> memref<64xf32, #tpu.memory_space<vmem>>
        %dma_start3A_311 = arith.constant 0 : i32
        %dma_start3A_312 = tpu.memref_slice %arg5[%squeeze3A_301, %dma_start3A_311] : memref<1000000x64xf32, #tpu.memory_space<hbm>> -> memref<1x64xf32, #tpu.memory_space<hbm>>
        %dma_start3A_313 = tpu.memref_squeeze %dma_start3A_312 : memref<1x64xf32, #tpu.memory_space<hbm>> -> memref<64xf32, #tpu.memory_space<hbm>>
        tpu.enqueue_dma source(%dma_start3A_313 : memref<64xf32, #tpu.memory_space<hbm>>) target(%dma_start3A_310 : memref<64xf32, #tpu.memory_space<vmem>>) target_semaphore(%arg18 : memref<!tpu.dma_semaphore, #tpu.memory_space<semaphore_mem>>)
        %slice3A_314 = vector.extract_strided_slice %get3A_74 {offsets = [3], sizes = [1], strides = [1]} : vector<16xi32> to vector<1xi32>
        %squeeze3A_315 = vector.extract %slice3A_314[0] : i32 from vector<1xi32>
        %dma_start3A_316 = arith.constant 0 : i32
        %dma_start3A_317 = tpu.memref_slice %arg12[%add3A_299, %dma_start3A_316] : memref<128x64xf32, #tpu.memory_space<vmem>> -> memref<1x64xf32, #tpu.memory_space<vmem>>
        %dma_start3A_318 = tpu.memref_squeeze %dma_start3A_317 : memref<1x64xf32, #tpu.memory_space<vmem>> -> memref<64xf32, #tpu.memory_space<vmem>>
        %dma_start3A_319 = arith.constant 0 : i32
        %dma_start3A_320 = tpu.memref_slice %arg5[%squeeze3A_315, %dma_start3A_319] : memref<1000000x64xf32, #tpu.memory_space<hbm>> -> memref<1x64xf32, #tpu.memory_space<hbm>>
        %dma_start3A_321 = tpu.memref_squeeze %dma_start3A_320 : memref<1x64xf32, #tpu.memory_space<hbm>> -> memref<64xf32, #tpu.memory_space<hbm>>
        %dma_start3A_322 = arith.constant 0 : i32
        %dma_start3A_323 = tpu.memref_slice %arg12[%add3A_299, %dma_start3A_322] : memref<128x64xf32, #tpu.memory_space<vmem>> -> memref<1x64xf32, #tpu.memory_space<vmem>>
        %dma_start3A_324 = tpu.memref_squeeze %dma_start3A_323 : memref<1x64xf32, #tpu.memory_space<vmem>> -> memref<64xf32, #tpu.memory_space<vmem>>
        %dma_start3A_325 = arith.constant 0 : i32
        %dma_start3A_326 = tpu.memref_slice %arg5[%squeeze3A_315, %dma_start3A_325] : memref<1000000x64xf32, #tpu.memory_space<hbm>> -> memref<1x64xf32, #tpu.memory_space<hbm>>
        %dma_start3A_327 = tpu.memref_squeeze %dma_start3A_326 : memref<1x64xf32, #tpu.memory_space<hbm>> -> memref<64xf32, #tpu.memory_space<hbm>>
        tpu.enqueue_dma source(%dma_start3A_327 : memref<64xf32, #tpu.memory_space<hbm>>) target(%dma_start3A_324 : memref<64xf32, #tpu.memory_space<vmem>>) target_semaphore(%arg18 : memref<!tpu.dma_semaphore, #tpu.memory_space<semaphore_mem>>)
        %slice3A_328 = vector.extract_strided_slice %get3A_78 {offsets = [3], sizes = [1], strides = [1]} : vector<16xi32> to vector<1xi32>
        %squeeze3A_329 = vector.extract %slice3A_328[0] : i32 from vector<1xi32>
        %dma_start3A_330 = arith.constant 0 : i32
        %dma_start3A_331 = tpu.memref_slice %arg13[%add3A_299, %dma_start3A_330] : memref<128x64xf32, #tpu.memory_space<vmem>> -> memref<1x64xf32, #tpu.memory_space<vmem>>
        %dma_start3A_332 = tpu.memref_squeeze %dma_start3A_331 : memref<1x64xf32, #tpu.memory_space<vmem>> -> memref<64xf32, #tpu.memory_space<vmem>>
        %dma_start3A_333 = arith.constant 0 : i32
        %dma_start3A_334 = tpu.memref_slice %arg5[%squeeze3A_329, %dma_start3A_333] : memref<1000000x64xf32, #tpu.memory_space<hbm>> -> memref<1x64xf32, #tpu.memory_space<hbm>>
        %dma_start3A_335 = tpu.memref_squeeze %dma_start3A_334 : memref<1x64xf32, #tpu.memory_space<hbm>> -> memref<64xf32, #tpu.memory_space<hbm>>
        %dma_start3A_336 = arith.constant 0 : i32
        %dma_start3A_337 = tpu.memref_slice %arg13[%add3A_299, %dma_start3A_336] : memref<128x64xf32, #tpu.memory_space<vmem>> -> memref<1x64xf32, #tpu.memory_space<vmem>>
        %dma_start3A_338 = tpu.memref_squeeze %dma_start3A_337 : memref<1x64xf32, #tpu.memory_space<vmem>> -> memref<64xf32, #tpu.memory_space<vmem>>
        %dma_start3A_339 = arith.constant 0 : i32
        %dma_start3A_340 = tpu.memref_slice %arg5[%squeeze3A_329, %dma_start3A_339] : memref<1000000x64xf32, #tpu.memory_space<hbm>> -> memref<1x64xf32, #tpu.memory_space<hbm>>
        %dma_start3A_341 = tpu.memref_squeeze %dma_start3A_340 : memref<1x64xf32, #tpu.memory_space<hbm>> -> memref<64xf32, #tpu.memory_space<hbm>>
        tpu.enqueue_dma source(%dma_start3A_341 : memref<64xf32, #tpu.memory_space<hbm>>) target(%dma_start3A_338 : memref<64xf32, #tpu.memory_space<vmem>>) target_semaphore(%arg18 : memref<!tpu.dma_semaphore, #tpu.memory_space<semaphore_mem>>)
        %slice3A_342 = vector.extract_strided_slice %get3A_82 {offsets = [3], sizes = [1], strides = [1]} : vector<16xi32> to vector<1xi32>
        %squeeze3A_343 = vector.extract %slice3A_342[0] : i32 from vector<1xi32>
        %dma_start3A_344 = arith.constant 0 : i32
        %dma_start3A_345 = tpu.memref_slice %arg14[%add3A_299, %dma_start3A_344] : memref<128x64xf32, #tpu.memory_space<vmem>> -> memref<1x64xf32, #tpu.memory_space<vmem>>
        %dma_start3A_346 = tpu.memref_squeeze %dma_start3A_345 : memref<1x64xf32, #tpu.memory_space<vmem>> -> memref<64xf32, #tpu.memory_space<vmem>>
        %dma_start3A_347 = arith.constant 0 : i32
        %dma_start3A_348 = tpu.memref_slice %arg5[%squeeze3A_343, %dma_start3A_347] : memref<1000000x64xf32, #tpu.memory_space<hbm>> -> memref<1x64xf32, #tpu.memory_space<hbm>>
        %dma_start3A_349 = tpu.memref_squeeze %dma_start3A_348 : memref<1x64xf32, #tpu.memory_space<hbm>> -> memref<64xf32, #tpu.memory_space<hbm>>
        %dma_start3A_350 = arith.constant 0 : i32
        %dma_start3A_351 = tpu.memref_slice %arg14[%add3A_299, %dma_start3A_350] : memref<128x64xf32, #tpu.memory_space<vmem>> -> memref<1x64xf32, #tpu.memory_space<vmem>>
        %dma_start3A_352 = tpu.memref_squeeze %dma_start3A_351 : memref<1x64xf32, #tpu.memory_space<vmem>> -> memref<64xf32, #tpu.memory_space<vmem>>
        %dma_start3A_353 = arith.constant 0 : i32
        %dma_start3A_354 = tpu.memref_slice %arg5[%squeeze3A_343, %dma_start3A_353] : memref<1000000x64xf32, #tpu.memory_space<hbm>> -> memref<1x64xf32, #tpu.memory_space<hbm>>
        %dma_start3A_355 = tpu.memref_squeeze %dma_start3A_354 : memref<1x64xf32, #tpu.memory_space<hbm>> -> memref<64xf32, #tpu.memory_space<hbm>>
        tpu.enqueue_dma source(%dma_start3A_355 : memref<64xf32, #tpu.memory_space<hbm>>) target(%dma_start3A_352 : memref<64xf32, #tpu.memory_space<vmem>>) target_semaphore(%arg18 : memref<!tpu.dma_semaphore, #tpu.memory_space<semaphore_mem>>)
        %slice3A_356 = vector.extract_strided_slice %get3A_84 {offsets = [3], sizes = [1], strides = [1]} : vector<16xi32> to vector<1xi32>
        %squeeze3A_357 = vector.extract %slice3A_356[0] : i32 from vector<1xi32>
        %dma_start3A_358 = arith.constant 0 : i32
        %dma_start3A_359 = tpu.memref_slice %arg15[%add3A_299, %dma_start3A_358] : memref<128x64xf32, #tpu.memory_space<vmem>> -> memref<1x64xf32, #tpu.memory_space<vmem>>
        %dma_start3A_360 = tpu.memref_squeeze %dma_start3A_359 : memref<1x64xf32, #tpu.memory_space<vmem>> -> memref<64xf32, #tpu.memory_space<vmem>>
        %dma_start3A_361 = arith.constant 0 : i32
        %dma_start3A_362 = tpu.memref_slice %arg6[%squeeze3A_357, %dma_start3A_361] : memref<1000x64xf32, #tpu.memory_space<hbm>> -> memref<1x64xf32, #tpu.memory_space<hbm>>
        %dma_start3A_363 = tpu.memref_squeeze %dma_start3A_362 : memref<1x64xf32, #tpu.memory_space<hbm>> -> memref<64xf32, #tpu.memory_space<hbm>>
        %dma_start3A_364 = arith.constant 0 : i32
        %dma_start3A_365 = tpu.memref_slice %arg15[%add3A_299, %dma_start3A_364] : memref<128x64xf32, #tpu.memory_space<vmem>> -> memref<1x64xf32, #tpu.memory_space<vmem>>
        %dma_start3A_366 = tpu.memref_squeeze %dma_start3A_365 : memref<1x64xf32, #tpu.memory_space<vmem>> -> memref<64xf32, #tpu.memory_space<vmem>>
        %dma_start3A_367 = arith.constant 0 : i32
        %dma_start3A_368 = tpu.memref_slice %arg6[%squeeze3A_357, %dma_start3A_367] : memref<1000x64xf32, #tpu.memory_space<hbm>> -> memref<1x64xf32, #tpu.memory_space<hbm>>
        %dma_start3A_369 = tpu.memref_squeeze %dma_start3A_368 : memref<1x64xf32, #tpu.memory_space<hbm>> -> memref<64xf32, #tpu.memory_space<hbm>>
        tpu.enqueue_dma source(%dma_start3A_369 : memref<64xf32, #tpu.memory_space<hbm>>) target(%dma_start3A_366 : memref<64xf32, #tpu.memory_space<vmem>>) target_semaphore(%arg18 : memref<!tpu.dma_semaphore, #tpu.memory_space<semaphore_mem>>)
        %add3A_370 = arith.constant 4 : i32
        %add3A_371 = arith.addi %mul3A_67, %add3A_370 : i32
        %slice3A_372 = vector.extract_strided_slice %get3A_70 {offsets = [4], sizes = [1], strides = [1]} : vector<16xi32> to vector<1xi32>
        %squeeze3A_373 = vector.extract %slice3A_372[0] : i32 from vector<1xi32>
        %dma_start3A_374 = arith.constant 0 : i32
        %dma_start3A_375 = tpu.memref_slice %arg11[%add3A_371, %dma_start3A_374] : memref<128x64xf32, #tpu.memory_space<vmem>> -> memref<1x64xf32, #tpu.memory_space<vmem>>
        %dma_start3A_376 = tpu.memref_squeeze %dma_start3A_375 : memref<1x64xf32, #tpu.memory_space<vmem>> -> memref<64xf32, #tpu.memory_space<vmem>>
        %dma_start3A_377 = arith.constant 0 : i32
        %dma_start3A_378 = tpu.memref_slice %arg5[%squeeze3A_373, %dma_start3A_377] : memref<1000000x64xf32, #tpu.memory_space<hbm>> -> memref<1x64xf32, #tpu.memory_space<hbm>>
        %dma_start3A_379 = tpu.memref_squeeze %dma_start3A_378 : memref<1x64xf32, #tpu.memory_space<hbm>> -> memref<64xf32, #tpu.memory_space<hbm>>
        %dma_start3A_380 = arith.constant 0 : i32
        %dma_start3A_381 = tpu.memref_slice %arg11[%add3A_371, %dma_start3A_380] : memref<128x64xf32, #tpu.memory_space<vmem>> -> memref<1x64xf32, #tpu.memory_space<vmem>>
        %dma_start3A_382 = tpu.memref_squeeze %dma_start3A_381 : memref<1x64xf32, #tpu.memory_space<vmem>> -> memref<64xf32, #tpu.memory_space<vmem>>
        %dma_start3A_383 = arith.constant 0 : i32
        %dma_start3A_384 = tpu.memref_slice %arg5[%squeeze3A_373, %dma_start3A_383] : memref<1000000x64xf32, #tpu.memory_space<hbm>> -> memref<1x64xf32, #tpu.memory_space<hbm>>
        %dma_start3A_385 = tpu.memref_squeeze %dma_start3A_384 : memref<1x64xf32, #tpu.memory_space<hbm>> -> memref<64xf32, #tpu.memory_space<hbm>>
        tpu.enqueue_dma source(%dma_start3A_385 : memref<64xf32, #tpu.memory_space<hbm>>) target(%dma_start3A_382 : memref<64xf32, #tpu.memory_space<vmem>>) target_semaphore(%arg18 : memref<!tpu.dma_semaphore, #tpu.memory_space<semaphore_mem>>)
        %slice3A_386 = vector.extract_strided_slice %get3A_74 {offsets = [4], sizes = [1], strides = [1]} : vector<16xi32> to vector<1xi32>
        %squeeze3A_387 = vector.extract %slice3A_386[0] : i32 from vector<1xi32>
        %dma_start3A_388 = arith.constant 0 : i32
        %dma_start3A_389 = tpu.memref_slice %arg12[%add3A_371, %dma_start3A_388] : memref<128x64xf32, #tpu.memory_space<vmem>> -> memref<1x64xf32, #tpu.memory_space<vmem>>
        %dma_start3A_390 = tpu.memref_squeeze %dma_start3A_389 : memref<1x64xf32, #tpu.memory_space<vmem>> -> memref<64xf32, #tpu.memory_space<vmem>>
        %dma_start3A_391 = arith.constant 0 : i32
        %dma_start3A_392 = tpu.memref_slice %arg5[%squeeze3A_387, %dma_start3A_391] : memref<1000000x64xf32, #tpu.memory_space<hbm>> -> memref<1x64xf32, #tpu.memory_space<hbm>>
        %dma_start3A_393 = tpu.memref_squeeze %dma_start3A_392 : memref<1x64xf32, #tpu.memory_space<hbm>> -> memref<64xf32, #tpu.memory_space<hbm>>
        %dma_start3A_394 = arith.constant 0 : i32
        %dma_start3A_395 = tpu.memref_slice %arg12[%add3A_371, %dma_start3A_394] : memref<128x64xf32, #tpu.memory_space<vmem>> -> memref<1x64xf32, #tpu.memory_space<vmem>>
        %dma_start3A_396 = tpu.memref_squeeze %dma_start3A_395 : memref<1x64xf32, #tpu.memory_space<vmem>> -> memref<64xf32, #tpu.memory_space<vmem>>
        %dma_start3A_397 = arith.constant 0 : i32
        %dma_start3A_398 = tpu.memref_slice %arg5[%squeeze3A_387, %dma_start3A_397] : memref<1000000x64xf32, #tpu.memory_space<hbm>> -> memref<1x64xf32, #tpu.memory_space<hbm>>
        %dma_start3A_399 = tpu.memref_squeeze %dma_start3A_398 : memref<1x64xf32, #tpu.memory_space<hbm>> -> memref<64xf32, #tpu.memory_space<hbm>>
        tpu.enqueue_dma source(%dma_start3A_399 : memref<64xf32, #tpu.memory_space<hbm>>) target(%dma_start3A_396 : memref<64xf32, #tpu.memory_space<vmem>>) target_semaphore(%arg18 : memref<!tpu.dma_semaphore, #tpu.memory_space<semaphore_mem>>)
        %slice3A_400 = vector.extract_strided_slice %get3A_78 {offsets = [4], sizes = [1], strides = [1]} : vector<16xi32> to vector<1xi32>
        %squeeze3A_401 = vector.extract %slice3A_400[0] : i32 from vector<1xi32>
        %dma_start3A_402 = arith.constant 0 : i32
        %dma_start3A_403 = tpu.memref_slice %arg13[%add3A_371, %dma_start3A_402] : memref<128x64xf32, #tpu.memory_space<vmem>> -> memref<1x64xf32, #tpu.memory_space<vmem>>
        %dma_start3A_404 = tpu.memref_squeeze %dma_start3A_403 : memref<1x64xf32, #tpu.memory_space<vmem>> -> memref<64xf32, #tpu.memory_space<vmem>>
        %dma_start3A_405 = arith.constant 0 : i32
        %dma_start3A_406 = tpu.memref_slice %arg5[%squeeze3A_401, %dma_start3A_405] : memref<1000000x64xf32, #tpu.memory_space<hbm>> -> memref<1x64xf32, #tpu.memory_space<hbm>>
        %dma_start3A_407 = tpu.memref_squeeze %dma_start3A_406 : memref<1x64xf32, #tpu.memory_space<hbm>> -> memref<64xf32, #tpu.memory_space<hbm>>
        %dma_start3A_408 = arith.constant 0 : i32
        %dma_start3A_409 = tpu.memref_slice %arg13[%add3A_371, %dma_start3A_408] : memref<128x64xf32, #tpu.memory_space<vmem>> -> memref<1x64xf32, #tpu.memory_space<vmem>>
        %dma_start3A_410 = tpu.memref_squeeze %dma_start3A_409 : memref<1x64xf32, #tpu.memory_space<vmem>> -> memref<64xf32, #tpu.memory_space<vmem>>
        %dma_start3A_411 = arith.constant 0 : i32
        %dma_start3A_412 = tpu.memref_slice %arg5[%squeeze3A_401, %dma_start3A_411] : memref<1000000x64xf32, #tpu.memory_space<hbm>> -> memref<1x64xf32, #tpu.memory_space<hbm>>
        %dma_start3A_413 = tpu.memref_squeeze %dma_start3A_412 : memref<1x64xf32, #tpu.memory_space<hbm>> -> memref<64xf32, #tpu.memory_space<hbm>>
        tpu.enqueue_dma source(%dma_start3A_413 : memref<64xf32, #tpu.memory_space<hbm>>) target(%dma_start3A_410 : memref<64xf32, #tpu.memory_space<vmem>>) target_semaphore(%arg18 : memref<!tpu.dma_semaphore, #tpu.memory_space<semaphore_mem>>)
        %slice3A_414 = vector.extract_strided_slice %get3A_82 {offsets = [4], sizes = [1], strides = [1]} : vector<16xi32> to vector<1xi32>
        %squeeze3A_415 = vector.extract %slice3A_414[0] : i32 from vector<1xi32>
        %dma_start3A_416 = arith.constant 0 : i32
        %dma_start3A_417 = tpu.memref_slice %arg14[%add3A_371, %dma_start3A_416] : memref<128x64xf32, #tpu.memory_space<vmem>> -> memref<1x64xf32, #tpu.memory_space<vmem>>
        %dma_start3A_418 = tpu.memref_squeeze %dma_start3A_417 : memref<1x64xf32, #tpu.memory_space<vmem>> -> memref<64xf32, #tpu.memory_space<vmem>>
        %dma_start3A_419 = arith.constant 0 : i32
        %dma_start3A_420 = tpu.memref_slice %arg5[%squeeze3A_415, %dma_start3A_419] : memref<1000000x64xf32, #tpu.memory_space<hbm>> -> memref<1x64xf32, #tpu.memory_space<hbm>>
        %dma_start3A_421 = tpu.memref_squeeze %dma_start3A_420 : memref<1x64xf32, #tpu.memory_space<hbm>> -> memref<64xf32, #tpu.memory_space<hbm>>
        %dma_start3A_422 = arith.constant 0 : i32
        %dma_start3A_423 = tpu.memref_slice %arg14[%add3A_371, %dma_start3A_422] : memref<128x64xf32, #tpu.memory_space<vmem>> -> memref<1x64xf32, #tpu.memory_space<vmem>>
        %dma_start3A_424 = tpu.memref_squeeze %dma_start3A_423 : memref<1x64xf32, #tpu.memory_space<vmem>> -> memref<64xf32, #tpu.memory_space<vmem>>
        %dma_start3A_425 = arith.constant 0 : i32
        %dma_start3A_426 = tpu.memref_slice %arg5[%squeeze3A_415, %dma_start3A_425] : memref<1000000x64xf32, #tpu.memory_space<hbm>> -> memref<1x64xf32, #tpu.memory_space<hbm>>
        %dma_start3A_427 = tpu.memref_squeeze %dma_start3A_426 : memref<1x64xf32, #tpu.memory_space<hbm>> -> memref<64xf32, #tpu.memory_space<hbm>>
        tpu.enqueue_dma source(%dma_start3A_427 : memref<64xf32, #tpu.memory_space<hbm>>) target(%dma_start3A_424 : memref<64xf32, #tpu.memory_space<vmem>>) target_semaphore(%arg18 : memref<!tpu.dma_semaphore, #tpu.memory_space<semaphore_mem>>)
        %slice3A_428 = vector.extract_strided_slice %get3A_84 {offsets = [4], sizes = [1], strides = [1]} : vector<16xi32> to vector<1xi32>
        %squeeze3A_429 = vector.extract %slice3A_428[0] : i32 from vector<1xi32>
        %dma_start3A_430 = arith.constant 0 : i32
        %dma_start3A_431 = tpu.memref_slice %arg15[%add3A_371, %dma_start3A_430] : memref<128x64xf32, #tpu.memory_space<vmem>> -> memref<1x64xf32, #tpu.memory_space<vmem>>
        %dma_start3A_432 = tpu.memref_squeeze %dma_start3A_431 : memref<1x64xf32, #tpu.memory_space<vmem>> -> memref<64xf32, #tpu.memory_space<vmem>>
        %dma_start3A_433 = arith.constant 0 : i32
        %dma_start3A_434 = tpu.memref_slice %arg6[%squeeze3A_429, %dma_start3A_433] : memref<1000x64xf32, #tpu.memory_space<hbm>> -> memref<1x64xf32, #tpu.memory_space<hbm>>
        %dma_start3A_435 = tpu.memref_squeeze %dma_start3A_434 : memref<1x64xf32, #tpu.memory_space<hbm>> -> memref<64xf32, #tpu.memory_space<hbm>>
        %dma_start3A_436 = arith.constant 0 : i32
        %dma_start3A_437 = tpu.memref_slice %arg15[%add3A_371, %dma_start3A_436] : memref<128x64xf32, #tpu.memory_space<vmem>> -> memref<1x64xf32, #tpu.memory_space<vmem>>
        %dma_start3A_438 = tpu.memref_squeeze %dma_start3A_437 : memref<1x64xf32, #tpu.memory_space<vmem>> -> memref<64xf32, #tpu.memory_space<vmem>>
        %dma_start3A_439 = arith.constant 0 : i32
        %dma_start3A_440 = tpu.memref_slice %arg6[%squeeze3A_429, %dma_start3A_439] : memref<1000x64xf32, #tpu.memory_space<hbm>> -> memref<1x64xf32, #tpu.memory_space<hbm>>
        %dma_start3A_441 = tpu.memref_squeeze %dma_start3A_440 : memref<1x64xf32, #tpu.memory_space<hbm>> -> memref<64xf32, #tpu.memory_space<hbm>>
        tpu.enqueue_dma source(%dma_start3A_441 : memref<64xf32, #tpu.memory_space<hbm>>) target(%dma_start3A_438 : memref<64xf32, #tpu.memory_space<vmem>>) target_semaphore(%arg18 : memref<!tpu.dma_semaphore, #tpu.memory_space<semaphore_mem>>)
        %add3A_442 = arith.constant 5 : i32
        %add3A_443 = arith.addi %mul3A_67, %add3A_442 : i32
        %slice3A_444 = vector.extract_strided_slice %get3A_70 {offsets = [5], sizes = [1], strides = [1]} : vector<16xi32> to vector<1xi32>
        %squeeze3A_445 = vector.extract %slice3A_444[0] : i32 from vector<1xi32>
        %dma_start3A_446 = arith.constant 0 : i32
        %dma_start3A_447 = tpu.memref_slice %arg11[%add3A_443, %dma_start3A_446] : memref<128x64xf32, #tpu.memory_space<vmem>> -> memref<1x64xf32, #tpu.memory_space<vmem>>
        %dma_start3A_448 = tpu.memref_squeeze %dma_start3A_447 : memref<1x64xf32, #tpu.memory_space<vmem>> -> memref<64xf32, #tpu.memory_space<vmem>>
        %dma_start3A_449 = arith.constant 0 : i32
        %dma_start3A_450 = tpu.memref_slice %arg5[%squeeze3A_445, %dma_start3A_449] : memref<1000000x64xf32, #tpu.memory_space<hbm>> -> memref<1x64xf32, #tpu.memory_space<hbm>>
        %dma_start3A_451 = tpu.memref_squeeze %dma_start3A_450 : memref<1x64xf32, #tpu.memory_space<hbm>> -> memref<64xf32, #tpu.memory_space<hbm>>
        %dma_start3A_452 = arith.constant 0 : i32
        %dma_start3A_453 = tpu.memref_slice %arg11[%add3A_443, %dma_start3A_452] : memref<128x64xf32, #tpu.memory_space<vmem>> -> memref<1x64xf32, #tpu.memory_space<vmem>>
        %dma_start3A_454 = tpu.memref_squeeze %dma_start3A_453 : memref<1x64xf32, #tpu.memory_space<vmem>> -> memref<64xf32, #tpu.memory_space<vmem>>
        %dma_start3A_455 = arith.constant 0 : i32
        %dma_start3A_456 = tpu.memref_slice %arg5[%squeeze3A_445, %dma_start3A_455] : memref<1000000x64xf32, #tpu.memory_space<hbm>> -> memref<1x64xf32, #tpu.memory_space<hbm>>
        %dma_start3A_457 = tpu.memref_squeeze %dma_start3A_456 : memref<1x64xf32, #tpu.memory_space<hbm>> -> memref<64xf32, #tpu.memory_space<hbm>>
        tpu.enqueue_dma source(%dma_start3A_457 : memref<64xf32, #tpu.memory_space<hbm>>) target(%dma_start3A_454 : memref<64xf32, #tpu.memory_space<vmem>>) target_semaphore(%arg18 : memref<!tpu.dma_semaphore, #tpu.memory_space<semaphore_mem>>)
        %slice3A_458 = vector.extract_strided_slice %get3A_74 {offsets = [5], sizes = [1], strides = [1]} : vector<16xi32> to vector<1xi32>
        %squeeze3A_459 = vector.extract %slice3A_458[0] : i32 from vector<1xi32>
        %dma_start3A_460 = arith.constant 0 : i32
        %dma_start3A_461 = tpu.memref_slice %arg12[%add3A_443, %dma_start3A_460] : memref<128x64xf32, #tpu.memory_space<vmem>> -> memref<1x64xf32, #tpu.memory_space<vmem>>
        %dma_start3A_462 = tpu.memref_squeeze %dma_start3A_461 : memref<1x64xf32, #tpu.memory_space<vmem>> -> memref<64xf32, #tpu.memory_space<vmem>>
        %dma_start3A_463 = arith.constant 0 : i32
        %dma_start3A_464 = tpu.memref_slice %arg5[%squeeze3A_459, %dma_start3A_463] : memref<1000000x64xf32, #tpu.memory_space<hbm>> -> memref<1x64xf32, #tpu.memory_space<hbm>>
        %dma_start3A_465 = tpu.memref_squeeze %dma_start3A_464 : memref<1x64xf32, #tpu.memory_space<hbm>> -> memref<64xf32, #tpu.memory_space<hbm>>
        %dma_start3A_466 = arith.constant 0 : i32
        %dma_start3A_467 = tpu.memref_slice %arg12[%add3A_443, %dma_start3A_466] : memref<128x64xf32, #tpu.memory_space<vmem>> -> memref<1x64xf32, #tpu.memory_space<vmem>>
        %dma_start3A_468 = tpu.memref_squeeze %dma_start3A_467 : memref<1x64xf32, #tpu.memory_space<vmem>> -> memref<64xf32, #tpu.memory_space<vmem>>
        %dma_start3A_469 = arith.constant 0 : i32
        %dma_start3A_470 = tpu.memref_slice %arg5[%squeeze3A_459, %dma_start3A_469] : memref<1000000x64xf32, #tpu.memory_space<hbm>> -> memref<1x64xf32, #tpu.memory_space<hbm>>
        %dma_start3A_471 = tpu.memref_squeeze %dma_start3A_470 : memref<1x64xf32, #tpu.memory_space<hbm>> -> memref<64xf32, #tpu.memory_space<hbm>>
        tpu.enqueue_dma source(%dma_start3A_471 : memref<64xf32, #tpu.memory_space<hbm>>) target(%dma_start3A_468 : memref<64xf32, #tpu.memory_space<vmem>>) target_semaphore(%arg18 : memref<!tpu.dma_semaphore, #tpu.memory_space<semaphore_mem>>)
        %slice3A_472 = vector.extract_strided_slice %get3A_78 {offsets = [5], sizes = [1], strides = [1]} : vector<16xi32> to vector<1xi32>
        %squeeze3A_473 = vector.extract %slice3A_472[0] : i32 from vector<1xi32>
        %dma_start3A_474 = arith.constant 0 : i32
        %dma_start3A_475 = tpu.memref_slice %arg13[%add3A_443, %dma_start3A_474] : memref<128x64xf32, #tpu.memory_space<vmem>> -> memref<1x64xf32, #tpu.memory_space<vmem>>
        %dma_start3A_476 = tpu.memref_squeeze %dma_start3A_475 : memref<1x64xf32, #tpu.memory_space<vmem>> -> memref<64xf32, #tpu.memory_space<vmem>>
        %dma_start3A_477 = arith.constant 0 : i32
        %dma_start3A_478 = tpu.memref_slice %arg5[%squeeze3A_473, %dma_start3A_477] : memref<1000000x64xf32, #tpu.memory_space<hbm>> -> memref<1x64xf32, #tpu.memory_space<hbm>>
        %dma_start3A_479 = tpu.memref_squeeze %dma_start3A_478 : memref<1x64xf32, #tpu.memory_space<hbm>> -> memref<64xf32, #tpu.memory_space<hbm>>
        %dma_start3A_480 = arith.constant 0 : i32
        %dma_start3A_481 = tpu.memref_slice %arg13[%add3A_443, %dma_start3A_480] : memref<128x64xf32, #tpu.memory_space<vmem>> -> memref<1x64xf32, #tpu.memory_space<vmem>>
        %dma_start3A_482 = tpu.memref_squeeze %dma_start3A_481 : memref<1x64xf32, #tpu.memory_space<vmem>> -> memref<64xf32, #tpu.memory_space<vmem>>
        %dma_start3A_483 = arith.constant 0 : i32
        %dma_start3A_484 = tpu.memref_slice %arg5[%squeeze3A_473, %dma_start3A_483] : memref<1000000x64xf32, #tpu.memory_space<hbm>> -> memref<1x64xf32, #tpu.memory_space<hbm>>
        %dma_start3A_485 = tpu.memref_squeeze %dma_start3A_484 : memref<1x64xf32, #tpu.memory_space<hbm>> -> memref<64xf32, #tpu.memory_space<hbm>>
        tpu.enqueue_dma source(%dma_start3A_485 : memref<64xf32, #tpu.memory_space<hbm>>) target(%dma_start3A_482 : memref<64xf32, #tpu.memory_space<vmem>>) target_semaphore(%arg18 : memref<!tpu.dma_semaphore, #tpu.memory_space<semaphore_mem>>)
        %slice3A_486 = vector.extract_strided_slice %get3A_82 {offsets = [5], sizes = [1], strides = [1]} : vector<16xi32> to vector<1xi32>
        %squeeze3A_487 = vector.extract %slice3A_486[0] : i32 from vector<1xi32>
        %dma_start3A_488 = arith.constant 0 : i32
        %dma_start3A_489 = tpu.memref_slice %arg14[%add3A_443, %dma_start3A_488] : memref<128x64xf32, #tpu.memory_space<vmem>> -> memref<1x64xf32, #tpu.memory_space<vmem>>
        %dma_start3A_490 = tpu.memref_squeeze %dma_start3A_489 : memref<1x64xf32, #tpu.memory_space<vmem>> -> memref<64xf32, #tpu.memory_space<vmem>>
        %dma_start3A_491 = arith.constant 0 : i32
        %dma_start3A_492 = tpu.memref_slice %arg5[%squeeze3A_487, %dma_start3A_491] : memref<1000000x64xf32, #tpu.memory_space<hbm>> -> memref<1x64xf32, #tpu.memory_space<hbm>>
        %dma_start3A_493 = tpu.memref_squeeze %dma_start3A_492 : memref<1x64xf32, #tpu.memory_space<hbm>> -> memref<64xf32, #tpu.memory_space<hbm>>
        %dma_start3A_494 = arith.constant 0 : i32
        %dma_start3A_495 = tpu.memref_slice %arg14[%add3A_443, %dma_start3A_494] : memref<128x64xf32, #tpu.memory_space<vmem>> -> memref<1x64xf32, #tpu.memory_space<vmem>>
        %dma_start3A_496 = tpu.memref_squeeze %dma_start3A_495 : memref<1x64xf32, #tpu.memory_space<vmem>> -> memref<64xf32, #tpu.memory_space<vmem>>
        %dma_start3A_497 = arith.constant 0 : i32
        %dma_start3A_498 = tpu.memref_slice %arg5[%squeeze3A_487, %dma_start3A_497] : memref<1000000x64xf32, #tpu.memory_space<hbm>> -> memref<1x64xf32, #tpu.memory_space<hbm>>
        %dma_start3A_499 = tpu.memref_squeeze %dma_start3A_498 : memref<1x64xf32, #tpu.memory_space<hbm>> -> memref<64xf32, #tpu.memory_space<hbm>>
        tpu.enqueue_dma source(%dma_start3A_499 : memref<64xf32, #tpu.memory_space<hbm>>) target(%dma_start3A_496 : memref<64xf32, #tpu.memory_space<vmem>>) target_semaphore(%arg18 : memref<!tpu.dma_semaphore, #tpu.memory_space<semaphore_mem>>)
        %slice3A_500 = vector.extract_strided_slice %get3A_84 {offsets = [5], sizes = [1], strides = [1]} : vector<16xi32> to vector<1xi32>
        %squeeze3A_501 = vector.extract %slice3A_500[0] : i32 from vector<1xi32>
        %dma_start3A_502 = arith.constant 0 : i32
        %dma_start3A_503 = tpu.memref_slice %arg15[%add3A_443, %dma_start3A_502] : memref<128x64xf32, #tpu.memory_space<vmem>> -> memref<1x64xf32, #tpu.memory_space<vmem>>
        %dma_start3A_504 = tpu.memref_squeeze %dma_start3A_503 : memref<1x64xf32, #tpu.memory_space<vmem>> -> memref<64xf32, #tpu.memory_space<vmem>>
        %dma_start3A_505 = arith.constant 0 : i32
        %dma_start3A_506 = tpu.memref_slice %arg6[%squeeze3A_501, %dma_start3A_505] : memref<1000x64xf32, #tpu.memory_space<hbm>> -> memref<1x64xf32, #tpu.memory_space<hbm>>
        %dma_start3A_507 = tpu.memref_squeeze %dma_start3A_506 : memref<1x64xf32, #tpu.memory_space<hbm>> -> memref<64xf32, #tpu.memory_space<hbm>>
        %dma_start3A_508 = arith.constant 0 : i32
        %dma_start3A_509 = tpu.memref_slice %arg15[%add3A_443, %dma_start3A_508] : memref<128x64xf32, #tpu.memory_space<vmem>> -> memref<1x64xf32, #tpu.memory_space<vmem>>
        %dma_start3A_510 = tpu.memref_squeeze %dma_start3A_509 : memref<1x64xf32, #tpu.memory_space<vmem>> -> memref<64xf32, #tpu.memory_space<vmem>>
        %dma_start3A_511 = arith.constant 0 : i32
        %dma_start3A_512 = tpu.memref_slice %arg6[%squeeze3A_501, %dma_start3A_511] : memref<1000x64xf32, #tpu.memory_space<hbm>> -> memref<1x64xf32, #tpu.memory_space<hbm>>
        %dma_start3A_513 = tpu.memref_squeeze %dma_start3A_512 : memref<1x64xf32, #tpu.memory_space<hbm>> -> memref<64xf32, #tpu.memory_space<hbm>>
        tpu.enqueue_dma source(%dma_start3A_513 : memref<64xf32, #tpu.memory_space<hbm>>) target(%dma_start3A_510 : memref<64xf32, #tpu.memory_space<vmem>>) target_semaphore(%arg18 : memref<!tpu.dma_semaphore, #tpu.memory_space<semaphore_mem>>)
        %add3A_514 = arith.constant 6 : i32
        %add3A_515 = arith.addi %mul3A_67, %add3A_514 : i32
        %slice3A_516 = vector.extract_strided_slice %get3A_70 {offsets = [6], sizes = [1], strides = [1]} : vector<16xi32> to vector<1xi32>
        %squeeze3A_517 = vector.extract %slice3A_516[0] : i32 from vector<1xi32>
        %dma_start3A_518 = arith.constant 0 : i32
        %dma_start3A_519 = tpu.memref_slice %arg11[%add3A_515, %dma_start3A_518] : memref<128x64xf32, #tpu.memory_space<vmem>> -> memref<1x64xf32, #tpu.memory_space<vmem>>
        %dma_start3A_520 = tpu.memref_squeeze %dma_start3A_519 : memref<1x64xf32, #tpu.memory_space<vmem>> -> memref<64xf32, #tpu.memory_space<vmem>>
        %dma_start3A_521 = arith.constant 0 : i32
        %dma_start3A_522 = tpu.memref_slice %arg5[%squeeze3A_517, %dma_start3A_521] : memref<1000000x64xf32, #tpu.memory_space<hbm>> -> memref<1x64xf32, #tpu.memory_space<hbm>>
        %dma_start3A_523 = tpu.memref_squeeze %dma_start3A_522 : memref<1x64xf32, #tpu.memory_space<hbm>> -> memref<64xf32, #tpu.memory_space<hbm>>
        %dma_start3A_524 = arith.constant 0 : i32
        %dma_start3A_525 = tpu.memref_slice %arg11[%add3A_515, %dma_start3A_524] : memref<128x64xf32, #tpu.memory_space<vmem>> -> memref<1x64xf32, #tpu.memory_space<vmem>>
        %dma_start3A_526 = tpu.memref_squeeze %dma_start3A_525 : memref<1x64xf32, #tpu.memory_space<vmem>> -> memref<64xf32, #tpu.memory_space<vmem>>
        %dma_start3A_527 = arith.constant 0 : i32
        %dma_start3A_528 = tpu.memref_slice %arg5[%squeeze3A_517, %dma_start3A_527] : memref<1000000x64xf32, #tpu.memory_space<hbm>> -> memref<1x64xf32, #tpu.memory_space<hbm>>
        %dma_start3A_529 = tpu.memref_squeeze %dma_start3A_528 : memref<1x64xf32, #tpu.memory_space<hbm>> -> memref<64xf32, #tpu.memory_space<hbm>>
        tpu.enqueue_dma source(%dma_start3A_529 : memref<64xf32, #tpu.memory_space<hbm>>) target(%dma_start3A_526 : memref<64xf32, #tpu.memory_space<vmem>>) target_semaphore(%arg18 : memref<!tpu.dma_semaphore, #tpu.memory_space<semaphore_mem>>)
        %slice3A_530 = vector.extract_strided_slice %get3A_74 {offsets = [6], sizes = [1], strides = [1]} : vector<16xi32> to vector<1xi32>
        %squeeze3A_531 = vector.extract %slice3A_530[0] : i32 from vector<1xi32>
        %dma_start3A_532 = arith.constant 0 : i32
        %dma_start3A_533 = tpu.memref_slice %arg12[%add3A_515, %dma_start3A_532] : memref<128x64xf32, #tpu.memory_space<vmem>> -> memref<1x64xf32, #tpu.memory_space<vmem>>
        %dma_start3A_534 = tpu.memref_squeeze %dma_start3A_533 : memref<1x64xf32, #tpu.memory_space<vmem>> -> memref<64xf32, #tpu.memory_space<vmem>>
        %dma_start3A_535 = arith.constant 0 : i32
        %dma_start3A_536 = tpu.memref_slice %arg5[%squeeze3A_531, %dma_start3A_535] : memref<1000000x64xf32, #tpu.memory_space<hbm>> -> memref<1x64xf32, #tpu.memory_space<hbm>>
        %dma_start3A_537 = tpu.memref_squeeze %dma_start3A_536 : memref<1x64xf32, #tpu.memory_space<hbm>> -> memref<64xf32, #tpu.memory_space<hbm>>
        %dma_start3A_538 = arith.constant 0 : i32
        %dma_start3A_539 = tpu.memref_slice %arg12[%add3A_515, %dma_start3A_538] : memref<128x64xf32, #tpu.memory_space<vmem>> -> memref<1x64xf32, #tpu.memory_space<vmem>>
        %dma_start3A_540 = tpu.memref_squeeze %dma_start3A_539 : memref<1x64xf32, #tpu.memory_space<vmem>> -> memref<64xf32, #tpu.memory_space<vmem>>
        %dma_start3A_541 = arith.constant 0 : i32
        %dma_start3A_542 = tpu.memref_slice %arg5[%squeeze3A_531, %dma_start3A_541] : memref<1000000x64xf32, #tpu.memory_space<hbm>> -> memref<1x64xf32, #tpu.memory_space<hbm>>
        %dma_start3A_543 = tpu.memref_squeeze %dma_start3A_542 : memref<1x64xf32, #tpu.memory_space<hbm>> -> memref<64xf32, #tpu.memory_space<hbm>>
        tpu.enqueue_dma source(%dma_start3A_543 : memref<64xf32, #tpu.memory_space<hbm>>) target(%dma_start3A_540 : memref<64xf32, #tpu.memory_space<vmem>>) target_semaphore(%arg18 : memref<!tpu.dma_semaphore, #tpu.memory_space<semaphore_mem>>)
        %slice3A_544 = vector.extract_strided_slice %get3A_78 {offsets = [6], sizes = [1], strides = [1]} : vector<16xi32> to vector<1xi32>
        %squeeze3A_545 = vector.extract %slice3A_544[0] : i32 from vector<1xi32>
        %dma_start3A_546 = arith.constant 0 : i32
        %dma_start3A_547 = tpu.memref_slice %arg13[%add3A_515, %dma_start3A_546] : memref<128x64xf32, #tpu.memory_space<vmem>> -> memref<1x64xf32, #tpu.memory_space<vmem>>
        %dma_start3A_548 = tpu.memref_squeeze %dma_start3A_547 : memref<1x64xf32, #tpu.memory_space<vmem>> -> memref<64xf32, #tpu.memory_space<vmem>>
        %dma_start3A_549 = arith.constant 0 : i32
        %dma_start3A_550 = tpu.memref_slice %arg5[%squeeze3A_545, %dma_start3A_549] : memref<1000000x64xf32, #tpu.memory_space<hbm>> -> memref<1x64xf32, #tpu.memory_space<hbm>>
        %dma_start3A_551 = tpu.memref_squeeze %dma_start3A_550 : memref<1x64xf32, #tpu.memory_space<hbm>> -> memref<64xf32, #tpu.memory_space<hbm>>
        %dma_start3A_552 = arith.constant 0 : i32
        %dma_start3A_553 = tpu.memref_slice %arg13[%add3A_515, %dma_start3A_552] : memref<128x64xf32, #tpu.memory_space<vmem>> -> memref<1x64xf32, #tpu.memory_space<vmem>>
        %dma_start3A_554 = tpu.memref_squeeze %dma_start3A_553 : memref<1x64xf32, #tpu.memory_space<vmem>> -> memref<64xf32, #tpu.memory_space<vmem>>
        %dma_start3A_555 = arith.constant 0 : i32
        %dma_start3A_556 = tpu.memref_slice %arg5[%squeeze3A_545, %dma_start3A_555] : memref<1000000x64xf32, #tpu.memory_space<hbm>> -> memref<1x64xf32, #tpu.memory_space<hbm>>
        %dma_start3A_557 = tpu.memref_squeeze %dma_start3A_556 : memref<1x64xf32, #tpu.memory_space<hbm>> -> memref<64xf32, #tpu.memory_space<hbm>>
        tpu.enqueue_dma source(%dma_start3A_557 : memref<64xf32, #tpu.memory_space<hbm>>) target(%dma_start3A_554 : memref<64xf32, #tpu.memory_space<vmem>>) target_semaphore(%arg18 : memref<!tpu.dma_semaphore, #tpu.memory_space<semaphore_mem>>)
        %slice3A_558 = vector.extract_strided_slice %get3A_82 {offsets = [6], sizes = [1], strides = [1]} : vector<16xi32> to vector<1xi32>
        %squeeze3A_559 = vector.extract %slice3A_558[0] : i32 from vector<1xi32>
        %dma_start3A_560 = arith.constant 0 : i32
        %dma_start3A_561 = tpu.memref_slice %arg14[%add3A_515, %dma_start3A_560] : memref<128x64xf32, #tpu.memory_space<vmem>> -> memref<1x64xf32, #tpu.memory_space<vmem>>
        %dma_start3A_562 = tpu.memref_squeeze %dma_start3A_561 : memref<1x64xf32, #tpu.memory_space<vmem>> -> memref<64xf32, #tpu.memory_space<vmem>>
        %dma_start3A_563 = arith.constant 0 : i32
        %dma_start3A_564 = tpu.memref_slice %arg5[%squeeze3A_559, %dma_start3A_563] : memref<1000000x64xf32, #tpu.memory_space<hbm>> -> memref<1x64xf32, #tpu.memory_space<hbm>>
        %dma_start3A_565 = tpu.memref_squeeze %dma_start3A_564 : memref<1x64xf32, #tpu.memory_space<hbm>> -> memref<64xf32, #tpu.memory_space<hbm>>
        %dma_start3A_566 = arith.constant 0 : i32
        %dma_start3A_567 = tpu.memref_slice %arg14[%add3A_515, %dma_start3A_566] : memref<128x64xf32, #tpu.memory_space<vmem>> -> memref<1x64xf32, #tpu.memory_space<vmem>>
        %dma_start3A_568 = tpu.memref_squeeze %dma_start3A_567 : memref<1x64xf32, #tpu.memory_space<vmem>> -> memref<64xf32, #tpu.memory_space<vmem>>
        %dma_start3A_569 = arith.constant 0 : i32
        %dma_start3A_570 = tpu.memref_slice %arg5[%squeeze3A_559, %dma_start3A_569] : memref<1000000x64xf32, #tpu.memory_space<hbm>> -> memref<1x64xf32, #tpu.memory_space<hbm>>
        %dma_start3A_571 = tpu.memref_squeeze %dma_start3A_570 : memref<1x64xf32, #tpu.memory_space<hbm>> -> memref<64xf32, #tpu.memory_space<hbm>>
        tpu.enqueue_dma source(%dma_start3A_571 : memref<64xf32, #tpu.memory_space<hbm>>) target(%dma_start3A_568 : memref<64xf32, #tpu.memory_space<vmem>>) target_semaphore(%arg18 : memref<!tpu.dma_semaphore, #tpu.memory_space<semaphore_mem>>)
        %slice3A_572 = vector.extract_strided_slice %get3A_84 {offsets = [6], sizes = [1], strides = [1]} : vector<16xi32> to vector<1xi32>
        %squeeze3A_573 = vector.extract %slice3A_572[0] : i32 from vector<1xi32>
        %dma_start3A_574 = arith.constant 0 : i32
        %dma_start3A_575 = tpu.memref_slice %arg15[%add3A_515, %dma_start3A_574] : memref<128x64xf32, #tpu.memory_space<vmem>> -> memref<1x64xf32, #tpu.memory_space<vmem>>
        %dma_start3A_576 = tpu.memref_squeeze %dma_start3A_575 : memref<1x64xf32, #tpu.memory_space<vmem>> -> memref<64xf32, #tpu.memory_space<vmem>>
        %dma_start3A_577 = arith.constant 0 : i32
        %dma_start3A_578 = tpu.memref_slice %arg6[%squeeze3A_573, %dma_start3A_577] : memref<1000x64xf32, #tpu.memory_space<hbm>> -> memref<1x64xf32, #tpu.memory_space<hbm>>
        %dma_start3A_579 = tpu.memref_squeeze %dma_start3A_578 : memref<1x64xf32, #tpu.memory_space<hbm>> -> memref<64xf32, #tpu.memory_space<hbm>>
        %dma_start3A_580 = arith.constant 0 : i32
        %dma_start3A_581 = tpu.memref_slice %arg15[%add3A_515, %dma_start3A_580] : memref<128x64xf32, #tpu.memory_space<vmem>> -> memref<1x64xf32, #tpu.memory_space<vmem>>
        %dma_start3A_582 = tpu.memref_squeeze %dma_start3A_581 : memref<1x64xf32, #tpu.memory_space<vmem>> -> memref<64xf32, #tpu.memory_space<vmem>>
        %dma_start3A_583 = arith.constant 0 : i32
        %dma_start3A_584 = tpu.memref_slice %arg6[%squeeze3A_573, %dma_start3A_583] : memref<1000x64xf32, #tpu.memory_space<hbm>> -> memref<1x64xf32, #tpu.memory_space<hbm>>
        %dma_start3A_585 = tpu.memref_squeeze %dma_start3A_584 : memref<1x64xf32, #tpu.memory_space<hbm>> -> memref<64xf32, #tpu.memory_space<hbm>>
        tpu.enqueue_dma source(%dma_start3A_585 : memref<64xf32, #tpu.memory_space<hbm>>) target(%dma_start3A_582 : memref<64xf32, #tpu.memory_space<vmem>>) target_semaphore(%arg18 : memref<!tpu.dma_semaphore, #tpu.memory_space<semaphore_mem>>)
        %add3A_586 = arith.constant 7 : i32
        %add3A_587 = arith.addi %mul3A_67, %add3A_586 : i32
        %slice3A_588 = vector.extract_strided_slice %get3A_70 {offsets = [7], sizes = [1], strides = [1]} : vector<16xi32> to vector<1xi32>
        %squeeze3A_589 = vector.extract %slice3A_588[0] : i32 from vector<1xi32>
        %dma_start3A_590 = arith.constant 0 : i32
        %dma_start3A_591 = tpu.memref_slice %arg11[%add3A_587, %dma_start3A_590] : memref<128x64xf32, #tpu.memory_space<vmem>> -> memref<1x64xf32, #tpu.memory_space<vmem>>
        %dma_start3A_592 = tpu.memref_squeeze %dma_start3A_591 : memref<1x64xf32, #tpu.memory_space<vmem>> -> memref<64xf32, #tpu.memory_space<vmem>>
        %dma_start3A_593 = arith.constant 0 : i32
        %dma_start3A_594 = tpu.memref_slice %arg5[%squeeze3A_589, %dma_start3A_593] : memref<1000000x64xf32, #tpu.memory_space<hbm>> -> memref<1x64xf32, #tpu.memory_space<hbm>>
        %dma_start3A_595 = tpu.memref_squeeze %dma_start3A_594 : memref<1x64xf32, #tpu.memory_space<hbm>> -> memref<64xf32, #tpu.memory_space<hbm>>
        %dma_start3A_596 = arith.constant 0 : i32
        %dma_start3A_597 = tpu.memref_slice %arg11[%add3A_587, %dma_start3A_596] : memref<128x64xf32, #tpu.memory_space<vmem>> -> memref<1x64xf32, #tpu.memory_space<vmem>>
        %dma_start3A_598 = tpu.memref_squeeze %dma_start3A_597 : memref<1x64xf32, #tpu.memory_space<vmem>> -> memref<64xf32, #tpu.memory_space<vmem>>
        %dma_start3A_599 = arith.constant 0 : i32
        %dma_start3A_600 = tpu.memref_slice %arg5[%squeeze3A_589, %dma_start3A_599] : memref<1000000x64xf32, #tpu.memory_space<hbm>> -> memref<1x64xf32, #tpu.memory_space<hbm>>
        %dma_start3A_601 = tpu.memref_squeeze %dma_start3A_600 : memref<1x64xf32, #tpu.memory_space<hbm>> -> memref<64xf32, #tpu.memory_space<hbm>>
        tpu.enqueue_dma source(%dma_start3A_601 : memref<64xf32, #tpu.memory_space<hbm>>) target(%dma_start3A_598 : memref<64xf32, #tpu.memory_space<vmem>>) target_semaphore(%arg18 : memref<!tpu.dma_semaphore, #tpu.memory_space<semaphore_mem>>)
        %slice3A_602 = vector.extract_strided_slice %get3A_74 {offsets = [7], sizes = [1], strides = [1]} : vector<16xi32> to vector<1xi32>
        %squeeze3A_603 = vector.extract %slice3A_602[0] : i32 from vector<1xi32>
        %dma_start3A_604 = arith.constant 0 : i32
        %dma_start3A_605 = tpu.memref_slice %arg12[%add3A_587, %dma_start3A_604] : memref<128x64xf32, #tpu.memory_space<vmem>> -> memref<1x64xf32, #tpu.memory_space<vmem>>
        %dma_start3A_606 = tpu.memref_squeeze %dma_start3A_605 : memref<1x64xf32, #tpu.memory_space<vmem>> -> memref<64xf32, #tpu.memory_space<vmem>>
        %dma_start3A_607 = arith.constant 0 : i32
        %dma_start3A_608 = tpu.memref_slice %arg5[%squeeze3A_603, %dma_start3A_607] : memref<1000000x64xf32, #tpu.memory_space<hbm>> -> memref<1x64xf32, #tpu.memory_space<hbm>>
        %dma_start3A_609 = tpu.memref_squeeze %dma_start3A_608 : memref<1x64xf32, #tpu.memory_space<hbm>> -> memref<64xf32, #tpu.memory_space<hbm>>
        %dma_start3A_610 = arith.constant 0 : i32
        %dma_start3A_611 = tpu.memref_slice %arg12[%add3A_587, %dma_start3A_610] : memref<128x64xf32, #tpu.memory_space<vmem>> -> memref<1x64xf32, #tpu.memory_space<vmem>>
        %dma_start3A_612 = tpu.memref_squeeze %dma_start3A_611 : memref<1x64xf32, #tpu.memory_space<vmem>> -> memref<64xf32, #tpu.memory_space<vmem>>
        %dma_start3A_613 = arith.constant 0 : i32
        %dma_start3A_614 = tpu.memref_slice %arg5[%squeeze3A_603, %dma_start3A_613] : memref<1000000x64xf32, #tpu.memory_space<hbm>> -> memref<1x64xf32, #tpu.memory_space<hbm>>
        %dma_start3A_615 = tpu.memref_squeeze %dma_start3A_614 : memref<1x64xf32, #tpu.memory_space<hbm>> -> memref<64xf32, #tpu.memory_space<hbm>>
        tpu.enqueue_dma source(%dma_start3A_615 : memref<64xf32, #tpu.memory_space<hbm>>) target(%dma_start3A_612 : memref<64xf32, #tpu.memory_space<vmem>>) target_semaphore(%arg18 : memref<!tpu.dma_semaphore, #tpu.memory_space<semaphore_mem>>)
        %slice3A_616 = vector.extract_strided_slice %get3A_78 {offsets = [7], sizes = [1], strides = [1]} : vector<16xi32> to vector<1xi32>
        %squeeze3A_617 = vector.extract %slice3A_616[0] : i32 from vector<1xi32>
        %dma_start3A_618 = arith.constant 0 : i32
        %dma_start3A_619 = tpu.memref_slice %arg13[%add3A_587, %dma_start3A_618] : memref<128x64xf32, #tpu.memory_space<vmem>> -> memref<1x64xf32, #tpu.memory_space<vmem>>
        %dma_start3A_620 = tpu.memref_squeeze %dma_start3A_619 : memref<1x64xf32, #tpu.memory_space<vmem>> -> memref<64xf32, #tpu.memory_space<vmem>>
        %dma_start3A_621 = arith.constant 0 : i32
        %dma_start3A_622 = tpu.memref_slice %arg5[%squeeze3A_617, %dma_start3A_621] : memref<1000000x64xf32, #tpu.memory_space<hbm>> -> memref<1x64xf32, #tpu.memory_space<hbm>>
        %dma_start3A_623 = tpu.memref_squeeze %dma_start3A_622 : memref<1x64xf32, #tpu.memory_space<hbm>> -> memref<64xf32, #tpu.memory_space<hbm>>
        %dma_start3A_624 = arith.constant 0 : i32
        %dma_start3A_625 = tpu.memref_slice %arg13[%add3A_587, %dma_start3A_624] : memref<128x64xf32, #tpu.memory_space<vmem>> -> memref<1x64xf32, #tpu.memory_space<vmem>>
        %dma_start3A_626 = tpu.memref_squeeze %dma_start3A_625 : memref<1x64xf32, #tpu.memory_space<vmem>> -> memref<64xf32, #tpu.memory_space<vmem>>
        %dma_start3A_627 = arith.constant 0 : i32
        %dma_start3A_628 = tpu.memref_slice %arg5[%squeeze3A_617, %dma_start3A_627] : memref<1000000x64xf32, #tpu.memory_space<hbm>> -> memref<1x64xf32, #tpu.memory_space<hbm>>
        %dma_start3A_629 = tpu.memref_squeeze %dma_start3A_628 : memref<1x64xf32, #tpu.memory_space<hbm>> -> memref<64xf32, #tpu.memory_space<hbm>>
        tpu.enqueue_dma source(%dma_start3A_629 : memref<64xf32, #tpu.memory_space<hbm>>) target(%dma_start3A_626 : memref<64xf32, #tpu.memory_space<vmem>>) target_semaphore(%arg18 : memref<!tpu.dma_semaphore, #tpu.memory_space<semaphore_mem>>)
        %slice3A_630 = vector.extract_strided_slice %get3A_82 {offsets = [7], sizes = [1], strides = [1]} : vector<16xi32> to vector<1xi32>
        %squeeze3A_631 = vector.extract %slice3A_630[0] : i32 from vector<1xi32>
        %dma_start3A_632 = arith.constant 0 : i32
        %dma_start3A_633 = tpu.memref_slice %arg14[%add3A_587, %dma_start3A_632] : memref<128x64xf32, #tpu.memory_space<vmem>> -> memref<1x64xf32, #tpu.memory_space<vmem>>
        %dma_start3A_634 = tpu.memref_squeeze %dma_start3A_633 : memref<1x64xf32, #tpu.memory_space<vmem>> -> memref<64xf32, #tpu.memory_space<vmem>>
        %dma_start3A_635 = arith.constant 0 : i32
        %dma_start3A_636 = tpu.memref_slice %arg5[%squeeze3A_631, %dma_start3A_635] : memref<1000000x64xf32, #tpu.memory_space<hbm>> -> memref<1x64xf32, #tpu.memory_space<hbm>>
        %dma_start3A_637 = tpu.memref_squeeze %dma_start3A_636 : memref<1x64xf32, #tpu.memory_space<hbm>> -> memref<64xf32, #tpu.memory_space<hbm>>
        %dma_start3A_638 = arith.constant 0 : i32
        %dma_start3A_639 = tpu.memref_slice %arg14[%add3A_587, %dma_start3A_638] : memref<128x64xf32, #tpu.memory_space<vmem>> -> memref<1x64xf32, #tpu.memory_space<vmem>>
        %dma_start3A_640 = tpu.memref_squeeze %dma_start3A_639 : memref<1x64xf32, #tpu.memory_space<vmem>> -> memref<64xf32, #tpu.memory_space<vmem>>
        %dma_start3A_641 = arith.constant 0 : i32
        %dma_start3A_642 = tpu.memref_slice %arg5[%squeeze3A_631, %dma_start3A_641] : memref<1000000x64xf32, #tpu.memory_space<hbm>> -> memref<1x64xf32, #tpu.memory_space<hbm>>
        %dma_start3A_643 = tpu.memref_squeeze %dma_start3A_642 : memref<1x64xf32, #tpu.memory_space<hbm>> -> memref<64xf32, #tpu.memory_space<hbm>>
        tpu.enqueue_dma source(%dma_start3A_643 : memref<64xf32, #tpu.memory_space<hbm>>) target(%dma_start3A_640 : memref<64xf32, #tpu.memory_space<vmem>>) target_semaphore(%arg18 : memref<!tpu.dma_semaphore, #tpu.memory_space<semaphore_mem>>)
        %slice3A_644 = vector.extract_strided_slice %get3A_84 {offsets = [7], sizes = [1], strides = [1]} : vector<16xi32> to vector<1xi32>
        %squeeze3A_645 = vector.extract %slice3A_644[0] : i32 from vector<1xi32>
        %dma_start3A_646 = arith.constant 0 : i32
        %dma_start3A_647 = tpu.memref_slice %arg15[%add3A_587, %dma_start3A_646] : memref<128x64xf32, #tpu.memory_space<vmem>> -> memref<1x64xf32, #tpu.memory_space<vmem>>
        %dma_start3A_648 = tpu.memref_squeeze %dma_start3A_647 : memref<1x64xf32, #tpu.memory_space<vmem>> -> memref<64xf32, #tpu.memory_space<vmem>>
        %dma_start3A_649 = arith.constant 0 : i32
        %dma_start3A_650 = tpu.memref_slice %arg6[%squeeze3A_645, %dma_start3A_649] : memref<1000x64xf32, #tpu.memory_space<hbm>> -> memref<1x64xf32, #tpu.memory_space<hbm>>
        %dma_start3A_651 = tpu.memref_squeeze %dma_start3A_650 : memref<1x64xf32, #tpu.memory_space<hbm>> -> memref<64xf32, #tpu.memory_space<hbm>>
        %dma_start3A_652 = arith.constant 0 : i32
        %dma_start3A_653 = tpu.memref_slice %arg15[%add3A_587, %dma_start3A_652] : memref<128x64xf32, #tpu.memory_space<vmem>> -> memref<1x64xf32, #tpu.memory_space<vmem>>
        %dma_start3A_654 = tpu.memref_squeeze %dma_start3A_653 : memref<1x64xf32, #tpu.memory_space<vmem>> -> memref<64xf32, #tpu.memory_space<vmem>>
        %dma_start3A_655 = arith.constant 0 : i32
        %dma_start3A_656 = tpu.memref_slice %arg6[%squeeze3A_645, %dma_start3A_655] : memref<1000x64xf32, #tpu.memory_space<hbm>> -> memref<1x64xf32, #tpu.memory_space<hbm>>
        %dma_start3A_657 = tpu.memref_squeeze %dma_start3A_656 : memref<1x64xf32, #tpu.memory_space<hbm>> -> memref<64xf32, #tpu.memory_space<hbm>>
        tpu.enqueue_dma source(%dma_start3A_657 : memref<64xf32, #tpu.memory_space<hbm>>) target(%dma_start3A_654 : memref<64xf32, #tpu.memory_space<vmem>>) target_semaphore(%arg18 : memref<!tpu.dma_semaphore, #tpu.memory_space<semaphore_mem>>)
        %add3A_658 = arith.constant 8 : i32
        %add3A_659 = arith.addi %mul3A_67, %add3A_658 : i32
        %slice3A_660 = vector.extract_strided_slice %get3A_70 {offsets = [8], sizes = [1], strides = [1]} : vector<16xi32> to vector<1xi32>
        %squeeze3A_661 = vector.extract %slice3A_660[0] : i32 from vector<1xi32>
        %dma_start3A_662 = arith.constant 0 : i32
        %dma_start3A_663 = tpu.memref_slice %arg11[%add3A_659, %dma_start3A_662] : memref<128x64xf32, #tpu.memory_space<vmem>> -> memref<1x64xf32, #tpu.memory_space<vmem>>
        %dma_start3A_664 = tpu.memref_squeeze %dma_start3A_663 : memref<1x64xf32, #tpu.memory_space<vmem>> -> memref<64xf32, #tpu.memory_space<vmem>>
        %dma_start3A_665 = arith.constant 0 : i32
        %dma_start3A_666 = tpu.memref_slice %arg5[%squeeze3A_661, %dma_start3A_665] : memref<1000000x64xf32, #tpu.memory_space<hbm>> -> memref<1x64xf32, #tpu.memory_space<hbm>>
        %dma_start3A_667 = tpu.memref_squeeze %dma_start3A_666 : memref<1x64xf32, #tpu.memory_space<hbm>> -> memref<64xf32, #tpu.memory_space<hbm>>
        %dma_start3A_668 = arith.constant 0 : i32
        %dma_start3A_669 = tpu.memref_slice %arg11[%add3A_659, %dma_start3A_668] : memref<128x64xf32, #tpu.memory_space<vmem>> -> memref<1x64xf32, #tpu.memory_space<vmem>>
        %dma_start3A_670 = tpu.memref_squeeze %dma_start3A_669 : memref<1x64xf32, #tpu.memory_space<vmem>> -> memref<64xf32, #tpu.memory_space<vmem>>
        %dma_start3A_671 = arith.constant 0 : i32
        %dma_start3A_672 = tpu.memref_slice %arg5[%squeeze3A_661, %dma_start3A_671] : memref<1000000x64xf32, #tpu.memory_space<hbm>> -> memref<1x64xf32, #tpu.memory_space<hbm>>
        %dma_start3A_673 = tpu.memref_squeeze %dma_start3A_672 : memref<1x64xf32, #tpu.memory_space<hbm>> -> memref<64xf32, #tpu.memory_space<hbm>>
        tpu.enqueue_dma source(%dma_start3A_673 : memref<64xf32, #tpu.memory_space<hbm>>) target(%dma_start3A_670 : memref<64xf32, #tpu.memory_space<vmem>>) target_semaphore(%arg18 : memref<!tpu.dma_semaphore, #tpu.memory_space<semaphore_mem>>)
        %slice3A_674 = vector.extract_strided_slice %get3A_74 {offsets = [8], sizes = [1], strides = [1]} : vector<16xi32> to vector<1xi32>
        %squeeze3A_675 = vector.extract %slice3A_674[0] : i32 from vector<1xi32>
        %dma_start3A_676 = arith.constant 0 : i32
        %dma_start3A_677 = tpu.memref_slice %arg12[%add3A_659, %dma_start3A_676] : memref<128x64xf32, #tpu.memory_space<vmem>> -> memref<1x64xf32, #tpu.memory_space<vmem>>
        %dma_start3A_678 = tpu.memref_squeeze %dma_start3A_677 : memref<1x64xf32, #tpu.memory_space<vmem>> -> memref<64xf32, #tpu.memory_space<vmem>>
        %dma_start3A_679 = arith.constant 0 : i32
        %dma_start3A_680 = tpu.memref_slice %arg5[%squeeze3A_675, %dma_start3A_679] : memref<1000000x64xf32, #tpu.memory_space<hbm>> -> memref<1x64xf32, #tpu.memory_space<hbm>>
        %dma_start3A_681 = tpu.memref_squeeze %dma_start3A_680 : memref<1x64xf32, #tpu.memory_space<hbm>> -> memref<64xf32, #tpu.memory_space<hbm>>
        %dma_start3A_682 = arith.constant 0 : i32
        %dma_start3A_683 = tpu.memref_slice %arg12[%add3A_659, %dma_start3A_682] : memref<128x64xf32, #tpu.memory_space<vmem>> -> memref<1x64xf32, #tpu.memory_space<vmem>>
        %dma_start3A_684 = tpu.memref_squeeze %dma_start3A_683 : memref<1x64xf32, #tpu.memory_space<vmem>> -> memref<64xf32, #tpu.memory_space<vmem>>
        %dma_start3A_685 = arith.constant 0 : i32
        %dma_start3A_686 = tpu.memref_slice %arg5[%squeeze3A_675, %dma_start3A_685] : memref<1000000x64xf32, #tpu.memory_space<hbm>> -> memref<1x64xf32, #tpu.memory_space<hbm>>
        %dma_start3A_687 = tpu.memref_squeeze %dma_start3A_686 : memref<1x64xf32, #tpu.memory_space<hbm>> -> memref<64xf32, #tpu.memory_space<hbm>>
        tpu.enqueue_dma source(%dma_start3A_687 : memref<64xf32, #tpu.memory_space<hbm>>) target(%dma_start3A_684 : memref<64xf32, #tpu.memory_space<vmem>>) target_semaphore(%arg18 : memref<!tpu.dma_semaphore, #tpu.memory_space<semaphore_mem>>)
        %slice3A_688 = vector.extract_strided_slice %get3A_78 {offsets = [8], sizes = [1], strides = [1]} : vector<16xi32> to vector<1xi32>
        %squeeze3A_689 = vector.extract %slice3A_688[0] : i32 from vector<1xi32>
        %dma_start3A_690 = arith.constant 0 : i32
        %dma_start3A_691 = tpu.memref_slice %arg13[%add3A_659, %dma_start3A_690] : memref<128x64xf32, #tpu.memory_space<vmem>> -> memref<1x64xf32, #tpu.memory_space<vmem>>
        %dma_start3A_692 = tpu.memref_squeeze %dma_start3A_691 : memref<1x64xf32, #tpu.memory_space<vmem>> -> memref<64xf32, #tpu.memory_space<vmem>>
        %dma_start3A_693 = arith.constant 0 : i32
        %dma_start3A_694 = tpu.memref_slice %arg5[%squeeze3A_689, %dma_start3A_693] : memref<1000000x64xf32, #tpu.memory_space<hbm>> -> memref<1x64xf32, #tpu.memory_space<hbm>>
        %dma_start3A_695 = tpu.memref_squeeze %dma_start3A_694 : memref<1x64xf32, #tpu.memory_space<hbm>> -> memref<64xf32, #tpu.memory_space<hbm>>
        %dma_start3A_696 = arith.constant 0 : i32
        %dma_start3A_697 = tpu.memref_slice %arg13[%add3A_659, %dma_start3A_696] : memref<128x64xf32, #tpu.memory_space<vmem>> -> memref<1x64xf32, #tpu.memory_space<vmem>>
        %dma_start3A_698 = tpu.memref_squeeze %dma_start3A_697 : memref<1x64xf32, #tpu.memory_space<vmem>> -> memref<64xf32, #tpu.memory_space<vmem>>
        %dma_start3A_699 = arith.constant 0 : i32
        %dma_start3A_700 = tpu.memref_slice %arg5[%squeeze3A_689, %dma_start3A_699] : memref<1000000x64xf32, #tpu.memory_space<hbm>> -> memref<1x64xf32, #tpu.memory_space<hbm>>
        %dma_start3A_701 = tpu.memref_squeeze %dma_start3A_700 : memref<1x64xf32, #tpu.memory_space<hbm>> -> memref<64xf32, #tpu.memory_space<hbm>>
        tpu.enqueue_dma source(%dma_start3A_701 : memref<64xf32, #tpu.memory_space<hbm>>) target(%dma_start3A_698 : memref<64xf32, #tpu.memory_space<vmem>>) target_semaphore(%arg18 : memref<!tpu.dma_semaphore, #tpu.memory_space<semaphore_mem>>)
        %slice3A_702 = vector.extract_strided_slice %get3A_82 {offsets = [8], sizes = [1], strides = [1]} : vector<16xi32> to vector<1xi32>
        %squeeze3A_703 = vector.extract %slice3A_702[0] : i32 from vector<1xi32>
        %dma_start3A_704 = arith.constant 0 : i32
        %dma_start3A_705 = tpu.memref_slice %arg14[%add3A_659, %dma_start3A_704] : memref<128x64xf32, #tpu.memory_space<vmem>> -> memref<1x64xf32, #tpu.memory_space<vmem>>
        %dma_start3A_706 = tpu.memref_squeeze %dma_start3A_705 : memref<1x64xf32, #tpu.memory_space<vmem>> -> memref<64xf32, #tpu.memory_space<vmem>>
        %dma_start3A_707 = arith.constant 0 : i32
        %dma_start3A_708 = tpu.memref_slice %arg5[%squeeze3A_703, %dma_start3A_707] : memref<1000000x64xf32, #tpu.memory_space<hbm>> -> memref<1x64xf32, #tpu.memory_space<hbm>>
        %dma_start3A_709 = tpu.memref_squeeze %dma_start3A_708 : memref<1x64xf32, #tpu.memory_space<hbm>> -> memref<64xf32, #tpu.memory_space<hbm>>
        %dma_start3A_710 = arith.constant 0 : i32
        %dma_start3A_711 = tpu.memref_slice %arg14[%add3A_659, %dma_start3A_710] : memref<128x64xf32, #tpu.memory_space<vmem>> -> memref<1x64xf32, #tpu.memory_space<vmem>>
        %dma_start3A_712 = tpu.memref_squeeze %dma_start3A_711 : memref<1x64xf32, #tpu.memory_space<vmem>> -> memref<64xf32, #tpu.memory_space<vmem>>
        %dma_start3A_713 = arith.constant 0 : i32
        %dma_start3A_714 = tpu.memref_slice %arg5[%squeeze3A_703, %dma_start3A_713] : memref<1000000x64xf32, #tpu.memory_space<hbm>> -> memref<1x64xf32, #tpu.memory_space<hbm>>
        %dma_start3A_715 = tpu.memref_squeeze %dma_start3A_714 : memref<1x64xf32, #tpu.memory_space<hbm>> -> memref<64xf32, #tpu.memory_space<hbm>>
        tpu.enqueue_dma source(%dma_start3A_715 : memref<64xf32, #tpu.memory_space<hbm>>) target(%dma_start3A_712 : memref<64xf32, #tpu.memory_space<vmem>>) target_semaphore(%arg18 : memref<!tpu.dma_semaphore, #tpu.memory_space<semaphore_mem>>)
        %slice3A_716 = vector.extract_strided_slice %get3A_84 {offsets = [8], sizes = [1], strides = [1]} : vector<16xi32> to vector<1xi32>
        %squeeze3A_717 = vector.extract %slice3A_716[0] : i32 from vector<1xi32>
        %dma_start3A_718 = arith.constant 0 : i32
        %dma_start3A_719 = tpu.memref_slice %arg15[%add3A_659, %dma_start3A_718] : memref<128x64xf32, #tpu.memory_space<vmem>> -> memref<1x64xf32, #tpu.memory_space<vmem>>
        %dma_start3A_720 = tpu.memref_squeeze %dma_start3A_719 : memref<1x64xf32, #tpu.memory_space<vmem>> -> memref<64xf32, #tpu.memory_space<vmem>>
        %dma_start3A_721 = arith.constant 0 : i32
        %dma_start3A_722 = tpu.memref_slice %arg6[%squeeze3A_717, %dma_start3A_721] : memref<1000x64xf32, #tpu.memory_space<hbm>> -> memref<1x64xf32, #tpu.memory_space<hbm>>
        %dma_start3A_723 = tpu.memref_squeeze %dma_start3A_722 : memref<1x64xf32, #tpu.memory_space<hbm>> -> memref<64xf32, #tpu.memory_space<hbm>>
        %dma_start3A_724 = arith.constant 0 : i32
        %dma_start3A_725 = tpu.memref_slice %arg15[%add3A_659, %dma_start3A_724] : memref<128x64xf32, #tpu.memory_space<vmem>> -> memref<1x64xf32, #tpu.memory_space<vmem>>
        %dma_start3A_726 = tpu.memref_squeeze %dma_start3A_725 : memref<1x64xf32, #tpu.memory_space<vmem>> -> memref<64xf32, #tpu.memory_space<vmem>>
        %dma_start3A_727 = arith.constant 0 : i32
        %dma_start3A_728 = tpu.memref_slice %arg6[%squeeze3A_717, %dma_start3A_727] : memref<1000x64xf32, #tpu.memory_space<hbm>> -> memref<1x64xf32, #tpu.memory_space<hbm>>
        %dma_start3A_729 = tpu.memref_squeeze %dma_start3A_728 : memref<1x64xf32, #tpu.memory_space<hbm>> -> memref<64xf32, #tpu.memory_space<hbm>>
        tpu.enqueue_dma source(%dma_start3A_729 : memref<64xf32, #tpu.memory_space<hbm>>) target(%dma_start3A_726 : memref<64xf32, #tpu.memory_space<vmem>>) target_semaphore(%arg18 : memref<!tpu.dma_semaphore, #tpu.memory_space<semaphore_mem>>)
        %add3A_730 = arith.constant 9 : i32
        %add3A_731 = arith.addi %mul3A_67, %add3A_730 : i32
        %slice3A_732 = vector.extract_strided_slice %get3A_70 {offsets = [9], sizes = [1], strides = [1]} : vector<16xi32> to vector<1xi32>
        %squeeze3A_733 = vector.extract %slice3A_732[0] : i32 from vector<1xi32>
        %dma_start3A_734 = arith.constant 0 : i32
        %dma_start3A_735 = tpu.memref_slice %arg11[%add3A_731, %dma_start3A_734] : memref<128x64xf32, #tpu.memory_space<vmem>> -> memref<1x64xf32, #tpu.memory_space<vmem>>
        %dma_start3A_736 = tpu.memref_squeeze %dma_start3A_735 : memref<1x64xf32, #tpu.memory_space<vmem>> -> memref<64xf32, #tpu.memory_space<vmem>>
        %dma_start3A_737 = arith.constant 0 : i32
        %dma_start3A_738 = tpu.memref_slice %arg5[%squeeze3A_733, %dma_start3A_737] : memref<1000000x64xf32, #tpu.memory_space<hbm>> -> memref<1x64xf32, #tpu.memory_space<hbm>>
        %dma_start3A_739 = tpu.memref_squeeze %dma_start3A_738 : memref<1x64xf32, #tpu.memory_space<hbm>> -> memref<64xf32, #tpu.memory_space<hbm>>
        %dma_start3A_740 = arith.constant 0 : i32
        %dma_start3A_741 = tpu.memref_slice %arg11[%add3A_731, %dma_start3A_740] : memref<128x64xf32, #tpu.memory_space<vmem>> -> memref<1x64xf32, #tpu.memory_space<vmem>>
        %dma_start3A_742 = tpu.memref_squeeze %dma_start3A_741 : memref<1x64xf32, #tpu.memory_space<vmem>> -> memref<64xf32, #tpu.memory_space<vmem>>
        %dma_start3A_743 = arith.constant 0 : i32
        %dma_start3A_744 = tpu.memref_slice %arg5[%squeeze3A_733, %dma_start3A_743] : memref<1000000x64xf32, #tpu.memory_space<hbm>> -> memref<1x64xf32, #tpu.memory_space<hbm>>
        %dma_start3A_745 = tpu.memref_squeeze %dma_start3A_744 : memref<1x64xf32, #tpu.memory_space<hbm>> -> memref<64xf32, #tpu.memory_space<hbm>>
        tpu.enqueue_dma source(%dma_start3A_745 : memref<64xf32, #tpu.memory_space<hbm>>) target(%dma_start3A_742 : memref<64xf32, #tpu.memory_space<vmem>>) target_semaphore(%arg18 : memref<!tpu.dma_semaphore, #tpu.memory_space<semaphore_mem>>)
        %slice3A_746 = vector.extract_strided_slice %get3A_74 {offsets = [9], sizes = [1], strides = [1]} : vector<16xi32> to vector<1xi32>
        %squeeze3A_747 = vector.extract %slice3A_746[0] : i32 from vector<1xi32>
        %dma_start3A_748 = arith.constant 0 : i32
        %dma_start3A_749 = tpu.memref_slice %arg12[%add3A_731, %dma_start3A_748] : memref<128x64xf32, #tpu.memory_space<vmem>> -> memref<1x64xf32, #tpu.memory_space<vmem>>
        %dma_start3A_750 = tpu.memref_squeeze %dma_start3A_749 : memref<1x64xf32, #tpu.memory_space<vmem>> -> memref<64xf32, #tpu.memory_space<vmem>>
        %dma_start3A_751 = arith.constant 0 : i32
        %dma_start3A_752 = tpu.memref_slice %arg5[%squeeze3A_747, %dma_start3A_751] : memref<1000000x64xf32, #tpu.memory_space<hbm>> -> memref<1x64xf32, #tpu.memory_space<hbm>>
        %dma_start3A_753 = tpu.memref_squeeze %dma_start3A_752 : memref<1x64xf32, #tpu.memory_space<hbm>> -> memref<64xf32, #tpu.memory_space<hbm>>
        %dma_start3A_754 = arith.constant 0 : i32
        %dma_start3A_755 = tpu.memref_slice %arg12[%add3A_731, %dma_start3A_754] : memref<128x64xf32, #tpu.memory_space<vmem>> -> memref<1x64xf32, #tpu.memory_space<vmem>>
        %dma_start3A_756 = tpu.memref_squeeze %dma_start3A_755 : memref<1x64xf32, #tpu.memory_space<vmem>> -> memref<64xf32, #tpu.memory_space<vmem>>
        %dma_start3A_757 = arith.constant 0 : i32
        %dma_start3A_758 = tpu.memref_slice %arg5[%squeeze3A_747, %dma_start3A_757] : memref<1000000x64xf32, #tpu.memory_space<hbm>> -> memref<1x64xf32, #tpu.memory_space<hbm>>
        %dma_start3A_759 = tpu.memref_squeeze %dma_start3A_758 : memref<1x64xf32, #tpu.memory_space<hbm>> -> memref<64xf32, #tpu.memory_space<hbm>>
        tpu.enqueue_dma source(%dma_start3A_759 : memref<64xf32, #tpu.memory_space<hbm>>) target(%dma_start3A_756 : memref<64xf32, #tpu.memory_space<vmem>>) target_semaphore(%arg18 : memref<!tpu.dma_semaphore, #tpu.memory_space<semaphore_mem>>)
        %slice3A_760 = vector.extract_strided_slice %get3A_78 {offsets = [9], sizes = [1], strides = [1]} : vector<16xi32> to vector<1xi32>
        %squeeze3A_761 = vector.extract %slice3A_760[0] : i32 from vector<1xi32>
        %dma_start3A_762 = arith.constant 0 : i32
        %dma_start3A_763 = tpu.memref_slice %arg13[%add3A_731, %dma_start3A_762] : memref<128x64xf32, #tpu.memory_space<vmem>> -> memref<1x64xf32, #tpu.memory_space<vmem>>
        %dma_start3A_764 = tpu.memref_squeeze %dma_start3A_763 : memref<1x64xf32, #tpu.memory_space<vmem>> -> memref<64xf32, #tpu.memory_space<vmem>>
        %dma_start3A_765 = arith.constant 0 : i32
        %dma_start3A_766 = tpu.memref_slice %arg5[%squeeze3A_761, %dma_start3A_765] : memref<1000000x64xf32, #tpu.memory_space<hbm>> -> memref<1x64xf32, #tpu.memory_space<hbm>>
        %dma_start3A_767 = tpu.memref_squeeze %dma_start3A_766 : memref<1x64xf32, #tpu.memory_space<hbm>> -> memref<64xf32, #tpu.memory_space<hbm>>
        %dma_start3A_768 = arith.constant 0 : i32
        %dma_start3A_769 = tpu.memref_slice %arg13[%add3A_731, %dma_start3A_768] : memref<128x64xf32, #tpu.memory_space<vmem>> -> memref<1x64xf32, #tpu.memory_space<vmem>>
        %dma_start3A_770 = tpu.memref_squeeze %dma_start3A_769 : memref<1x64xf32, #tpu.memory_space<vmem>> -> memref<64xf32, #tpu.memory_space<vmem>>
        %dma_start3A_771 = arith.constant 0 : i32
        %dma_start3A_772 = tpu.memref_slice %arg5[%squeeze3A_761, %dma_start3A_771] : memref<1000000x64xf32, #tpu.memory_space<hbm>> -> memref<1x64xf32, #tpu.memory_space<hbm>>
        %dma_start3A_773 = tpu.memref_squeeze %dma_start3A_772 : memref<1x64xf32, #tpu.memory_space<hbm>> -> memref<64xf32, #tpu.memory_space<hbm>>
        tpu.enqueue_dma source(%dma_start3A_773 : memref<64xf32, #tpu.memory_space<hbm>>) target(%dma_start3A_770 : memref<64xf32, #tpu.memory_space<vmem>>) target_semaphore(%arg18 : memref<!tpu.dma_semaphore, #tpu.memory_space<semaphore_mem>>)
        %slice3A_774 = vector.extract_strided_slice %get3A_82 {offsets = [9], sizes = [1], strides = [1]} : vector<16xi32> to vector<1xi32>
        %squeeze3A_775 = vector.extract %slice3A_774[0] : i32 from vector<1xi32>
        %dma_start3A_776 = arith.constant 0 : i32
        %dma_start3A_777 = tpu.memref_slice %arg14[%add3A_731, %dma_start3A_776] : memref<128x64xf32, #tpu.memory_space<vmem>> -> memref<1x64xf32, #tpu.memory_space<vmem>>
        %dma_start3A_778 = tpu.memref_squeeze %dma_start3A_777 : memref<1x64xf32, #tpu.memory_space<vmem>> -> memref<64xf32, #tpu.memory_space<vmem>>
        %dma_start3A_779 = arith.constant 0 : i32
        %dma_start3A_780 = tpu.memref_slice %arg5[%squeeze3A_775, %dma_start3A_779] : memref<1000000x64xf32, #tpu.memory_space<hbm>> -> memref<1x64xf32, #tpu.memory_space<hbm>>
        %dma_start3A_781 = tpu.memref_squeeze %dma_start3A_780 : memref<1x64xf32, #tpu.memory_space<hbm>> -> memref<64xf32, #tpu.memory_space<hbm>>
        %dma_start3A_782 = arith.constant 0 : i32
        %dma_start3A_783 = tpu.memref_slice %arg14[%add3A_731, %dma_start3A_782] : memref<128x64xf32, #tpu.memory_space<vmem>> -> memref<1x64xf32, #tpu.memory_space<vmem>>
        %dma_start3A_784 = tpu.memref_squeeze %dma_start3A_783 : memref<1x64xf32, #tpu.memory_space<vmem>> -> memref<64xf32, #tpu.memory_space<vmem>>
        %dma_start3A_785 = arith.constant 0 : i32
        %dma_start3A_786 = tpu.memref_slice %arg5[%squeeze3A_775, %dma_start3A_785] : memref<1000000x64xf32, #tpu.memory_space<hbm>> -> memref<1x64xf32, #tpu.memory_space<hbm>>
        %dma_start3A_787 = tpu.memref_squeeze %dma_start3A_786 : memref<1x64xf32, #tpu.memory_space<hbm>> -> memref<64xf32, #tpu.memory_space<hbm>>
        tpu.enqueue_dma source(%dma_start3A_787 : memref<64xf32, #tpu.memory_space<hbm>>) target(%dma_start3A_784 : memref<64xf32, #tpu.memory_space<vmem>>) target_semaphore(%arg18 : memref<!tpu.dma_semaphore, #tpu.memory_space<semaphore_mem>>)
        %slice3A_788 = vector.extract_strided_slice %get3A_84 {offsets = [9], sizes = [1], strides = [1]} : vector<16xi32> to vector<1xi32>
        %squeeze3A_789 = vector.extract %slice3A_788[0] : i32 from vector<1xi32>
        %dma_start3A_790 = arith.constant 0 : i32
        %dma_start3A_791 = tpu.memref_slice %arg15[%add3A_731, %dma_start3A_790] : memref<128x64xf32, #tpu.memory_space<vmem>> -> memref<1x64xf32, #tpu.memory_space<vmem>>
        %dma_start3A_792 = tpu.memref_squeeze %dma_start3A_791 : memref<1x64xf32, #tpu.memory_space<vmem>> -> memref<64xf32, #tpu.memory_space<vmem>>
        %dma_start3A_793 = arith.constant 0 : i32
        %dma_start3A_794 = tpu.memref_slice %arg6[%squeeze3A_789, %dma_start3A_793] : memref<1000x64xf32, #tpu.memory_space<hbm>> -> memref<1x64xf32, #tpu.memory_space<hbm>>
        %dma_start3A_795 = tpu.memref_squeeze %dma_start3A_794 : memref<1x64xf32, #tpu.memory_space<hbm>> -> memref<64xf32, #tpu.memory_space<hbm>>
        %dma_start3A_796 = arith.constant 0 : i32
        %dma_start3A_797 = tpu.memref_slice %arg15[%add3A_731, %dma_start3A_796] : memref<128x64xf32, #tpu.memory_space<vmem>> -> memref<1x64xf32, #tpu.memory_space<vmem>>
        %dma_start3A_798 = tpu.memref_squeeze %dma_start3A_797 : memref<1x64xf32, #tpu.memory_space<vmem>> -> memref<64xf32, #tpu.memory_space<vmem>>
        %dma_start3A_799 = arith.constant 0 : i32
        %dma_start3A_800 = tpu.memref_slice %arg6[%squeeze3A_789, %dma_start3A_799] : memref<1000x64xf32, #tpu.memory_space<hbm>> -> memref<1x64xf32, #tpu.memory_space<hbm>>
        %dma_start3A_801 = tpu.memref_squeeze %dma_start3A_800 : memref<1x64xf32, #tpu.memory_space<hbm>> -> memref<64xf32, #tpu.memory_space<hbm>>
        tpu.enqueue_dma source(%dma_start3A_801 : memref<64xf32, #tpu.memory_space<hbm>>) target(%dma_start3A_798 : memref<64xf32, #tpu.memory_space<vmem>>) target_semaphore(%arg18 : memref<!tpu.dma_semaphore, #tpu.memory_space<semaphore_mem>>)
        %add3A_802 = arith.constant 10 : i32
        %add3A_803 = arith.addi %mul3A_67, %add3A_802 : i32
        %slice3A_804 = vector.extract_strided_slice %get3A_70 {offsets = [10], sizes = [1], strides = [1]} : vector<16xi32> to vector<1xi32>
        %squeeze3A_805 = vector.extract %slice3A_804[0] : i32 from vector<1xi32>
        %dma_start3A_806 = arith.constant 0 : i32
        %dma_start3A_807 = tpu.memref_slice %arg11[%add3A_803, %dma_start3A_806] : memref<128x64xf32, #tpu.memory_space<vmem>> -> memref<1x64xf32, #tpu.memory_space<vmem>>
        %dma_start3A_808 = tpu.memref_squeeze %dma_start3A_807 : memref<1x64xf32, #tpu.memory_space<vmem>> -> memref<64xf32, #tpu.memory_space<vmem>>
        %dma_start3A_809 = arith.constant 0 : i32
        %dma_start3A_810 = tpu.memref_slice %arg5[%squeeze3A_805, %dma_start3A_809] : memref<1000000x64xf32, #tpu.memory_space<hbm>> -> memref<1x64xf32, #tpu.memory_space<hbm>>
        %dma_start3A_811 = tpu.memref_squeeze %dma_start3A_810 : memref<1x64xf32, #tpu.memory_space<hbm>> -> memref<64xf32, #tpu.memory_space<hbm>>
        %dma_start3A_812 = arith.constant 0 : i32
        %dma_start3A_813 = tpu.memref_slice %arg11[%add3A_803, %dma_start3A_812] : memref<128x64xf32, #tpu.memory_space<vmem>> -> memref<1x64xf32, #tpu.memory_space<vmem>>
        %dma_start3A_814 = tpu.memref_squeeze %dma_start3A_813 : memref<1x64xf32, #tpu.memory_space<vmem>> -> memref<64xf32, #tpu.memory_space<vmem>>
        %dma_start3A_815 = arith.constant 0 : i32
        %dma_start3A_816 = tpu.memref_slice %arg5[%squeeze3A_805, %dma_start3A_815] : memref<1000000x64xf32, #tpu.memory_space<hbm>> -> memref<1x64xf32, #tpu.memory_space<hbm>>
        %dma_start3A_817 = tpu.memref_squeeze %dma_start3A_816 : memref<1x64xf32, #tpu.memory_space<hbm>> -> memref<64xf32, #tpu.memory_space<hbm>>
        tpu.enqueue_dma source(%dma_start3A_817 : memref<64xf32, #tpu.memory_space<hbm>>) target(%dma_start3A_814 : memref<64xf32, #tpu.memory_space<vmem>>) target_semaphore(%arg18 : memref<!tpu.dma_semaphore, #tpu.memory_space<semaphore_mem>>)
        %slice3A_818 = vector.extract_strided_slice %get3A_74 {offsets = [10], sizes = [1], strides = [1]} : vector<16xi32> to vector<1xi32>
        %squeeze3A_819 = vector.extract %slice3A_818[0] : i32 from vector<1xi32>
        %dma_start3A_820 = arith.constant 0 : i32
        %dma_start3A_821 = tpu.memref_slice %arg12[%add3A_803, %dma_start3A_820] : memref<128x64xf32, #tpu.memory_space<vmem>> -> memref<1x64xf32, #tpu.memory_space<vmem>>
        %dma_start3A_822 = tpu.memref_squeeze %dma_start3A_821 : memref<1x64xf32, #tpu.memory_space<vmem>> -> memref<64xf32, #tpu.memory_space<vmem>>
        %dma_start3A_823 = arith.constant 0 : i32
        %dma_start3A_824 = tpu.memref_slice %arg5[%squeeze3A_819, %dma_start3A_823] : memref<1000000x64xf32, #tpu.memory_space<hbm>> -> memref<1x64xf32, #tpu.memory_space<hbm>>
        %dma_start3A_825 = tpu.memref_squeeze %dma_start3A_824 : memref<1x64xf32, #tpu.memory_space<hbm>> -> memref<64xf32, #tpu.memory_space<hbm>>
        %dma_start3A_826 = arith.constant 0 : i32
        %dma_start3A_827 = tpu.memref_slice %arg12[%add3A_803, %dma_start3A_826] : memref<128x64xf32, #tpu.memory_space<vmem>> -> memref<1x64xf32, #tpu.memory_space<vmem>>
        %dma_start3A_828 = tpu.memref_squeeze %dma_start3A_827 : memref<1x64xf32, #tpu.memory_space<vmem>> -> memref<64xf32, #tpu.memory_space<vmem>>
        %dma_start3A_829 = arith.constant 0 : i32
        %dma_start3A_830 = tpu.memref_slice %arg5[%squeeze3A_819, %dma_start3A_829] : memref<1000000x64xf32, #tpu.memory_space<hbm>> -> memref<1x64xf32, #tpu.memory_space<hbm>>
        %dma_start3A_831 = tpu.memref_squeeze %dma_start3A_830 : memref<1x64xf32, #tpu.memory_space<hbm>> -> memref<64xf32, #tpu.memory_space<hbm>>
        tpu.enqueue_dma source(%dma_start3A_831 : memref<64xf32, #tpu.memory_space<hbm>>) target(%dma_start3A_828 : memref<64xf32, #tpu.memory_space<vmem>>) target_semaphore(%arg18 : memref<!tpu.dma_semaphore, #tpu.memory_space<semaphore_mem>>)
        %slice3A_832 = vector.extract_strided_slice %get3A_78 {offsets = [10], sizes = [1], strides = [1]} : vector<16xi32> to vector<1xi32>
        %squeeze3A_833 = vector.extract %slice3A_832[0] : i32 from vector<1xi32>
        %dma_start3A_834 = arith.constant 0 : i32
        %dma_start3A_835 = tpu.memref_slice %arg13[%add3A_803, %dma_start3A_834] : memref<128x64xf32, #tpu.memory_space<vmem>> -> memref<1x64xf32, #tpu.memory_space<vmem>>
        %dma_start3A_836 = tpu.memref_squeeze %dma_start3A_835 : memref<1x64xf32, #tpu.memory_space<vmem>> -> memref<64xf32, #tpu.memory_space<vmem>>
        %dma_start3A_837 = arith.constant 0 : i32
        %dma_start3A_838 = tpu.memref_slice %arg5[%squeeze3A_833, %dma_start3A_837] : memref<1000000x64xf32, #tpu.memory_space<hbm>> -> memref<1x64xf32, #tpu.memory_space<hbm>>
        %dma_start3A_839 = tpu.memref_squeeze %dma_start3A_838 : memref<1x64xf32, #tpu.memory_space<hbm>> -> memref<64xf32, #tpu.memory_space<hbm>>
        %dma_start3A_840 = arith.constant 0 : i32
        %dma_start3A_841 = tpu.memref_slice %arg13[%add3A_803, %dma_start3A_840] : memref<128x64xf32, #tpu.memory_space<vmem>> -> memref<1x64xf32, #tpu.memory_space<vmem>>
        %dma_start3A_842 = tpu.memref_squeeze %dma_start3A_841 : memref<1x64xf32, #tpu.memory_space<vmem>> -> memref<64xf32, #tpu.memory_space<vmem>>
        %dma_start3A_843 = arith.constant 0 : i32
        %dma_start3A_844 = tpu.memref_slice %arg5[%squeeze3A_833, %dma_start3A_843] : memref<1000000x64xf32, #tpu.memory_space<hbm>> -> memref<1x64xf32, #tpu.memory_space<hbm>>
        %dma_start3A_845 = tpu.memref_squeeze %dma_start3A_844 : memref<1x64xf32, #tpu.memory_space<hbm>> -> memref<64xf32, #tpu.memory_space<hbm>>
        tpu.enqueue_dma source(%dma_start3A_845 : memref<64xf32, #tpu.memory_space<hbm>>) target(%dma_start3A_842 : memref<64xf32, #tpu.memory_space<vmem>>) target_semaphore(%arg18 : memref<!tpu.dma_semaphore, #tpu.memory_space<semaphore_mem>>)
        %slice3A_846 = vector.extract_strided_slice %get3A_82 {offsets = [10], sizes = [1], strides = [1]} : vector<16xi32> to vector<1xi32>
        %squeeze3A_847 = vector.extract %slice3A_846[0] : i32 from vector<1xi32>
        %dma_start3A_848 = arith.constant 0 : i32
        %dma_start3A_849 = tpu.memref_slice %arg14[%add3A_803, %dma_start3A_848] : memref<128x64xf32, #tpu.memory_space<vmem>> -> memref<1x64xf32, #tpu.memory_space<vmem>>
        %dma_start3A_850 = tpu.memref_squeeze %dma_start3A_849 : memref<1x64xf32, #tpu.memory_space<vmem>> -> memref<64xf32, #tpu.memory_space<vmem>>
        %dma_start3A_851 = arith.constant 0 : i32
        %dma_start3A_852 = tpu.memref_slice %arg5[%squeeze3A_847, %dma_start3A_851] : memref<1000000x64xf32, #tpu.memory_space<hbm>> -> memref<1x64xf32, #tpu.memory_space<hbm>>
        %dma_start3A_853 = tpu.memref_squeeze %dma_start3A_852 : memref<1x64xf32, #tpu.memory_space<hbm>> -> memref<64xf32, #tpu.memory_space<hbm>>
        %dma_start3A_854 = arith.constant 0 : i32
        %dma_start3A_855 = tpu.memref_slice %arg14[%add3A_803, %dma_start3A_854] : memref<128x64xf32, #tpu.memory_space<vmem>> -> memref<1x64xf32, #tpu.memory_space<vmem>>
        %dma_start3A_856 = tpu.memref_squeeze %dma_start3A_855 : memref<1x64xf32, #tpu.memory_space<vmem>> -> memref<64xf32, #tpu.memory_space<vmem>>
        %dma_start3A_857 = arith.constant 0 : i32
        %dma_start3A_858 = tpu.memref_slice %arg5[%squeeze3A_847, %dma_start3A_857] : memref<1000000x64xf32, #tpu.memory_space<hbm>> -> memref<1x64xf32, #tpu.memory_space<hbm>>
        %dma_start3A_859 = tpu.memref_squeeze %dma_start3A_858 : memref<1x64xf32, #tpu.memory_space<hbm>> -> memref<64xf32, #tpu.memory_space<hbm>>
        tpu.enqueue_dma source(%dma_start3A_859 : memref<64xf32, #tpu.memory_space<hbm>>) target(%dma_start3A_856 : memref<64xf32, #tpu.memory_space<vmem>>) target_semaphore(%arg18 : memref<!tpu.dma_semaphore, #tpu.memory_space<semaphore_mem>>)
        %slice3A_860 = vector.extract_strided_slice %get3A_84 {offsets = [10], sizes = [1], strides = [1]} : vector<16xi32> to vector<1xi32>
        %squeeze3A_861 = vector.extract %slice3A_860[0] : i32 from vector<1xi32>
        %dma_start3A_862 = arith.constant 0 : i32
        %dma_start3A_863 = tpu.memref_slice %arg15[%add3A_803, %dma_start3A_862] : memref<128x64xf32, #tpu.memory_space<vmem>> -> memref<1x64xf32, #tpu.memory_space<vmem>>
        %dma_start3A_864 = tpu.memref_squeeze %dma_start3A_863 : memref<1x64xf32, #tpu.memory_space<vmem>> -> memref<64xf32, #tpu.memory_space<vmem>>
        %dma_start3A_865 = arith.constant 0 : i32
        %dma_start3A_866 = tpu.memref_slice %arg6[%squeeze3A_861, %dma_start3A_865] : memref<1000x64xf32, #tpu.memory_space<hbm>> -> memref<1x64xf32, #tpu.memory_space<hbm>>
        %dma_start3A_867 = tpu.memref_squeeze %dma_start3A_866 : memref<1x64xf32, #tpu.memory_space<hbm>> -> memref<64xf32, #tpu.memory_space<hbm>>
        %dma_start3A_868 = arith.constant 0 : i32
        %dma_start3A_869 = tpu.memref_slice %arg15[%add3A_803, %dma_start3A_868] : memref<128x64xf32, #tpu.memory_space<vmem>> -> memref<1x64xf32, #tpu.memory_space<vmem>>
        %dma_start3A_870 = tpu.memref_squeeze %dma_start3A_869 : memref<1x64xf32, #tpu.memory_space<vmem>> -> memref<64xf32, #tpu.memory_space<vmem>>
        %dma_start3A_871 = arith.constant 0 : i32
        %dma_start3A_872 = tpu.memref_slice %arg6[%squeeze3A_861, %dma_start3A_871] : memref<1000x64xf32, #tpu.memory_space<hbm>> -> memref<1x64xf32, #tpu.memory_space<hbm>>
        %dma_start3A_873 = tpu.memref_squeeze %dma_start3A_872 : memref<1x64xf32, #tpu.memory_space<hbm>> -> memref<64xf32, #tpu.memory_space<hbm>>
        tpu.enqueue_dma source(%dma_start3A_873 : memref<64xf32, #tpu.memory_space<hbm>>) target(%dma_start3A_870 : memref<64xf32, #tpu.memory_space<vmem>>) target_semaphore(%arg18 : memref<!tpu.dma_semaphore, #tpu.memory_space<semaphore_mem>>)
        %add3A_874 = arith.constant 11 : i32
        %add3A_875 = arith.addi %mul3A_67, %add3A_874 : i32
        %slice3A_876 = vector.extract_strided_slice %get3A_70 {offsets = [11], sizes = [1], strides = [1]} : vector<16xi32> to vector<1xi32>
        %squeeze3A_877 = vector.extract %slice3A_876[0] : i32 from vector<1xi32>
        %dma_start3A_878 = arith.constant 0 : i32
        %dma_start3A_879 = tpu.memref_slice %arg11[%add3A_875, %dma_start3A_878] : memref<128x64xf32, #tpu.memory_space<vmem>> -> memref<1x64xf32, #tpu.memory_space<vmem>>
        %dma_start3A_880 = tpu.memref_squeeze %dma_start3A_879 : memref<1x64xf32, #tpu.memory_space<vmem>> -> memref<64xf32, #tpu.memory_space<vmem>>
        %dma_start3A_881 = arith.constant 0 : i32
        %dma_start3A_882 = tpu.memref_slice %arg5[%squeeze3A_877, %dma_start3A_881] : memref<1000000x64xf32, #tpu.memory_space<hbm>> -> memref<1x64xf32, #tpu.memory_space<hbm>>
        %dma_start3A_883 = tpu.memref_squeeze %dma_start3A_882 : memref<1x64xf32, #tpu.memory_space<hbm>> -> memref<64xf32, #tpu.memory_space<hbm>>
        %dma_start3A_884 = arith.constant 0 : i32
        %dma_start3A_885 = tpu.memref_slice %arg11[%add3A_875, %dma_start3A_884] : memref<128x64xf32, #tpu.memory_space<vmem>> -> memref<1x64xf32, #tpu.memory_space<vmem>>
        %dma_start3A_886 = tpu.memref_squeeze %dma_start3A_885 : memref<1x64xf32, #tpu.memory_space<vmem>> -> memref<64xf32, #tpu.memory_space<vmem>>
        %dma_start3A_887 = arith.constant 0 : i32
        %dma_start3A_888 = tpu.memref_slice %arg5[%squeeze3A_877, %dma_start3A_887] : memref<1000000x64xf32, #tpu.memory_space<hbm>> -> memref<1x64xf32, #tpu.memory_space<hbm>>
        %dma_start3A_889 = tpu.memref_squeeze %dma_start3A_888 : memref<1x64xf32, #tpu.memory_space<hbm>> -> memref<64xf32, #tpu.memory_space<hbm>>
        tpu.enqueue_dma source(%dma_start3A_889 : memref<64xf32, #tpu.memory_space<hbm>>) target(%dma_start3A_886 : memref<64xf32, #tpu.memory_space<vmem>>) target_semaphore(%arg18 : memref<!tpu.dma_semaphore, #tpu.memory_space<semaphore_mem>>)
        %slice3A_890 = vector.extract_strided_slice %get3A_74 {offsets = [11], sizes = [1], strides = [1]} : vector<16xi32> to vector<1xi32>
        %squeeze3A_891 = vector.extract %slice3A_890[0] : i32 from vector<1xi32>
        %dma_start3A_892 = arith.constant 0 : i32
        %dma_start3A_893 = tpu.memref_slice %arg12[%add3A_875, %dma_start3A_892] : memref<128x64xf32, #tpu.memory_space<vmem>> -> memref<1x64xf32, #tpu.memory_space<vmem>>
        %dma_start3A_894 = tpu.memref_squeeze %dma_start3A_893 : memref<1x64xf32, #tpu.memory_space<vmem>> -> memref<64xf32, #tpu.memory_space<vmem>>
        %dma_start3A_895 = arith.constant 0 : i32
        %dma_start3A_896 = tpu.memref_slice %arg5[%squeeze3A_891, %dma_start3A_895] : memref<1000000x64xf32, #tpu.memory_space<hbm>> -> memref<1x64xf32, #tpu.memory_space<hbm>>
        %dma_start3A_897 = tpu.memref_squeeze %dma_start3A_896 : memref<1x64xf32, #tpu.memory_space<hbm>> -> memref<64xf32, #tpu.memory_space<hbm>>
        %dma_start3A_898 = arith.constant 0 : i32
        %dma_start3A_899 = tpu.memref_slice %arg12[%add3A_875, %dma_start3A_898] : memref<128x64xf32, #tpu.memory_space<vmem>> -> memref<1x64xf32, #tpu.memory_space<vmem>>
        %dma_start3A_900 = tpu.memref_squeeze %dma_start3A_899 : memref<1x64xf32, #tpu.memory_space<vmem>> -> memref<64xf32, #tpu.memory_space<vmem>>
        %dma_start3A_901 = arith.constant 0 : i32
        %dma_start3A_902 = tpu.memref_slice %arg5[%squeeze3A_891, %dma_start3A_901] : memref<1000000x64xf32, #tpu.memory_space<hbm>> -> memref<1x64xf32, #tpu.memory_space<hbm>>
        %dma_start3A_903 = tpu.memref_squeeze %dma_start3A_902 : memref<1x64xf32, #tpu.memory_space<hbm>> -> memref<64xf32, #tpu.memory_space<hbm>>
        tpu.enqueue_dma source(%dma_start3A_903 : memref<64xf32, #tpu.memory_space<hbm>>) target(%dma_start3A_900 : memref<64xf32, #tpu.memory_space<vmem>>) target_semaphore(%arg18 : memref<!tpu.dma_semaphore, #tpu.memory_space<semaphore_mem>>)
        %slice3A_904 = vector.extract_strided_slice %get3A_78 {offsets = [11], sizes = [1], strides = [1]} : vector<16xi32> to vector<1xi32>
        %squeeze3A_905 = vector.extract %slice3A_904[0] : i32 from vector<1xi32>
        %dma_start3A_906 = arith.constant 0 : i32
        %dma_start3A_907 = tpu.memref_slice %arg13[%add3A_875, %dma_start3A_906] : memref<128x64xf32, #tpu.memory_space<vmem>> -> memref<1x64xf32, #tpu.memory_space<vmem>>
        %dma_start3A_908 = tpu.memref_squeeze %dma_start3A_907 : memref<1x64xf32, #tpu.memory_space<vmem>> -> memref<64xf32, #tpu.memory_space<vmem>>
        %dma_start3A_909 = arith.constant 0 : i32
        %dma_start3A_910 = tpu.memref_slice %arg5[%squeeze3A_905, %dma_start3A_909] : memref<1000000x64xf32, #tpu.memory_space<hbm>> -> memref<1x64xf32, #tpu.memory_space<hbm>>
        %dma_start3A_911 = tpu.memref_squeeze %dma_start3A_910 : memref<1x64xf32, #tpu.memory_space<hbm>> -> memref<64xf32, #tpu.memory_space<hbm>>
        %dma_start3A_912 = arith.constant 0 : i32
        %dma_start3A_913 = tpu.memref_slice %arg13[%add3A_875, %dma_start3A_912] : memref<128x64xf32, #tpu.memory_space<vmem>> -> memref<1x64xf32, #tpu.memory_space<vmem>>
        %dma_start3A_914 = tpu.memref_squeeze %dma_start3A_913 : memref<1x64xf32, #tpu.memory_space<vmem>> -> memref<64xf32, #tpu.memory_space<vmem>>
        %dma_start3A_915 = arith.constant 0 : i32
        %dma_start3A_916 = tpu.memref_slice %arg5[%squeeze3A_905, %dma_start3A_915] : memref<1000000x64xf32, #tpu.memory_space<hbm>> -> memref<1x64xf32, #tpu.memory_space<hbm>>
        %dma_start3A_917 = tpu.memref_squeeze %dma_start3A_916 : memref<1x64xf32, #tpu.memory_space<hbm>> -> memref<64xf32, #tpu.memory_space<hbm>>
        tpu.enqueue_dma source(%dma_start3A_917 : memref<64xf32, #tpu.memory_space<hbm>>) target(%dma_start3A_914 : memref<64xf32, #tpu.memory_space<vmem>>) target_semaphore(%arg18 : memref<!tpu.dma_semaphore, #tpu.memory_space<semaphore_mem>>)
        %slice3A_918 = vector.extract_strided_slice %get3A_82 {offsets = [11], sizes = [1], strides = [1]} : vector<16xi32> to vector<1xi32>
        %squeeze3A_919 = vector.extract %slice3A_918[0] : i32 from vector<1xi32>
        %dma_start3A_920 = arith.constant 0 : i32
        %dma_start3A_921 = tpu.memref_slice %arg14[%add3A_875, %dma_start3A_920] : memref<128x64xf32, #tpu.memory_space<vmem>> -> memref<1x64xf32, #tpu.memory_space<vmem>>
        %dma_start3A_922 = tpu.memref_squeeze %dma_start3A_921 : memref<1x64xf32, #tpu.memory_space<vmem>> -> memref<64xf32, #tpu.memory_space<vmem>>
        %dma_start3A_923 = arith.constant 0 : i32
        %dma_start3A_924 = tpu.memref_slice %arg5[%squeeze3A_919, %dma_start3A_923] : memref<1000000x64xf32, #tpu.memory_space<hbm>> -> memref<1x64xf32, #tpu.memory_space<hbm>>
        %dma_start3A_925 = tpu.memref_squeeze %dma_start3A_924 : memref<1x64xf32, #tpu.memory_space<hbm>> -> memref<64xf32, #tpu.memory_space<hbm>>
        %dma_start3A_926 = arith.constant 0 : i32
        %dma_start3A_927 = tpu.memref_slice %arg14[%add3A_875, %dma_start3A_926] : memref<128x64xf32, #tpu.memory_space<vmem>> -> memref<1x64xf32, #tpu.memory_space<vmem>>
        %dma_start3A_928 = tpu.memref_squeeze %dma_start3A_927 : memref<1x64xf32, #tpu.memory_space<vmem>> -> memref<64xf32, #tpu.memory_space<vmem>>
        %dma_start3A_929 = arith.constant 0 : i32
        %dma_start3A_930 = tpu.memref_slice %arg5[%squeeze3A_919, %dma_start3A_929] : memref<1000000x64xf32, #tpu.memory_space<hbm>> -> memref<1x64xf32, #tpu.memory_space<hbm>>
        %dma_start3A_931 = tpu.memref_squeeze %dma_start3A_930 : memref<1x64xf32, #tpu.memory_space<hbm>> -> memref<64xf32, #tpu.memory_space<hbm>>
        tpu.enqueue_dma source(%dma_start3A_931 : memref<64xf32, #tpu.memory_space<hbm>>) target(%dma_start3A_928 : memref<64xf32, #tpu.memory_space<vmem>>) target_semaphore(%arg18 : memref<!tpu.dma_semaphore, #tpu.memory_space<semaphore_mem>>)
        %slice3A_932 = vector.extract_strided_slice %get3A_84 {offsets = [11], sizes = [1], strides = [1]} : vector<16xi32> to vector<1xi32>
        %squeeze3A_933 = vector.extract %slice3A_932[0] : i32 from vector<1xi32>
        %dma_start3A_934 = arith.constant 0 : i32
        %dma_start3A_935 = tpu.memref_slice %arg15[%add3A_875, %dma_start3A_934] : memref<128x64xf32, #tpu.memory_space<vmem>> -> memref<1x64xf32, #tpu.memory_space<vmem>>
        %dma_start3A_936 = tpu.memref_squeeze %dma_start3A_935 : memref<1x64xf32, #tpu.memory_space<vmem>> -> memref<64xf32, #tpu.memory_space<vmem>>
        %dma_start3A_937 = arith.constant 0 : i32
        %dma_start3A_938 = tpu.memref_slice %arg6[%squeeze3A_933, %dma_start3A_937] : memref<1000x64xf32, #tpu.memory_space<hbm>> -> memref<1x64xf32, #tpu.memory_space<hbm>>
        %dma_start3A_939 = tpu.memref_squeeze %dma_start3A_938 : memref<1x64xf32, #tpu.memory_space<hbm>> -> memref<64xf32, #tpu.memory_space<hbm>>
        %dma_start3A_940 = arith.constant 0 : i32
        %dma_start3A_941 = tpu.memref_slice %arg15[%add3A_875, %dma_start3A_940] : memref<128x64xf32, #tpu.memory_space<vmem>> -> memref<1x64xf32, #tpu.memory_space<vmem>>
        %dma_start3A_942 = tpu.memref_squeeze %dma_start3A_941 : memref<1x64xf32, #tpu.memory_space<vmem>> -> memref<64xf32, #tpu.memory_space<vmem>>
        %dma_start3A_943 = arith.constant 0 : i32
        %dma_start3A_944 = tpu.memref_slice %arg6[%squeeze3A_933, %dma_start3A_943] : memref<1000x64xf32, #tpu.memory_space<hbm>> -> memref<1x64xf32, #tpu.memory_space<hbm>>
        %dma_start3A_945 = tpu.memref_squeeze %dma_start3A_944 : memref<1x64xf32, #tpu.memory_space<hbm>> -> memref<64xf32, #tpu.memory_space<hbm>>
        tpu.enqueue_dma source(%dma_start3A_945 : memref<64xf32, #tpu.memory_space<hbm>>) target(%dma_start3A_942 : memref<64xf32, #tpu.memory_space<vmem>>) target_semaphore(%arg18 : memref<!tpu.dma_semaphore, #tpu.memory_space<semaphore_mem>>)
        %add3A_946 = arith.constant 12 : i32
        %add3A_947 = arith.addi %mul3A_67, %add3A_946 : i32
        %slice3A_948 = vector.extract_strided_slice %get3A_70 {offsets = [12], sizes = [1], strides = [1]} : vector<16xi32> to vector<1xi32>
        %squeeze3A_949 = vector.extract %slice3A_948[0] : i32 from vector<1xi32>
        %dma_start3A_950 = arith.constant 0 : i32
        %dma_start3A_951 = tpu.memref_slice %arg11[%add3A_947, %dma_start3A_950] : memref<128x64xf32, #tpu.memory_space<vmem>> -> memref<1x64xf32, #tpu.memory_space<vmem>>
        %dma_start3A_952 = tpu.memref_squeeze %dma_start3A_951 : memref<1x64xf32, #tpu.memory_space<vmem>> -> memref<64xf32, #tpu.memory_space<vmem>>
        %dma_start3A_953 = arith.constant 0 : i32
        %dma_start3A_954 = tpu.memref_slice %arg5[%squeeze3A_949, %dma_start3A_953] : memref<1000000x64xf32, #tpu.memory_space<hbm>> -> memref<1x64xf32, #tpu.memory_space<hbm>>
        %dma_start3A_955 = tpu.memref_squeeze %dma_start3A_954 : memref<1x64xf32, #tpu.memory_space<hbm>> -> memref<64xf32, #tpu.memory_space<hbm>>
        %dma_start3A_956 = arith.constant 0 : i32
        %dma_start3A_957 = tpu.memref_slice %arg11[%add3A_947, %dma_start3A_956] : memref<128x64xf32, #tpu.memory_space<vmem>> -> memref<1x64xf32, #tpu.memory_space<vmem>>
        %dma_start3A_958 = tpu.memref_squeeze %dma_start3A_957 : memref<1x64xf32, #tpu.memory_space<vmem>> -> memref<64xf32, #tpu.memory_space<vmem>>
        %dma_start3A_959 = arith.constant 0 : i32
        %dma_start3A_960 = tpu.memref_slice %arg5[%squeeze3A_949, %dma_start3A_959] : memref<1000000x64xf32, #tpu.memory_space<hbm>> -> memref<1x64xf32, #tpu.memory_space<hbm>>
        %dma_start3A_961 = tpu.memref_squeeze %dma_start3A_960 : memref<1x64xf32, #tpu.memory_space<hbm>> -> memref<64xf32, #tpu.memory_space<hbm>>
        tpu.enqueue_dma source(%dma_start3A_961 : memref<64xf32, #tpu.memory_space<hbm>>) target(%dma_start3A_958 : memref<64xf32, #tpu.memory_space<vmem>>) target_semaphore(%arg18 : memref<!tpu.dma_semaphore, #tpu.memory_space<semaphore_mem>>)
        %slice3A_962 = vector.extract_strided_slice %get3A_74 {offsets = [12], sizes = [1], strides = [1]} : vector<16xi32> to vector<1xi32>
        %squeeze3A_963 = vector.extract %slice3A_962[0] : i32 from vector<1xi32>
        %dma_start3A_964 = arith.constant 0 : i32
        %dma_start3A_965 = tpu.memref_slice %arg12[%add3A_947, %dma_start3A_964] : memref<128x64xf32, #tpu.memory_space<vmem>> -> memref<1x64xf32, #tpu.memory_space<vmem>>
        %dma_start3A_966 = tpu.memref_squeeze %dma_start3A_965 : memref<1x64xf32, #tpu.memory_space<vmem>> -> memref<64xf32, #tpu.memory_space<vmem>>
        %dma_start3A_967 = arith.constant 0 : i32
        %dma_start3A_968 = tpu.memref_slice %arg5[%squeeze3A_963, %dma_start3A_967] : memref<1000000x64xf32, #tpu.memory_space<hbm>> -> memref<1x64xf32, #tpu.memory_space<hbm>>
        %dma_start3A_969 = tpu.memref_squeeze %dma_start3A_968 : memref<1x64xf32, #tpu.memory_space<hbm>> -> memref<64xf32, #tpu.memory_space<hbm>>
        %dma_start3A_970 = arith.constant 0 : i32
        %dma_start3A_971 = tpu.memref_slice %arg12[%add3A_947, %dma_start3A_970] : memref<128x64xf32, #tpu.memory_space<vmem>> -> memref<1x64xf32, #tpu.memory_space<vmem>>
        %dma_start3A_972 = tpu.memref_squeeze %dma_start3A_971 : memref<1x64xf32, #tpu.memory_space<vmem>> -> memref<64xf32, #tpu.memory_space<vmem>>
        %dma_start3A_973 = arith.constant 0 : i32
        %dma_start3A_974 = tpu.memref_slice %arg5[%squeeze3A_963, %dma_start3A_973] : memref<1000000x64xf32, #tpu.memory_space<hbm>> -> memref<1x64xf32, #tpu.memory_space<hbm>>
        %dma_start3A_975 = tpu.memref_squeeze %dma_start3A_974 : memref<1x64xf32, #tpu.memory_space<hbm>> -> memref<64xf32, #tpu.memory_space<hbm>>
        tpu.enqueue_dma source(%dma_start3A_975 : memref<64xf32, #tpu.memory_space<hbm>>) target(%dma_start3A_972 : memref<64xf32, #tpu.memory_space<vmem>>) target_semaphore(%arg18 : memref<!tpu.dma_semaphore, #tpu.memory_space<semaphore_mem>>)
        %slice3A_976 = vector.extract_strided_slice %get3A_78 {offsets = [12], sizes = [1], strides = [1]} : vector<16xi32> to vector<1xi32>
        %squeeze3A_977 = vector.extract %slice3A_976[0] : i32 from vector<1xi32>
        %dma_start3A_978 = arith.constant 0 : i32
        %dma_start3A_979 = tpu.memref_slice %arg13[%add3A_947, %dma_start3A_978] : memref<128x64xf32, #tpu.memory_space<vmem>> -> memref<1x64xf32, #tpu.memory_space<vmem>>
        %dma_start3A_980 = tpu.memref_squeeze %dma_start3A_979 : memref<1x64xf32, #tpu.memory_space<vmem>> -> memref<64xf32, #tpu.memory_space<vmem>>
        %dma_start3A_981 = arith.constant 0 : i32
        %dma_start3A_982 = tpu.memref_slice %arg5[%squeeze3A_977, %dma_start3A_981] : memref<1000000x64xf32, #tpu.memory_space<hbm>> -> memref<1x64xf32, #tpu.memory_space<hbm>>
        %dma_start3A_983 = tpu.memref_squeeze %dma_start3A_982 : memref<1x64xf32, #tpu.memory_space<hbm>> -> memref<64xf32, #tpu.memory_space<hbm>>
        %dma_start3A_984 = arith.constant 0 : i32
        %dma_start3A_985 = tpu.memref_slice %arg13[%add3A_947, %dma_start3A_984] : memref<128x64xf32, #tpu.memory_space<vmem>> -> memref<1x64xf32, #tpu.memory_space<vmem>>
        %dma_start3A_986 = tpu.memref_squeeze %dma_start3A_985 : memref<1x64xf32, #tpu.memory_space<vmem>> -> memref<64xf32, #tpu.memory_space<vmem>>
        %dma_start3A_987 = arith.constant 0 : i32
        %dma_start3A_988 = tpu.memref_slice %arg5[%squeeze3A_977, %dma_start3A_987] : memref<1000000x64xf32, #tpu.memory_space<hbm>> -> memref<1x64xf32, #tpu.memory_space<hbm>>
        %dma_start3A_989 = tpu.memref_squeeze %dma_start3A_988 : memref<1x64xf32, #tpu.memory_space<hbm>> -> memref<64xf32, #tpu.memory_space<hbm>>
        tpu.enqueue_dma source(%dma_start3A_989 : memref<64xf32, #tpu.memory_space<hbm>>) target(%dma_start3A_986 : memref<64xf32, #tpu.memory_space<vmem>>) target_semaphore(%arg18 : memref<!tpu.dma_semaphore, #tpu.memory_space<semaphore_mem>>)
        %slice3A_990 = vector.extract_strided_slice %get3A_82 {offsets = [12], sizes = [1], strides = [1]} : vector<16xi32> to vector<1xi32>
        %squeeze3A_991 = vector.extract %slice3A_990[0] : i32 from vector<1xi32>
        %dma_start3A_992 = arith.constant 0 : i32
        %dma_start3A_993 = tpu.memref_slice %arg14[%add3A_947, %dma_start3A_992] : memref<128x64xf32, #tpu.memory_space<vmem>> -> memref<1x64xf32, #tpu.memory_space<vmem>>
        %dma_start3A_994 = tpu.memref_squeeze %dma_start3A_993 : memref<1x64xf32, #tpu.memory_space<vmem>> -> memref<64xf32, #tpu.memory_space<vmem>>
        %dma_start3A_995 = arith.constant 0 : i32
        %dma_start3A_996 = tpu.memref_slice %arg5[%squeeze3A_991, %dma_start3A_995] : memref<1000000x64xf32, #tpu.memory_space<hbm>> -> memref<1x64xf32, #tpu.memory_space<hbm>>
        %dma_start3A_997 = tpu.memref_squeeze %dma_start3A_996 : memref<1x64xf32, #tpu.memory_space<hbm>> -> memref<64xf32, #tpu.memory_space<hbm>>
        %dma_start3A_998 = arith.constant 0 : i32
        %dma_start3A_999 = tpu.memref_slice %arg14[%add3A_947, %dma_start3A_998] : memref<128x64xf32, #tpu.memory_space<vmem>> -> memref<1x64xf32, #tpu.memory_space<vmem>>
        %dma_start3A_1000 = tpu.memref_squeeze %dma_start3A_999 : memref<1x64xf32, #tpu.memory_space<vmem>> -> memref<64xf32, #tpu.memory_space<vmem>>
        %dma_start3A_1001 = arith.constant 0 : i32
        %dma_start3A_1002 = tpu.memref_slice %arg5[%squeeze3A_991, %dma_start3A_1001] : memref<1000000x64xf32, #tpu.memory_space<hbm>> -> memref<1x64xf32, #tpu.memory_space<hbm>>
        %dma_start3A_1003 = tpu.memref_squeeze %dma_start3A_1002 : memref<1x64xf32, #tpu.memory_space<hbm>> -> memref<64xf32, #tpu.memory_space<hbm>>
        tpu.enqueue_dma source(%dma_start3A_1003 : memref<64xf32, #tpu.memory_space<hbm>>) target(%dma_start3A_1000 : memref<64xf32, #tpu.memory_space<vmem>>) target_semaphore(%arg18 : memref<!tpu.dma_semaphore, #tpu.memory_space<semaphore_mem>>)
        %slice3A_1004 = vector.extract_strided_slice %get3A_84 {offsets = [12], sizes = [1], strides = [1]} : vector<16xi32> to vector<1xi32>
        %squeeze3A_1005 = vector.extract %slice3A_1004[0] : i32 from vector<1xi32>
        %dma_start3A_1006 = arith.constant 0 : i32
        %dma_start3A_1007 = tpu.memref_slice %arg15[%add3A_947, %dma_start3A_1006] : memref<128x64xf32, #tpu.memory_space<vmem>> -> memref<1x64xf32, #tpu.memory_space<vmem>>
        %dma_start3A_1008 = tpu.memref_squeeze %dma_start3A_1007 : memref<1x64xf32, #tpu.memory_space<vmem>> -> memref<64xf32, #tpu.memory_space<vmem>>
        %dma_start3A_1009 = arith.constant 0 : i32
        %dma_start3A_1010 = tpu.memref_slice %arg6[%squeeze3A_1005, %dma_start3A_1009] : memref<1000x64xf32, #tpu.memory_space<hbm>> -> memref<1x64xf32, #tpu.memory_space<hbm>>
        %dma_start3A_1011 = tpu.memref_squeeze %dma_start3A_1010 : memref<1x64xf32, #tpu.memory_space<hbm>> -> memref<64xf32, #tpu.memory_space<hbm>>
        %dma_start3A_1012 = arith.constant 0 : i32
        %dma_start3A_1013 = tpu.memref_slice %arg15[%add3A_947, %dma_start3A_1012] : memref<128x64xf32, #tpu.memory_space<vmem>> -> memref<1x64xf32, #tpu.memory_space<vmem>>
        %dma_start3A_1014 = tpu.memref_squeeze %dma_start3A_1013 : memref<1x64xf32, #tpu.memory_space<vmem>> -> memref<64xf32, #tpu.memory_space<vmem>>
        %dma_start3A_1015 = arith.constant 0 : i32
        %dma_start3A_1016 = tpu.memref_slice %arg6[%squeeze3A_1005, %dma_start3A_1015] : memref<1000x64xf32, #tpu.memory_space<hbm>> -> memref<1x64xf32, #tpu.memory_space<hbm>>
        %dma_start3A_1017 = tpu.memref_squeeze %dma_start3A_1016 : memref<1x64xf32, #tpu.memory_space<hbm>> -> memref<64xf32, #tpu.memory_space<hbm>>
        tpu.enqueue_dma source(%dma_start3A_1017 : memref<64xf32, #tpu.memory_space<hbm>>) target(%dma_start3A_1014 : memref<64xf32, #tpu.memory_space<vmem>>) target_semaphore(%arg18 : memref<!tpu.dma_semaphore, #tpu.memory_space<semaphore_mem>>)
        %add3A_1018 = arith.constant 13 : i32
        %add3A_1019 = arith.addi %mul3A_67, %add3A_1018 : i32
        %slice3A_1020 = vector.extract_strided_slice %get3A_70 {offsets = [13], sizes = [1], strides = [1]} : vector<16xi32> to vector<1xi32>
        %squeeze3A_1021 = vector.extract %slice3A_1020[0] : i32 from vector<1xi32>
        %dma_start3A_1022 = arith.constant 0 : i32
        %dma_start3A_1023 = tpu.memref_slice %arg11[%add3A_1019, %dma_start3A_1022] : memref<128x64xf32, #tpu.memory_space<vmem>> -> memref<1x64xf32, #tpu.memory_space<vmem>>
        %dma_start3A_1024 = tpu.memref_squeeze %dma_start3A_1023 : memref<1x64xf32, #tpu.memory_space<vmem>> -> memref<64xf32, #tpu.memory_space<vmem>>
        %dma_start3A_1025 = arith.constant 0 : i32
        %dma_start3A_1026 = tpu.memref_slice %arg5[%squeeze3A_1021, %dma_start3A_1025] : memref<1000000x64xf32, #tpu.memory_space<hbm>> -> memref<1x64xf32, #tpu.memory_space<hbm>>
        %dma_start3A_1027 = tpu.memref_squeeze %dma_start3A_1026 : memref<1x64xf32, #tpu.memory_space<hbm>> -> memref<64xf32, #tpu.memory_space<hbm>>
        %dma_start3A_1028 = arith.constant 0 : i32
        %dma_start3A_1029 = tpu.memref_slice %arg11[%add3A_1019, %dma_start3A_1028] : memref<128x64xf32, #tpu.memory_space<vmem>> -> memref<1x64xf32, #tpu.memory_space<vmem>>
        %dma_start3A_1030 = tpu.memref_squeeze %dma_start3A_1029 : memref<1x64xf32, #tpu.memory_space<vmem>> -> memref<64xf32, #tpu.memory_space<vmem>>
        %dma_start3A_1031 = arith.constant 0 : i32
        %dma_start3A_1032 = tpu.memref_slice %arg5[%squeeze3A_1021, %dma_start3A_1031] : memref<1000000x64xf32, #tpu.memory_space<hbm>> -> memref<1x64xf32, #tpu.memory_space<hbm>>
        %dma_start3A_1033 = tpu.memref_squeeze %dma_start3A_1032 : memref<1x64xf32, #tpu.memory_space<hbm>> -> memref<64xf32, #tpu.memory_space<hbm>>
        tpu.enqueue_dma source(%dma_start3A_1033 : memref<64xf32, #tpu.memory_space<hbm>>) target(%dma_start3A_1030 : memref<64xf32, #tpu.memory_space<vmem>>) target_semaphore(%arg18 : memref<!tpu.dma_semaphore, #tpu.memory_space<semaphore_mem>>)
        %slice3A_1034 = vector.extract_strided_slice %get3A_74 {offsets = [13], sizes = [1], strides = [1]} : vector<16xi32> to vector<1xi32>
        %squeeze3A_1035 = vector.extract %slice3A_1034[0] : i32 from vector<1xi32>
        %dma_start3A_1036 = arith.constant 0 : i32
        %dma_start3A_1037 = tpu.memref_slice %arg12[%add3A_1019, %dma_start3A_1036] : memref<128x64xf32, #tpu.memory_space<vmem>> -> memref<1x64xf32, #tpu.memory_space<vmem>>
        %dma_start3A_1038 = tpu.memref_squeeze %dma_start3A_1037 : memref<1x64xf32, #tpu.memory_space<vmem>> -> memref<64xf32, #tpu.memory_space<vmem>>
        %dma_start3A_1039 = arith.constant 0 : i32
        %dma_start3A_1040 = tpu.memref_slice %arg5[%squeeze3A_1035, %dma_start3A_1039] : memref<1000000x64xf32, #tpu.memory_space<hbm>> -> memref<1x64xf32, #tpu.memory_space<hbm>>
        %dma_start3A_1041 = tpu.memref_squeeze %dma_start3A_1040 : memref<1x64xf32, #tpu.memory_space<hbm>> -> memref<64xf32, #tpu.memory_space<hbm>>
        %dma_start3A_1042 = arith.constant 0 : i32
        %dma_start3A_1043 = tpu.memref_slice %arg12[%add3A_1019, %dma_start3A_1042] : memref<128x64xf32, #tpu.memory_space<vmem>> -> memref<1x64xf32, #tpu.memory_space<vmem>>
        %dma_start3A_1044 = tpu.memref_squeeze %dma_start3A_1043 : memref<1x64xf32, #tpu.memory_space<vmem>> -> memref<64xf32, #tpu.memory_space<vmem>>
        %dma_start3A_1045 = arith.constant 0 : i32
        %dma_start3A_1046 = tpu.memref_slice %arg5[%squeeze3A_1035, %dma_start3A_1045] : memref<1000000x64xf32, #tpu.memory_space<hbm>> -> memref<1x64xf32, #tpu.memory_space<hbm>>
        %dma_start3A_1047 = tpu.memref_squeeze %dma_start3A_1046 : memref<1x64xf32, #tpu.memory_space<hbm>> -> memref<64xf32, #tpu.memory_space<hbm>>
        tpu.enqueue_dma source(%dma_start3A_1047 : memref<64xf32, #tpu.memory_space<hbm>>) target(%dma_start3A_1044 : memref<64xf32, #tpu.memory_space<vmem>>) target_semaphore(%arg18 : memref<!tpu.dma_semaphore, #tpu.memory_space<semaphore_mem>>)
        %slice3A_1048 = vector.extract_strided_slice %get3A_78 {offsets = [13], sizes = [1], strides = [1]} : vector<16xi32> to vector<1xi32>
        %squeeze3A_1049 = vector.extract %slice3A_1048[0] : i32 from vector<1xi32>
        %dma_start3A_1050 = arith.constant 0 : i32
        %dma_start3A_1051 = tpu.memref_slice %arg13[%add3A_1019, %dma_start3A_1050] : memref<128x64xf32, #tpu.memory_space<vmem>> -> memref<1x64xf32, #tpu.memory_space<vmem>>
        %dma_start3A_1052 = tpu.memref_squeeze %dma_start3A_1051 : memref<1x64xf32, #tpu.memory_space<vmem>> -> memref<64xf32, #tpu.memory_space<vmem>>
        %dma_start3A_1053 = arith.constant 0 : i32
        %dma_start3A_1054 = tpu.memref_slice %arg5[%squeeze3A_1049, %dma_start3A_1053] : memref<1000000x64xf32, #tpu.memory_space<hbm>> -> memref<1x64xf32, #tpu.memory_space<hbm>>
        %dma_start3A_1055 = tpu.memref_squeeze %dma_start3A_1054 : memref<1x64xf32, #tpu.memory_space<hbm>> -> memref<64xf32, #tpu.memory_space<hbm>>
        %dma_start3A_1056 = arith.constant 0 : i32
        %dma_start3A_1057 = tpu.memref_slice %arg13[%add3A_1019, %dma_start3A_1056] : memref<128x64xf32, #tpu.memory_space<vmem>> -> memref<1x64xf32, #tpu.memory_space<vmem>>
        %dma_start3A_1058 = tpu.memref_squeeze %dma_start3A_1057 : memref<1x64xf32, #tpu.memory_space<vmem>> -> memref<64xf32, #tpu.memory_space<vmem>>
        %dma_start3A_1059 = arith.constant 0 : i32
        %dma_start3A_1060 = tpu.memref_slice %arg5[%squeeze3A_1049, %dma_start3A_1059] : memref<1000000x64xf32, #tpu.memory_space<hbm>> -> memref<1x64xf32, #tpu.memory_space<hbm>>
        %dma_start3A_1061 = tpu.memref_squeeze %dma_start3A_1060 : memref<1x64xf32, #tpu.memory_space<hbm>> -> memref<64xf32, #tpu.memory_space<hbm>>
        tpu.enqueue_dma source(%dma_start3A_1061 : memref<64xf32, #tpu.memory_space<hbm>>) target(%dma_start3A_1058 : memref<64xf32, #tpu.memory_space<vmem>>) target_semaphore(%arg18 : memref<!tpu.dma_semaphore, #tpu.memory_space<semaphore_mem>>)
        %slice3A_1062 = vector.extract_strided_slice %get3A_82 {offsets = [13], sizes = [1], strides = [1]} : vector<16xi32> to vector<1xi32>
        %squeeze3A_1063 = vector.extract %slice3A_1062[0] : i32 from vector<1xi32>
        %dma_start3A_1064 = arith.constant 0 : i32
        %dma_start3A_1065 = tpu.memref_slice %arg14[%add3A_1019, %dma_start3A_1064] : memref<128x64xf32, #tpu.memory_space<vmem>> -> memref<1x64xf32, #tpu.memory_space<vmem>>
        %dma_start3A_1066 = tpu.memref_squeeze %dma_start3A_1065 : memref<1x64xf32, #tpu.memory_space<vmem>> -> memref<64xf32, #tpu.memory_space<vmem>>
        %dma_start3A_1067 = arith.constant 0 : i32
        %dma_start3A_1068 = tpu.memref_slice %arg5[%squeeze3A_1063, %dma_start3A_1067] : memref<1000000x64xf32, #tpu.memory_space<hbm>> -> memref<1x64xf32, #tpu.memory_space<hbm>>
        %dma_start3A_1069 = tpu.memref_squeeze %dma_start3A_1068 : memref<1x64xf32, #tpu.memory_space<hbm>> -> memref<64xf32, #tpu.memory_space<hbm>>
        %dma_start3A_1070 = arith.constant 0 : i32
        %dma_start3A_1071 = tpu.memref_slice %arg14[%add3A_1019, %dma_start3A_1070] : memref<128x64xf32, #tpu.memory_space<vmem>> -> memref<1x64xf32, #tpu.memory_space<vmem>>
        %dma_start3A_1072 = tpu.memref_squeeze %dma_start3A_1071 : memref<1x64xf32, #tpu.memory_space<vmem>> -> memref<64xf32, #tpu.memory_space<vmem>>
        %dma_start3A_1073 = arith.constant 0 : i32
        %dma_start3A_1074 = tpu.memref_slice %arg5[%squeeze3A_1063, %dma_start3A_1073] : memref<1000000x64xf32, #tpu.memory_space<hbm>> -> memref<1x64xf32, #tpu.memory_space<hbm>>
        %dma_start3A_1075 = tpu.memref_squeeze %dma_start3A_1074 : memref<1x64xf32, #tpu.memory_space<hbm>> -> memref<64xf32, #tpu.memory_space<hbm>>
        tpu.enqueue_dma source(%dma_start3A_1075 : memref<64xf32, #tpu.memory_space<hbm>>) target(%dma_start3A_1072 : memref<64xf32, #tpu.memory_space<vmem>>) target_semaphore(%arg18 : memref<!tpu.dma_semaphore, #tpu.memory_space<semaphore_mem>>)
        %slice3A_1076 = vector.extract_strided_slice %get3A_84 {offsets = [13], sizes = [1], strides = [1]} : vector<16xi32> to vector<1xi32>
        %squeeze3A_1077 = vector.extract %slice3A_1076[0] : i32 from vector<1xi32>
        %dma_start3A_1078 = arith.constant 0 : i32
        %dma_start3A_1079 = tpu.memref_slice %arg15[%add3A_1019, %dma_start3A_1078] : memref<128x64xf32, #tpu.memory_space<vmem>> -> memref<1x64xf32, #tpu.memory_space<vmem>>
        %dma_start3A_1080 = tpu.memref_squeeze %dma_start3A_1079 : memref<1x64xf32, #tpu.memory_space<vmem>> -> memref<64xf32, #tpu.memory_space<vmem>>
        %dma_start3A_1081 = arith.constant 0 : i32
        %dma_start3A_1082 = tpu.memref_slice %arg6[%squeeze3A_1077, %dma_start3A_1081] : memref<1000x64xf32, #tpu.memory_space<hbm>> -> memref<1x64xf32, #tpu.memory_space<hbm>>
        %dma_start3A_1083 = tpu.memref_squeeze %dma_start3A_1082 : memref<1x64xf32, #tpu.memory_space<hbm>> -> memref<64xf32, #tpu.memory_space<hbm>>
        %dma_start3A_1084 = arith.constant 0 : i32
        %dma_start3A_1085 = tpu.memref_slice %arg15[%add3A_1019, %dma_start3A_1084] : memref<128x64xf32, #tpu.memory_space<vmem>> -> memref<1x64xf32, #tpu.memory_space<vmem>>
        %dma_start3A_1086 = tpu.memref_squeeze %dma_start3A_1085 : memref<1x64xf32, #tpu.memory_space<vmem>> -> memref<64xf32, #tpu.memory_space<vmem>>
        %dma_start3A_1087 = arith.constant 0 : i32
        %dma_start3A_1088 = tpu.memref_slice %arg6[%squeeze3A_1077, %dma_start3A_1087] : memref<1000x64xf32, #tpu.memory_space<hbm>> -> memref<1x64xf32, #tpu.memory_space<hbm>>
        %dma_start3A_1089 = tpu.memref_squeeze %dma_start3A_1088 : memref<1x64xf32, #tpu.memory_space<hbm>> -> memref<64xf32, #tpu.memory_space<hbm>>
        tpu.enqueue_dma source(%dma_start3A_1089 : memref<64xf32, #tpu.memory_space<hbm>>) target(%dma_start3A_1086 : memref<64xf32, #tpu.memory_space<vmem>>) target_semaphore(%arg18 : memref<!tpu.dma_semaphore, #tpu.memory_space<semaphore_mem>>)
        %add3A_1090 = arith.constant 14 : i32
        %add3A_1091 = arith.addi %mul3A_67, %add3A_1090 : i32
        %slice3A_1092 = vector.extract_strided_slice %get3A_70 {offsets = [14], sizes = [1], strides = [1]} : vector<16xi32> to vector<1xi32>
        %squeeze3A_1093 = vector.extract %slice3A_1092[0] : i32 from vector<1xi32>
        %dma_start3A_1094 = arith.constant 0 : i32
        %dma_start3A_1095 = tpu.memref_slice %arg11[%add3A_1091, %dma_start3A_1094] : memref<128x64xf32, #tpu.memory_space<vmem>> -> memref<1x64xf32, #tpu.memory_space<vmem>>
        %dma_start3A_1096 = tpu.memref_squeeze %dma_start3A_1095 : memref<1x64xf32, #tpu.memory_space<vmem>> -> memref<64xf32, #tpu.memory_space<vmem>>
        %dma_start3A_1097 = arith.constant 0 : i32
        %dma_start3A_1098 = tpu.memref_slice %arg5[%squeeze3A_1093, %dma_start3A_1097] : memref<1000000x64xf32, #tpu.memory_space<hbm>> -> memref<1x64xf32, #tpu.memory_space<hbm>>
        %dma_start3A_1099 = tpu.memref_squeeze %dma_start3A_1098 : memref<1x64xf32, #tpu.memory_space<hbm>> -> memref<64xf32, #tpu.memory_space<hbm>>
        %dma_start3A_1100 = arith.constant 0 : i32
        %dma_start3A_1101 = tpu.memref_slice %arg11[%add3A_1091, %dma_start3A_1100] : memref<128x64xf32, #tpu.memory_space<vmem>> -> memref<1x64xf32, #tpu.memory_space<vmem>>
        %dma_start3A_1102 = tpu.memref_squeeze %dma_start3A_1101 : memref<1x64xf32, #tpu.memory_space<vmem>> -> memref<64xf32, #tpu.memory_space<vmem>>
        %dma_start3A_1103 = arith.constant 0 : i32
        %dma_start3A_1104 = tpu.memref_slice %arg5[%squeeze3A_1093, %dma_start3A_1103] : memref<1000000x64xf32, #tpu.memory_space<hbm>> -> memref<1x64xf32, #tpu.memory_space<hbm>>
        %dma_start3A_1105 = tpu.memref_squeeze %dma_start3A_1104 : memref<1x64xf32, #tpu.memory_space<hbm>> -> memref<64xf32, #tpu.memory_space<hbm>>
        tpu.enqueue_dma source(%dma_start3A_1105 : memref<64xf32, #tpu.memory_space<hbm>>) target(%dma_start3A_1102 : memref<64xf32, #tpu.memory_space<vmem>>) target_semaphore(%arg18 : memref<!tpu.dma_semaphore, #tpu.memory_space<semaphore_mem>>)
        %slice3A_1106 = vector.extract_strided_slice %get3A_74 {offsets = [14], sizes = [1], strides = [1]} : vector<16xi32> to vector<1xi32>
        %squeeze3A_1107 = vector.extract %slice3A_1106[0] : i32 from vector<1xi32>
        %dma_start3A_1108 = arith.constant 0 : i32
        %dma_start3A_1109 = tpu.memref_slice %arg12[%add3A_1091, %dma_start3A_1108] : memref<128x64xf32, #tpu.memory_space<vmem>> -> memref<1x64xf32, #tpu.memory_space<vmem>>
        %dma_start3A_1110 = tpu.memref_squeeze %dma_start3A_1109 : memref<1x64xf32, #tpu.memory_space<vmem>> -> memref<64xf32, #tpu.memory_space<vmem>>
        %dma_start3A_1111 = arith.constant 0 : i32
        %dma_start3A_1112 = tpu.memref_slice %arg5[%squeeze3A_1107, %dma_start3A_1111] : memref<1000000x64xf32, #tpu.memory_space<hbm>> -> memref<1x64xf32, #tpu.memory_space<hbm>>
        %dma_start3A_1113 = tpu.memref_squeeze %dma_start3A_1112 : memref<1x64xf32, #tpu.memory_space<hbm>> -> memref<64xf32, #tpu.memory_space<hbm>>
        %dma_start3A_1114 = arith.constant 0 : i32
        %dma_start3A_1115 = tpu.memref_slice %arg12[%add3A_1091, %dma_start3A_1114] : memref<128x64xf32, #tpu.memory_space<vmem>> -> memref<1x64xf32, #tpu.memory_space<vmem>>
        %dma_start3A_1116 = tpu.memref_squeeze %dma_start3A_1115 : memref<1x64xf32, #tpu.memory_space<vmem>> -> memref<64xf32, #tpu.memory_space<vmem>>
        %dma_start3A_1117 = arith.constant 0 : i32
        %dma_start3A_1118 = tpu.memref_slice %arg5[%squeeze3A_1107, %dma_start3A_1117] : memref<1000000x64xf32, #tpu.memory_space<hbm>> -> memref<1x64xf32, #tpu.memory_space<hbm>>
        %dma_start3A_1119 = tpu.memref_squeeze %dma_start3A_1118 : memref<1x64xf32, #tpu.memory_space<hbm>> -> memref<64xf32, #tpu.memory_space<hbm>>
        tpu.enqueue_dma source(%dma_start3A_1119 : memref<64xf32, #tpu.memory_space<hbm>>) target(%dma_start3A_1116 : memref<64xf32, #tpu.memory_space<vmem>>) target_semaphore(%arg18 : memref<!tpu.dma_semaphore, #tpu.memory_space<semaphore_mem>>)
        %slice3A_1120 = vector.extract_strided_slice %get3A_78 {offsets = [14], sizes = [1], strides = [1]} : vector<16xi32> to vector<1xi32>
        %squeeze3A_1121 = vector.extract %slice3A_1120[0] : i32 from vector<1xi32>
        %dma_start3A_1122 = arith.constant 0 : i32
        %dma_start3A_1123 = tpu.memref_slice %arg13[%add3A_1091, %dma_start3A_1122] : memref<128x64xf32, #tpu.memory_space<vmem>> -> memref<1x64xf32, #tpu.memory_space<vmem>>
        %dma_start3A_1124 = tpu.memref_squeeze %dma_start3A_1123 : memref<1x64xf32, #tpu.memory_space<vmem>> -> memref<64xf32, #tpu.memory_space<vmem>>
        %dma_start3A_1125 = arith.constant 0 : i32
        %dma_start3A_1126 = tpu.memref_slice %arg5[%squeeze3A_1121, %dma_start3A_1125] : memref<1000000x64xf32, #tpu.memory_space<hbm>> -> memref<1x64xf32, #tpu.memory_space<hbm>>
        %dma_start3A_1127 = tpu.memref_squeeze %dma_start3A_1126 : memref<1x64xf32, #tpu.memory_space<hbm>> -> memref<64xf32, #tpu.memory_space<hbm>>
        %dma_start3A_1128 = arith.constant 0 : i32
        %dma_start3A_1129 = tpu.memref_slice %arg13[%add3A_1091, %dma_start3A_1128] : memref<128x64xf32, #tpu.memory_space<vmem>> -> memref<1x64xf32, #tpu.memory_space<vmem>>
        %dma_start3A_1130 = tpu.memref_squeeze %dma_start3A_1129 : memref<1x64xf32, #tpu.memory_space<vmem>> -> memref<64xf32, #tpu.memory_space<vmem>>
        %dma_start3A_1131 = arith.constant 0 : i32
        %dma_start3A_1132 = tpu.memref_slice %arg5[%squeeze3A_1121, %dma_start3A_1131] : memref<1000000x64xf32, #tpu.memory_space<hbm>> -> memref<1x64xf32, #tpu.memory_space<hbm>>
        %dma_start3A_1133 = tpu.memref_squeeze %dma_start3A_1132 : memref<1x64xf32, #tpu.memory_space<hbm>> -> memref<64xf32, #tpu.memory_space<hbm>>
        tpu.enqueue_dma source(%dma_start3A_1133 : memref<64xf32, #tpu.memory_space<hbm>>) target(%dma_start3A_1130 : memref<64xf32, #tpu.memory_space<vmem>>) target_semaphore(%arg18 : memref<!tpu.dma_semaphore, #tpu.memory_space<semaphore_mem>>)
        %slice3A_1134 = vector.extract_strided_slice %get3A_82 {offsets = [14], sizes = [1], strides = [1]} : vector<16xi32> to vector<1xi32>
        %squeeze3A_1135 = vector.extract %slice3A_1134[0] : i32 from vector<1xi32>
        %dma_start3A_1136 = arith.constant 0 : i32
        %dma_start3A_1137 = tpu.memref_slice %arg14[%add3A_1091, %dma_start3A_1136] : memref<128x64xf32, #tpu.memory_space<vmem>> -> memref<1x64xf32, #tpu.memory_space<vmem>>
        %dma_start3A_1138 = tpu.memref_squeeze %dma_start3A_1137 : memref<1x64xf32, #tpu.memory_space<vmem>> -> memref<64xf32, #tpu.memory_space<vmem>>
        %dma_start3A_1139 = arith.constant 0 : i32
        %dma_start3A_1140 = tpu.memref_slice %arg5[%squeeze3A_1135, %dma_start3A_1139] : memref<1000000x64xf32, #tpu.memory_space<hbm>> -> memref<1x64xf32, #tpu.memory_space<hbm>>
        %dma_start3A_1141 = tpu.memref_squeeze %dma_start3A_1140 : memref<1x64xf32, #tpu.memory_space<hbm>> -> memref<64xf32, #tpu.memory_space<hbm>>
        %dma_start3A_1142 = arith.constant 0 : i32
        %dma_start3A_1143 = tpu.memref_slice %arg14[%add3A_1091, %dma_start3A_1142] : memref<128x64xf32, #tpu.memory_space<vmem>> -> memref<1x64xf32, #tpu.memory_space<vmem>>
        %dma_start3A_1144 = tpu.memref_squeeze %dma_start3A_1143 : memref<1x64xf32, #tpu.memory_space<vmem>> -> memref<64xf32, #tpu.memory_space<vmem>>
        %dma_start3A_1145 = arith.constant 0 : i32
        %dma_start3A_1146 = tpu.memref_slice %arg5[%squeeze3A_1135, %dma_start3A_1145] : memref<1000000x64xf32, #tpu.memory_space<hbm>> -> memref<1x64xf32, #tpu.memory_space<hbm>>
        %dma_start3A_1147 = tpu.memref_squeeze %dma_start3A_1146 : memref<1x64xf32, #tpu.memory_space<hbm>> -> memref<64xf32, #tpu.memory_space<hbm>>
        tpu.enqueue_dma source(%dma_start3A_1147 : memref<64xf32, #tpu.memory_space<hbm>>) target(%dma_start3A_1144 : memref<64xf32, #tpu.memory_space<vmem>>) target_semaphore(%arg18 : memref<!tpu.dma_semaphore, #tpu.memory_space<semaphore_mem>>)
        %slice3A_1148 = vector.extract_strided_slice %get3A_84 {offsets = [14], sizes = [1], strides = [1]} : vector<16xi32> to vector<1xi32>
        %squeeze3A_1149 = vector.extract %slice3A_1148[0] : i32 from vector<1xi32>
        %dma_start3A_1150 = arith.constant 0 : i32
        %dma_start3A_1151 = tpu.memref_slice %arg15[%add3A_1091, %dma_start3A_1150] : memref<128x64xf32, #tpu.memory_space<vmem>> -> memref<1x64xf32, #tpu.memory_space<vmem>>
        %dma_start3A_1152 = tpu.memref_squeeze %dma_start3A_1151 : memref<1x64xf32, #tpu.memory_space<vmem>> -> memref<64xf32, #tpu.memory_space<vmem>>
        %dma_start3A_1153 = arith.constant 0 : i32
        %dma_start3A_1154 = tpu.memref_slice %arg6[%squeeze3A_1149, %dma_start3A_1153] : memref<1000x64xf32, #tpu.memory_space<hbm>> -> memref<1x64xf32, #tpu.memory_space<hbm>>
        %dma_start3A_1155 = tpu.memref_squeeze %dma_start3A_1154 : memref<1x64xf32, #tpu.memory_space<hbm>> -> memref<64xf32, #tpu.memory_space<hbm>>
        %dma_start3A_1156 = arith.constant 0 : i32
        %dma_start3A_1157 = tpu.memref_slice %arg15[%add3A_1091, %dma_start3A_1156] : memref<128x64xf32, #tpu.memory_space<vmem>> -> memref<1x64xf32, #tpu.memory_space<vmem>>
        %dma_start3A_1158 = tpu.memref_squeeze %dma_start3A_1157 : memref<1x64xf32, #tpu.memory_space<vmem>> -> memref<64xf32, #tpu.memory_space<vmem>>
        %dma_start3A_1159 = arith.constant 0 : i32
        %dma_start3A_1160 = tpu.memref_slice %arg6[%squeeze3A_1149, %dma_start3A_1159] : memref<1000x64xf32, #tpu.memory_space<hbm>> -> memref<1x64xf32, #tpu.memory_space<hbm>>
        %dma_start3A_1161 = tpu.memref_squeeze %dma_start3A_1160 : memref<1x64xf32, #tpu.memory_space<hbm>> -> memref<64xf32, #tpu.memory_space<hbm>>
        tpu.enqueue_dma source(%dma_start3A_1161 : memref<64xf32, #tpu.memory_space<hbm>>) target(%dma_start3A_1158 : memref<64xf32, #tpu.memory_space<vmem>>) target_semaphore(%arg18 : memref<!tpu.dma_semaphore, #tpu.memory_space<semaphore_mem>>)
        %add3A_1162 = arith.constant 15 : i32
        %add3A_1163 = arith.addi %mul3A_67, %add3A_1162 : i32
        %slice3A_1164 = vector.extract_strided_slice %get3A_70 {offsets = [15], sizes = [1], strides = [1]} : vector<16xi32> to vector<1xi32>
        %squeeze3A_1165 = vector.extract %slice3A_1164[0] : i32 from vector<1xi32>
        %dma_start3A_1166 = arith.constant 0 : i32
        %dma_start3A_1167 = tpu.memref_slice %arg11[%add3A_1163, %dma_start3A_1166] : memref<128x64xf32, #tpu.memory_space<vmem>> -> memref<1x64xf32, #tpu.memory_space<vmem>>
        %dma_start3A_1168 = tpu.memref_squeeze %dma_start3A_1167 : memref<1x64xf32, #tpu.memory_space<vmem>> -> memref<64xf32, #tpu.memory_space<vmem>>
        %dma_start3A_1169 = arith.constant 0 : i32
        %dma_start3A_1170 = tpu.memref_slice %arg5[%squeeze3A_1165, %dma_start3A_1169] : memref<1000000x64xf32, #tpu.memory_space<hbm>> -> memref<1x64xf32, #tpu.memory_space<hbm>>
        %dma_start3A_1171 = tpu.memref_squeeze %dma_start3A_1170 : memref<1x64xf32, #tpu.memory_space<hbm>> -> memref<64xf32, #tpu.memory_space<hbm>>
        %dma_start3A_1172 = arith.constant 0 : i32
        %dma_start3A_1173 = tpu.memref_slice %arg11[%add3A_1163, %dma_start3A_1172] : memref<128x64xf32, #tpu.memory_space<vmem>> -> memref<1x64xf32, #tpu.memory_space<vmem>>
        %dma_start3A_1174 = tpu.memref_squeeze %dma_start3A_1173 : memref<1x64xf32, #tpu.memory_space<vmem>> -> memref<64xf32, #tpu.memory_space<vmem>>
        %dma_start3A_1175 = arith.constant 0 : i32
        %dma_start3A_1176 = tpu.memref_slice %arg5[%squeeze3A_1165, %dma_start3A_1175] : memref<1000000x64xf32, #tpu.memory_space<hbm>> -> memref<1x64xf32, #tpu.memory_space<hbm>>
        %dma_start3A_1177 = tpu.memref_squeeze %dma_start3A_1176 : memref<1x64xf32, #tpu.memory_space<hbm>> -> memref<64xf32, #tpu.memory_space<hbm>>
        tpu.enqueue_dma source(%dma_start3A_1177 : memref<64xf32, #tpu.memory_space<hbm>>) target(%dma_start3A_1174 : memref<64xf32, #tpu.memory_space<vmem>>) target_semaphore(%arg18 : memref<!tpu.dma_semaphore, #tpu.memory_space<semaphore_mem>>)
        %slice3A_1178 = vector.extract_strided_slice %get3A_74 {offsets = [15], sizes = [1], strides = [1]} : vector<16xi32> to vector<1xi32>
        %squeeze3A_1179 = vector.extract %slice3A_1178[0] : i32 from vector<1xi32>
        %dma_start3A_1180 = arith.constant 0 : i32
        %dma_start3A_1181 = tpu.memref_slice %arg12[%add3A_1163, %dma_start3A_1180] : memref<128x64xf32, #tpu.memory_space<vmem>> -> memref<1x64xf32, #tpu.memory_space<vmem>>
        %dma_start3A_1182 = tpu.memref_squeeze %dma_start3A_1181 : memref<1x64xf32, #tpu.memory_space<vmem>> -> memref<64xf32, #tpu.memory_space<vmem>>
        %dma_start3A_1183 = arith.constant 0 : i32
        %dma_start3A_1184 = tpu.memref_slice %arg5[%squeeze3A_1179, %dma_start3A_1183] : memref<1000000x64xf32, #tpu.memory_space<hbm>> -> memref<1x64xf32, #tpu.memory_space<hbm>>
        %dma_start3A_1185 = tpu.memref_squeeze %dma_start3A_1184 : memref<1x64xf32, #tpu.memory_space<hbm>> -> memref<64xf32, #tpu.memory_space<hbm>>
        %dma_start3A_1186 = arith.constant 0 : i32
        %dma_start3A_1187 = tpu.memref_slice %arg12[%add3A_1163, %dma_start3A_1186] : memref<128x64xf32, #tpu.memory_space<vmem>> -> memref<1x64xf32, #tpu.memory_space<vmem>>
        %dma_start3A_1188 = tpu.memref_squeeze %dma_start3A_1187 : memref<1x64xf32, #tpu.memory_space<vmem>> -> memref<64xf32, #tpu.memory_space<vmem>>
        %dma_start3A_1189 = arith.constant 0 : i32
        %dma_start3A_1190 = tpu.memref_slice %arg5[%squeeze3A_1179, %dma_start3A_1189] : memref<1000000x64xf32, #tpu.memory_space<hbm>> -> memref<1x64xf32, #tpu.memory_space<hbm>>
        %dma_start3A_1191 = tpu.memref_squeeze %dma_start3A_1190 : memref<1x64xf32, #tpu.memory_space<hbm>> -> memref<64xf32, #tpu.memory_space<hbm>>
        tpu.enqueue_dma source(%dma_start3A_1191 : memref<64xf32, #tpu.memory_space<hbm>>) target(%dma_start3A_1188 : memref<64xf32, #tpu.memory_space<vmem>>) target_semaphore(%arg18 : memref<!tpu.dma_semaphore, #tpu.memory_space<semaphore_mem>>)
        %slice3A_1192 = vector.extract_strided_slice %get3A_78 {offsets = [15], sizes = [1], strides = [1]} : vector<16xi32> to vector<1xi32>
        %squeeze3A_1193 = vector.extract %slice3A_1192[0] : i32 from vector<1xi32>
        %dma_start3A_1194 = arith.constant 0 : i32
        %dma_start3A_1195 = tpu.memref_slice %arg13[%add3A_1163, %dma_start3A_1194] : memref<128x64xf32, #tpu.memory_space<vmem>> -> memref<1x64xf32, #tpu.memory_space<vmem>>
        %dma_start3A_1196 = tpu.memref_squeeze %dma_start3A_1195 : memref<1x64xf32, #tpu.memory_space<vmem>> -> memref<64xf32, #tpu.memory_space<vmem>>
        %dma_start3A_1197 = arith.constant 0 : i32
        %dma_start3A_1198 = tpu.memref_slice %arg5[%squeeze3A_1193, %dma_start3A_1197] : memref<1000000x64xf32, #tpu.memory_space<hbm>> -> memref<1x64xf32, #tpu.memory_space<hbm>>
        %dma_start3A_1199 = tpu.memref_squeeze %dma_start3A_1198 : memref<1x64xf32, #tpu.memory_space<hbm>> -> memref<64xf32, #tpu.memory_space<hbm>>
        %dma_start3A_1200 = arith.constant 0 : i32
        %dma_start3A_1201 = tpu.memref_slice %arg13[%add3A_1163, %dma_start3A_1200] : memref<128x64xf32, #tpu.memory_space<vmem>> -> memref<1x64xf32, #tpu.memory_space<vmem>>
        %dma_start3A_1202 = tpu.memref_squeeze %dma_start3A_1201 : memref<1x64xf32, #tpu.memory_space<vmem>> -> memref<64xf32, #tpu.memory_space<vmem>>
        %dma_start3A_1203 = arith.constant 0 : i32
        %dma_start3A_1204 = tpu.memref_slice %arg5[%squeeze3A_1193, %dma_start3A_1203] : memref<1000000x64xf32, #tpu.memory_space<hbm>> -> memref<1x64xf32, #tpu.memory_space<hbm>>
        %dma_start3A_1205 = tpu.memref_squeeze %dma_start3A_1204 : memref<1x64xf32, #tpu.memory_space<hbm>> -> memref<64xf32, #tpu.memory_space<hbm>>
        tpu.enqueue_dma source(%dma_start3A_1205 : memref<64xf32, #tpu.memory_space<hbm>>) target(%dma_start3A_1202 : memref<64xf32, #tpu.memory_space<vmem>>) target_semaphore(%arg18 : memref<!tpu.dma_semaphore, #tpu.memory_space<semaphore_mem>>)
        %slice3A_1206 = vector.extract_strided_slice %get3A_82 {offsets = [15], sizes = [1], strides = [1]} : vector<16xi32> to vector<1xi32>
        %squeeze3A_1207 = vector.extract %slice3A_1206[0] : i32 from vector<1xi32>
        %dma_start3A_1208 = arith.constant 0 : i32
        %dma_start3A_1209 = tpu.memref_slice %arg14[%add3A_1163, %dma_start3A_1208] : memref<128x64xf32, #tpu.memory_space<vmem>> -> memref<1x64xf32, #tpu.memory_space<vmem>>
        %dma_start3A_1210 = tpu.memref_squeeze %dma_start3A_1209 : memref<1x64xf32, #tpu.memory_space<vmem>> -> memref<64xf32, #tpu.memory_space<vmem>>
        %dma_start3A_1211 = arith.constant 0 : i32
        %dma_start3A_1212 = tpu.memref_slice %arg5[%squeeze3A_1207, %dma_start3A_1211] : memref<1000000x64xf32, #tpu.memory_space<hbm>> -> memref<1x64xf32, #tpu.memory_space<hbm>>
        %dma_start3A_1213 = tpu.memref_squeeze %dma_start3A_1212 : memref<1x64xf32, #tpu.memory_space<hbm>> -> memref<64xf32, #tpu.memory_space<hbm>>
        %dma_start3A_1214 = arith.constant 0 : i32
        %dma_start3A_1215 = tpu.memref_slice %arg14[%add3A_1163, %dma_start3A_1214] : memref<128x64xf32, #tpu.memory_space<vmem>> -> memref<1x64xf32, #tpu.memory_space<vmem>>
        %dma_start3A_1216 = tpu.memref_squeeze %dma_start3A_1215 : memref<1x64xf32, #tpu.memory_space<vmem>> -> memref<64xf32, #tpu.memory_space<vmem>>
        %dma_start3A_1217 = arith.constant 0 : i32
        %dma_start3A_1218 = tpu.memref_slice %arg5[%squeeze3A_1207, %dma_start3A_1217] : memref<1000000x64xf32, #tpu.memory_space<hbm>> -> memref<1x64xf32, #tpu.memory_space<hbm>>
        %dma_start3A_1219 = tpu.memref_squeeze %dma_start3A_1218 : memref<1x64xf32, #tpu.memory_space<hbm>> -> memref<64xf32, #tpu.memory_space<hbm>>
        tpu.enqueue_dma source(%dma_start3A_1219 : memref<64xf32, #tpu.memory_space<hbm>>) target(%dma_start3A_1216 : memref<64xf32, #tpu.memory_space<vmem>>) target_semaphore(%arg18 : memref<!tpu.dma_semaphore, #tpu.memory_space<semaphore_mem>>)
        %slice3A_1220 = vector.extract_strided_slice %get3A_84 {offsets = [15], sizes = [1], strides = [1]} : vector<16xi32> to vector<1xi32>
        %squeeze3A_1221 = vector.extract %slice3A_1220[0] : i32 from vector<1xi32>
        %dma_start3A_1222 = arith.constant 0 : i32
        %dma_start3A_1223 = tpu.memref_slice %arg15[%add3A_1163, %dma_start3A_1222] : memref<128x64xf32, #tpu.memory_space<vmem>> -> memref<1x64xf32, #tpu.memory_space<vmem>>
        %dma_start3A_1224 = tpu.memref_squeeze %dma_start3A_1223 : memref<1x64xf32, #tpu.memory_space<vmem>> -> memref<64xf32, #tpu.memory_space<vmem>>
        %dma_start3A_1225 = arith.constant 0 : i32
        %dma_start3A_1226 = tpu.memref_slice %arg6[%squeeze3A_1221, %dma_start3A_1225] : memref<1000x64xf32, #tpu.memory_space<hbm>> -> memref<1x64xf32, #tpu.memory_space<hbm>>
        %dma_start3A_1227 = tpu.memref_squeeze %dma_start3A_1226 : memref<1x64xf32, #tpu.memory_space<hbm>> -> memref<64xf32, #tpu.memory_space<hbm>>
        %dma_start3A_1228 = arith.constant 0 : i32
        %dma_start3A_1229 = tpu.memref_slice %arg15[%add3A_1163, %dma_start3A_1228] : memref<128x64xf32, #tpu.memory_space<vmem>> -> memref<1x64xf32, #tpu.memory_space<vmem>>
        %dma_start3A_1230 = tpu.memref_squeeze %dma_start3A_1229 : memref<1x64xf32, #tpu.memory_space<vmem>> -> memref<64xf32, #tpu.memory_space<vmem>>
        %dma_start3A_1231 = arith.constant 0 : i32
        %dma_start3A_1232 = tpu.memref_slice %arg6[%squeeze3A_1221, %dma_start3A_1231] : memref<1000x64xf32, #tpu.memory_space<hbm>> -> memref<1x64xf32, #tpu.memory_space<hbm>>
        %dma_start3A_1233 = tpu.memref_squeeze %dma_start3A_1232 : memref<1x64xf32, #tpu.memory_space<hbm>> -> memref<64xf32, #tpu.memory_space<hbm>>
        tpu.enqueue_dma source(%dma_start3A_1233 : memref<64xf32, #tpu.memory_space<hbm>>) target(%dma_start3A_1230 : memref<64xf32, #tpu.memory_space<vmem>>) target_semaphore(%arg18 : memref<!tpu.dma_semaphore, #tpu.memory_space<semaphore_mem>>)
      }
      %scan3A_20 = arith.constant 8 : i32
      %dma_wait3A = arith.constant 0 : i32
      %dma_wait3A_21 = arith.constant 0 : i32
      %dma_wait3A_22 = tpu.memref_slice %arg5[%dma_wait3A, %dma_wait3A_21] : memref<1000000x64xf32, #tpu.memory_space<hbm>> -> memref<128x64xf32, #tpu.memory_space<hbm>>
      %dma_wait3A_23 = arith.constant 0 : i32
      %dma_wait3A_24 = arith.constant 0 : i32
      %dma_wait3A_25 = tpu.memref_slice %arg5[%dma_wait3A_23, %dma_wait3A_24] : memref<1000000x64xf32, #tpu.memory_space<hbm>> -> memref<128x64xf32, #tpu.memory_space<hbm>>
      tpu.wait_dma2 semaphore(%arg18 : memref<!tpu.dma_semaphore, #tpu.memory_space<semaphore_mem>>) src(%dma_wait3A_25 : memref<128x64xf32, #tpu.memory_space<hbm>>) dst(%arg11 : memref<128x64xf32, #tpu.memory_space<vmem>>)
      %dma_wait3A_26 = arith.constant 0 : i32
      %dma_wait3A_27 = arith.constant 0 : i32
      %dma_wait3A_28 = tpu.memref_slice %arg5[%dma_wait3A_26, %dma_wait3A_27] : memref<1000000x64xf32, #tpu.memory_space<hbm>> -> memref<128x64xf32, #tpu.memory_space<hbm>>
      %dma_wait3A_29 = arith.constant 0 : i32
      %dma_wait3A_30 = arith.constant 0 : i32
      %dma_wait3A_31 = tpu.memref_slice %arg5[%dma_wait3A_29, %dma_wait3A_30] : memref<1000000x64xf32, #tpu.memory_space<hbm>> -> memref<128x64xf32, #tpu.memory_space<hbm>>
      tpu.wait_dma2 semaphore(%arg18 : memref<!tpu.dma_semaphore, #tpu.memory_space<semaphore_mem>>) src(%dma_wait3A_31 : memref<128x64xf32, #tpu.memory_space<hbm>>) dst(%arg12 : memref<128x64xf32, #tpu.memory_space<vmem>>)
      %dma_wait3A_32 = arith.constant 0 : i32
      %dma_wait3A_33 = arith.constant 0 : i32
      %dma_wait3A_34 = tpu.memref_slice %arg5[%dma_wait3A_32, %dma_wait3A_33] : memref<1000000x64xf32, #tpu.memory_space<hbm>> -> memref<128x64xf32, #tpu.memory_space<hbm>>
      %dma_wait3A_35 = arith.constant 0 : i32
      %dma_wait3A_36 = arith.constant 0 : i32
      %dma_wait3A_37 = tpu.memref_slice %arg5[%dma_wait3A_35, %dma_wait3A_36] : memref<1000000x64xf32, #tpu.memory_space<hbm>> -> memref<128x64xf32, #tpu.memory_space<hbm>>
      tpu.wait_dma2 semaphore(%arg18 : memref<!tpu.dma_semaphore, #tpu.memory_space<semaphore_mem>>) src(%dma_wait3A_37 : memref<128x64xf32, #tpu.memory_space<hbm>>) dst(%arg13 : memref<128x64xf32, #tpu.memory_space<vmem>>)
      %dma_wait3A_38 = arith.constant 0 : i32
      %dma_wait3A_39 = arith.constant 0 : i32
      %dma_wait3A_40 = tpu.memref_slice %arg5[%dma_wait3A_38, %dma_wait3A_39] : memref<1000000x64xf32, #tpu.memory_space<hbm>> -> memref<128x64xf32, #tpu.memory_space<hbm>>
      %dma_wait3A_41 = arith.constant 0 : i32
      %dma_wait3A_42 = arith.constant 0 : i32
      %dma_wait3A_43 = tpu.memref_slice %arg5[%dma_wait3A_41, %dma_wait3A_42] : memref<1000000x64xf32, #tpu.memory_space<hbm>> -> memref<128x64xf32, #tpu.memory_space<hbm>>
      tpu.wait_dma2 semaphore(%arg18 : memref<!tpu.dma_semaphore, #tpu.memory_space<semaphore_mem>>) src(%dma_wait3A_43 : memref<128x64xf32, #tpu.memory_space<hbm>>) dst(%arg14 : memref<128x64xf32, #tpu.memory_space<vmem>>)
      %dma_wait3A_44 = arith.constant 0 : i32
      %dma_wait3A_45 = arith.constant 0 : i32
      %dma_wait3A_46 = tpu.memref_slice %arg5[%dma_wait3A_44, %dma_wait3A_45] : memref<1000000x64xf32, #tpu.memory_space<hbm>> -> memref<128x64xf32, #tpu.memory_space<hbm>>
      %dma_wait3A_47 = arith.constant 0 : i32
      %dma_wait3A_48 = arith.constant 0 : i32
      %dma_wait3A_49 = tpu.memref_slice %arg5[%dma_wait3A_47, %dma_wait3A_48] : memref<1000000x64xf32, #tpu.memory_space<hbm>> -> memref<128x64xf32, #tpu.memory_space<hbm>>
      tpu.wait_dma2 semaphore(%arg18 : memref<!tpu.dma_semaphore, #tpu.memory_space<semaphore_mem>>) src(%dma_wait3A_49 : memref<128x64xf32, #tpu.memory_space<hbm>>) dst(%arg15 : memref<128x64xf32, #tpu.memory_space<vmem>>)
      %scan3A_50 = arith.constant 0 : i32
      %scan3A_51 = arith.constant 0 : i32
      %scan3A_52 = arith.constant 128 : i32
      %scan3A_53 = arith.addi %scan3A_51, %scan3A_52 : i32
      %scan3A_54 = arith.constant 1 : i32
      scf.for %scan3A_65 = %scan3A_51 to %scan3A_53 step %scan3A_54  : i32 {
        %get3A = arith.index_cast %scan3A_65 : i32 to index
        %get3A_66 = arith.constant 0 : index
        %get3A_67 = tpu.vector_load %arg11[%get3A, %get3A_66] {strides = array<i32>} : memref<128x64xf32, #tpu.memory_space<vmem>>, vector<16xf32>,
        %get3A_68 = arith.index_cast %scan3A_65 : i32 to index
        %get3A_69 = arith.constant 0 : index
        %get3A_70 = tpu.vector_load %arg12[%get3A_68, %get3A_69] {strides = array<i32>} : memref<128x64xf32, #tpu.memory_space<vmem>>, vector<16xf32>,
        %get3A_71 = arith.index_cast %scan3A_65 : i32 to index
        %get3A_72 = arith.constant 0 : index
        %get3A_73 = tpu.vector_load %arg13[%get3A_71, %get3A_72] {strides = array<i32>} : memref<128x64xf32, #tpu.memory_space<vmem>>, vector<16xf32>,
        %get3A_74 = arith.index_cast %scan3A_65 : i32 to index
        %get3A_75 = arith.constant 0 : index
        %get3A_76 = tpu.vector_load %arg14[%get3A_74, %get3A_75] {strides = array<i32>} : memref<128x64xf32, #tpu.memory_space<vmem>>, vector<16xf32>,
        %get3A_77 = arith.index_cast %scan3A_65 : i32 to index
        %get3A_78 = arith.constant 0 : index
        %get3A_79 = tpu.vector_load %arg15[%get3A_77, %get3A_78] {strides = array<i32>} : memref<128x64xf32, #tpu.memory_space<vmem>>, vector<16xf32>,
        %mul3A_80 = arith.mulf %get3A_73, %get3A_76 : vector<16xf32>
        %mul3A_81 = arith.mulf %get3A_67, %get3A_70 : vector<16xf32>
        %sub3A = arith.subf %mul3A_80, %mul3A_81 : vector<16xf32>
        %mul3A_82 = arith.mulf %sub3A, %get3A_79 : vector<16xf32>
        %get3A_83 = arith.index_cast %scan3A_65 : i32 to index
        %get3A_84 = arith.constant 16 : index
        %get3A_85 = tpu.vector_load %arg11[%get3A_83, %get3A_84] {strides = array<i32>} : memref<128x64xf32, #tpu.memory_space<vmem>>, vector<16xf32>,
        %get3A_86 = arith.index_cast %scan3A_65 : i32 to index
        %get3A_87 = arith.constant 16 : index
        %get3A_88 = tpu.vector_load %arg12[%get3A_86, %get3A_87] {strides = array<i32>} : memref<128x64xf32, #tpu.memory_space<vmem>>, vector<16xf32>,
        %get3A_89 = arith.index_cast %scan3A_65 : i32 to index
        %get3A_90 = arith.constant 16 : index
        %get3A_91 = tpu.vector_load %arg13[%get3A_89, %get3A_90] {strides = array<i32>} : memref<128x64xf32, #tpu.memory_space<vmem>>, vector<16xf32>,
        %get3A_92 = arith.index_cast %scan3A_65 : i32 to index
        %get3A_93 = arith.constant 16 : index
        %get3A_94 = tpu.vector_load %arg14[%get3A_92, %get3A_93] {strides = array<i32>} : memref<128x64xf32, #tpu.memory_space<vmem>>, vector<16xf32>,
        %get3A_95 = arith.index_cast %scan3A_65 : i32 to index
        %get3A_96 = arith.constant 16 : index
        %get3A_97 = tpu.vector_load %arg15[%get3A_95, %get3A_96] {strides = array<i32>} : memref<128x64xf32, #tpu.memory_space<vmem>>, vector<16xf32>,
        %mul3A_98 = arith.mulf %get3A_91, %get3A_94 : vector<16xf32>
        %mul3A_99 = arith.mulf %get3A_85, %get3A_88 : vector<16xf32>
        %sub3A_100 = arith.subf %mul3A_98, %mul3A_99 : vector<16xf32>
        %mul3A_101 = arith.mulf %sub3A_100, %get3A_97 : vector<16xf32>
        %get3A_102 = arith.index_cast %scan3A_65 : i32 to index
        %get3A_103 = arith.constant 32 : index
        %get3A_104 = tpu.vector_load %arg11[%get3A_102, %get3A_103] {strides = array<i32>} : memref<128x64xf32, #tpu.memory_space<vmem>>, vector<16xf32>,
        %get3A_105 = arith.index_cast %scan3A_65 : i32 to index
        %get3A_106 = arith.constant 32 : index
        %get3A_107 = tpu.vector_load %arg12[%get3A_105, %get3A_106] {strides = array<i32>} : memref<128x64xf32, #tpu.memory_space<vmem>>, vector<16xf32>,
        %get3A_108 = arith.index_cast %scan3A_65 : i32 to index
        %get3A_109 = arith.constant 32 : index
        %get3A_110 = tpu.vector_load %arg13[%get3A_108, %get3A_109] {strides = array<i32>} : memref<128x64xf32, #tpu.memory_space<vmem>>, vector<16xf32>,
        %get3A_111 = arith.index_cast %scan3A_65 : i32 to index
        %get3A_112 = arith.constant 32 : index
        %get3A_113 = tpu.vector_load %arg14[%get3A_111, %get3A_112] {strides = array<i32>} : memref<128x64xf32, #tpu.memory_space<vmem>>, vector<16xf32>,
        %get3A_114 = arith.index_cast %scan3A_65 : i32 to index
        %get3A_115 = arith.constant 32 : index
        %get3A_116 = tpu.vector_load %arg15[%get3A_114, %get3A_115] {strides = array<i32>} : memref<128x64xf32, #tpu.memory_space<vmem>>, vector<16xf32>,
        %mul3A_117 = arith.mulf %get3A_110, %get3A_113 : vector<16xf32>
        %mul3A_118 = arith.mulf %get3A_104, %get3A_107 : vector<16xf32>
        %sub3A_119 = arith.subf %mul3A_117, %mul3A_118 : vector<16xf32>
        %mul3A_120 = arith.mulf %sub3A_119, %get3A_116 : vector<16xf32>
        %get3A_121 = arith.index_cast %scan3A_65 : i32 to index
        %get3A_122 = arith.constant 48 : index
        %get3A_123 = tpu.vector_load %arg11[%get3A_121, %get3A_122] {strides = array<i32>} : memref<128x64xf32, #tpu.memory_space<vmem>>, vector<16xf32>,
        %get3A_124 = arith.index_cast %scan3A_65 : i32 to index
        %get3A_125 = arith.constant 48 : index
        %get3A_126 = tpu.vector_load %arg12[%get3A_124, %get3A_125] {strides = array<i32>} : memref<128x64xf32, #tpu.memory_space<vmem>>, vector<16xf32>,
        %get3A_127 = arith.index_cast %scan3A_65 : i32 to index
        %get3A_128 = arith.constant 48 : index
        %get3A_129 = tpu.vector_load %arg13[%get3A_127, %get3A_128] {strides = array<i32>} : memref<128x64xf32, #tpu.memory_space<vmem>>, vector<16xf32>,
        %get3A_130 = arith.index_cast %scan3A_65 : i32 to index
        %get3A_131 = arith.constant 48 : index
        %get3A_132 = tpu.vector_load %arg14[%get3A_130, %get3A_131] {strides = array<i32>} : memref<128x64xf32, #tpu.memory_space<vmem>>, vector<16xf32>,
        %get3A_133 = arith.index_cast %scan3A_65 : i32 to index
        %get3A_134 = arith.constant 48 : index
        %get3A_135 = tpu.vector_load %arg15[%get3A_133, %get3A_134] {strides = array<i32>} : memref<128x64xf32, #tpu.memory_space<vmem>>, vector<16xf32>,
        %mul3A_136 = arith.mulf %get3A_129, %get3A_132 : vector<16xf32>
        %mul3A_137 = arith.mulf %get3A_123, %get3A_126 : vector<16xf32>
        %sub3A_138 = arith.subf %mul3A_136, %mul3A_137 : vector<16xf32>
        %mul3A_139 = arith.mulf %sub3A_138, %get3A_135 : vector<16xf32>
        %add3A_140 = arith.addf %mul3A_82, %mul3A_101 : vector<16xf32>
        %add3A_141 = arith.addf %mul3A_120, %mul3A_139 : vector<16xf32>
        %add3A_142 = arith.addf %add3A_140, %add3A_141 : vector<16xf32>
        %mul3A_143 = arith.constant 16 : i32
        %mul3A_144 = arith.muli %scan3A_65, %mul3A_143 : i32
        %swap3A_145 = arith.index_cast %mul3A_144 : i32 to index
        %swap3A_146 = tpu.vector_load %arg16[%swap3A_145] {strides = array<i32>} : memref<2048xf32, #tpu.memory_space<vmem>>, vector<16xf32>,
        tpu.vector_store %arg16[%swap3A_145], %add3A_142 {strides = array<i32>} : memref<2048xf32, #tpu.memory_space<vmem>>, vector<16xf32>,
      }
      %scan3A_55 = arith.constant 128 : i32
      %iota3A = tpu.iota {dimensions = array<i32: 0>} : vector<16xi32>
      %mul3A_56 = arith.constant 16 : i32
      %mul3A_57 = vector.broadcast %mul3A_56 : i32 to vector<16xi32>
      %mul3A_58 = arith.muli %iota3A, %mul3A_57 : vector<16xi32>
      %scan3A_59 = arith.constant 0 : i32
      %scan3A_60 = arith.constant 8 : i32
      %scan3A_61 = arith.addi %scan3A_59, %scan3A_60 : i32
      %scan3A_62 = arith.constant 1 : i32
      %scan3A_63 = scf.for %scan3A_65 = %scan3A_59 to %scan3A_61 step %scan3A_62 iter_args(%scan3A_66 = %scan3A_9) -> (vector<16xf32>)  : i32 {
        %mul3A_67 = arith.constant 256 : i32
        %mul3A_68 = arith.muli %scan3A_65, %mul3A_67 : i32
        %add3A_69 = arith.constant 0 : i32
        %add3A_70 = arith.addi %mul3A_68, %add3A_69 : i32
        %add3A_71 = vector.broadcast %add3A_70 : i32 to vector<16xi32>
        %add3A_72 = arith.addi %mul3A_58, %add3A_71 : vector<16xi32>
        %gather3A = tpu.vector_load_idx %arg16[%add3A_72] : memref<2048xf32, #tpu.memory_space<vmem>>[vector<16xi32>], vector<16xf32>,
        %mul3A_73 = arith.constant 256 : i32
        %mul3A_74 = arith.muli %scan3A_65, %mul3A_73 : i32
        %add3A_75 = arith.constant 1 : i32
        %add3A_76 = arith.addi %mul3A_74, %add3A_75 : i32
        %add3A_77 = vector.broadcast %add3A_76 : i32 to vector<16xi32>
        %add3A_78 = arith.addi %mul3A_58, %add3A_77 : vector<16xi32>
        %gather3A_79 = tpu.vector_load_idx %arg16[%add3A_78] : memref<2048xf32, #tpu.memory_space<vmem>>[vector<16xi32>], vector<16xf32>,
        %mul3A_80 = arith.constant 256 : i32
        %mul3A_81 = arith.muli %scan3A_65, %mul3A_80 : i32
        %add3A_82 = arith.constant 2 : i32
        %add3A_83 = arith.addi %mul3A_81, %add3A_82 : i32
        %add3A_84 = vector.broadcast %add3A_83 : i32 to vector<16xi32>
        %add3A_85 = arith.addi %mul3A_58, %add3A_84 : vector<16xi32>
        %gather3A_86 = tpu.vector_load_idx %arg16[%add3A_85] : memref<2048xf32, #tpu.memory_space<vmem>>[vector<16xi32>], vector<16xf32>,
        %mul3A_87 = arith.constant 256 : i32
        %mul3A_88 = arith.muli %scan3A_65, %mul3A_87 : i32
        %add3A_89 = arith.constant 3 : i32
        %add3A_90 = arith.addi %mul3A_88, %add3A_89 : i32
        %add3A_91 = vector.broadcast %add3A_90 : i32 to vector<16xi32>
        %add3A_92 = arith.addi %mul3A_58, %add3A_91 : vector<16xi32>
        %gather3A_93 = tpu.vector_load_idx %arg16[%add3A_92] : memref<2048xf32, #tpu.memory_space<vmem>>[vector<16xi32>], vector<16xf32>,
        %mul3A_94 = arith.constant 256 : i32
        %mul3A_95 = arith.muli %scan3A_65, %mul3A_94 : i32
        %add3A_96 = arith.constant 4 : i32
        %add3A_97 = arith.addi %mul3A_95, %add3A_96 : i32
        %add3A_98 = vector.broadcast %add3A_97 : i32 to vector<16xi32>
        %add3A_99 = arith.addi %mul3A_58, %add3A_98 : vector<16xi32>
        %gather3A_100 = tpu.vector_load_idx %arg16[%add3A_99] : memref<2048xf32, #tpu.memory_space<vmem>>[vector<16xi32>], vector<16xf32>,
        %mul3A_101 = arith.constant 256 : i32
        %mul3A_102 = arith.muli %scan3A_65, %mul3A_101 : i32
        %add3A_103 = arith.constant 5 : i32
        %add3A_104 = arith.addi %mul3A_102, %add3A_103 : i32
        %add3A_105 = vector.broadcast %add3A_104 : i32 to vector<16xi32>
        %add3A_106 = arith.addi %mul3A_58, %add3A_105 : vector<16xi32>
        %gather3A_107 = tpu.vector_load_idx %arg16[%add3A_106] : memref<2048xf32, #tpu.memory_space<vmem>>[vector<16xi32>], vector<16xf32>,
        %mul3A_108 = arith.constant 256 : i32
        %mul3A_109 = arith.muli %scan3A_65, %mul3A_108 : i32
        %add3A_110 = arith.constant 6 : i32
        %add3A_111 = arith.addi %mul3A_109, %add3A_110 : i32
        %add3A_112 = vector.broadcast %add3A_111 : i32 to vector<16xi32>
        %add3A_113 = arith.addi %mul3A_58, %add3A_112 : vector<16xi32>
        %gather3A_114 = tpu.vector_load_idx %arg16[%add3A_113] : memref<2048xf32, #tpu.memory_space<vmem>>[vector<16xi32>], vector<16xf32>,
        %mul3A_115 = arith.constant 256 : i32
        %mul3A_116 = arith.muli %scan3A_65, %mul3A_115 : i32
        %add3A_117 = arith.constant 7 : i32
        %add3A_118 = arith.addi %mul3A_116, %add3A_117 : i32
        %add3A_119 = vector.broadcast %add3A_118 : i32 to vector<16xi32>
        %add3A_120 = arith.addi %mul3A_58, %add3A_119 : vector<16xi32>
        %gather3A_121 = tpu.vector_load_idx %arg16[%add3A_120] : memref<2048xf32, #tpu.memory_space<vmem>>[vector<16xi32>], vector<16xf32>,
        %mul3A_122 = arith.constant 256 : i32
        %mul3A_123 = arith.muli %scan3A_65, %mul3A_122 : i32
        %add3A_124 = arith.constant 8 : i32
        %add3A_125 = arith.addi %mul3A_123, %add3A_124 : i32
        %add3A_126 = vector.broadcast %add3A_125 : i32 to vector<16xi32>
        %add3A_127 = arith.addi %mul3A_58, %add3A_126 : vector<16xi32>
        %gather3A_128 = tpu.vector_load_idx %arg16[%add3A_127] : memref<2048xf32, #tpu.memory_space<vmem>>[vector<16xi32>], vector<16xf32>,
        %mul3A_129 = arith.constant 256 : i32
        %mul3A_130 = arith.muli %scan3A_65, %mul3A_129 : i32
        %add3A_131 = arith.constant 9 : i32
        %add3A_132 = arith.addi %mul3A_130, %add3A_131 : i32
        %add3A_133 = vector.broadcast %add3A_132 : i32 to vector<16xi32>
        %add3A_134 = arith.addi %mul3A_58, %add3A_133 : vector<16xi32>
        %gather3A_135 = tpu.vector_load_idx %arg16[%add3A_134] : memref<2048xf32, #tpu.memory_space<vmem>>[vector<16xi32>], vector<16xf32>,
        %mul3A_136 = arith.constant 256 : i32
        %mul3A_137 = arith.muli %scan3A_65, %mul3A_136 : i32
        %add3A_138 = arith.constant 10 : i32
        %add3A_139 = arith.addi %mul3A_137, %add3A_138 : i32
        %add3A_140 = vector.broadcast %add3A_139 : i32 to vector<16xi32>
        %add3A_141 = arith.addi %mul3A_58, %add3A_140 : vector<16xi32>
        %gather3A_142 = tpu.vector_load_idx %arg16[%add3A_141] : memref<2048xf32, #tpu.memory_space<vmem>>[vector<16xi32>], vector<16xf32>,
        %mul3A_143 = arith.constant 256 : i32
        %mul3A_144 = arith.muli %scan3A_65, %mul3A_143 : i32
        %add3A_145 = arith.constant 11 : i32
        %add3A_146 = arith.addi %mul3A_144, %add3A_145 : i32
        %add3A_147 = vector.broadcast %add3A_146 : i32 to vector<16xi32>
        %add3A_148 = arith.addi %mul3A_58, %add3A_147 : vector<16xi32>
        %gather3A_149 = tpu.vector_load_idx %arg16[%add3A_148] : memref<2048xf32, #tpu.memory_space<vmem>>[vector<16xi32>], vector<16xf32>,
        %mul3A_150 = arith.constant 256 : i32
        %mul3A_151 = arith.muli %scan3A_65, %mul3A_150 : i32
        %add3A_152 = arith.constant 12 : i32
        %add3A_153 = arith.addi %mul3A_151, %add3A_152 : i32
        %add3A_154 = vector.broadcast %add3A_153 : i32 to vector<16xi32>
        %add3A_155 = arith.addi %mul3A_58, %add3A_154 : vector<16xi32>
        %gather3A_156 = tpu.vector_load_idx %arg16[%add3A_155] : memref<2048xf32, #tpu.memory_space<vmem>>[vector<16xi32>], vector<16xf32>,
        %mul3A_157 = arith.constant 256 : i32
        %mul3A_158 = arith.muli %scan3A_65, %mul3A_157 : i32
        %add3A_159 = arith.constant 13 : i32
        %add3A_160 = arith.addi %mul3A_158, %add3A_159 : i32
        %add3A_161 = vector.broadcast %add3A_160 : i32 to vector<16xi32>
        %add3A_162 = arith.addi %mul3A_58, %add3A_161 : vector<16xi32>
        %gather3A_163 = tpu.vector_load_idx %arg16[%add3A_162] : memref<2048xf32, #tpu.memory_space<vmem>>[vector<16xi32>], vector<16xf32>,
        %mul3A_164 = arith.constant 256 : i32
        %mul3A_165 = arith.muli %scan3A_65, %mul3A_164 : i32
        %add3A_166 = arith.constant 14 : i32
        %add3A_167 = arith.addi %mul3A_165, %add3A_166 : i32
        %add3A_168 = vector.broadcast %add3A_167 : i32 to vector<16xi32>
        %add3A_169 = arith.addi %mul3A_58, %add3A_168 : vector<16xi32>
        %gather3A_170 = tpu.vector_load_idx %arg16[%add3A_169] : memref<2048xf32, #tpu.memory_space<vmem>>[vector<16xi32>], vector<16xf32>,
        %mul3A_171 = arith.constant 256 : i32
        %mul3A_172 = arith.muli %scan3A_65, %mul3A_171 : i32
        %add3A_173 = arith.constant 15 : i32
        %add3A_174 = arith.addi %mul3A_172, %add3A_173 : i32
        %add3A_175 = vector.broadcast %add3A_174 : i32 to vector<16xi32>
        %add3A_176 = arith.addi %mul3A_58, %add3A_175 : vector<16xi32>
        %gather3A_177 = tpu.vector_load_idx %arg16[%add3A_176] : memref<2048xf32, #tpu.memory_space<vmem>>[vector<16xi32>], vector<16xf32>,
        %add3A_178 = arith.addf %gather3A, %gather3A_79 : vector<16xf32>
        %add3A_179 = arith.addf %gather3A_86, %gather3A_93 : vector<16xf32>
        %add3A_180 = arith.addf %gather3A_100, %gather3A_107 : vector<16xf32>
        %add3A_181 = arith.addf %gather3A_114, %gather3A_121 : vector<16xf32>
        %add3A_182 = arith.addf %gather3A_128, %gather3A_135 : vector<16xf32>
        %add3A_183 = arith.addf %gather3A_142, %gather3A_149 : vector<16xf32>
        %add3A_184 = arith.addf %gather3A_156, %gather3A_163 : vector<16xf32>
        %add3A_185 = arith.addf %gather3A_170, %gather3A_177 : vector<16xf32>
        %add3A_186 = arith.addf %add3A_178, %add3A_179 : vector<16xf32>
        %add3A_187 = arith.addf %add3A_180, %add3A_181 : vector<16xf32>
        %add3A_188 = arith.addf %add3A_182, %add3A_183 : vector<16xf32>
        %add3A_189 = arith.addf %add3A_184, %add3A_185 : vector<16xf32>
        %add3A_190 = arith.addf %add3A_186, %add3A_187 : vector<16xf32>
        %add3A_191 = arith.addf %add3A_188, %add3A_189 : vector<16xf32>
        %add3A_192 = arith.addf %add3A_190, %add3A_191 : vector<16xf32>
        %add3A_193 = arith.constant 1.000000e+00 : f32
        %add3A_194 = vector.broadcast %add3A_193 : f32 to vector<16xf32>
        %add3A_195 = arith.addf %add3A_194, %add3A_192 : vector<16xf32>
        %max3A = arith.constant 0.000000e+00 : f32
        %max3A_196 = vector.broadcast %max3A : f32 to vector<16xf32>
        %max3A_197 = arith.maximumf %add3A_195, %max3A_196 : vector<16xf32>
        %add3A_198 = arith.addf %scan3A_66, %max3A_197 : vector<16xf32>
        scf.yield %add3A_198 : vector<16xf32>
      }
      %scan3A_64 = arith.constant 8 : i32
      scf.yield %scan3A_63 : vector<16xf32>
    }
    %scan3A_6 = arith.constant 4 : i32
    %swap3A = arith.constant 0 : index
    %swap3A_7 = tpu.vector_load %arg17[%swap3A] {strides = array<i32>} : memref<16xf32, #tpu.memory_space<vmem>>, vector<16xf32>,
    tpu.vector_store %arg17[%swap3A], %scan3A_5 {strides = array<i32>} : memref<16xf32, #tpu.memory_space<vmem>>, vector<16xf32>,
    "tpu.region"() ({
      %run_scoped3A = tpu.sem_alloc : memref<!tpu.dma_semaphore, #tpu.memory_space<semaphore_mem>>
      %dma_start3A = arith.constant 0 : i32
      %dma_start3A_8 = tpu.memref_slice %arg7[%add3A, %dma_start3A] : memref<32x16xf32, #tpu.memory_space<hbm>> -> memref<1x16xf32, #tpu.memory_space<hbm>>
      %dma_start3A_9 = tpu.memref_squeeze %dma_start3A_8 : memref<1x16xf32, #tpu.memory_space<hbm>> -> memref<16xf32, #tpu.memory_space<hbm>>
      %dma_start3A_10 = arith.constant 0 : i32
      %dma_start3A_11 = tpu.memref_slice %arg7[%add3A, %dma_start3A_10] : memref<32x16xf32, #tpu.memory_space<hbm>> -> memref<1x16xf32, #tpu.memory_space<hbm>>
      %dma_start3A_12 = tpu.memref_squeeze %dma_start3A_11 : memref<1x16xf32, #tpu.memory_space<hbm>> -> memref<16xf32, #tpu.memory_space<hbm>>
      tpu.enqueue_dma source(%arg17 : memref<16xf32, #tpu.memory_space<vmem>>) target(%dma_start3A_12 : memref<16xf32, #tpu.memory_space<hbm>>) target_semaphore(%run_scoped3A : memref<!tpu.dma_semaphore, #tpu.memory_space<semaphore_mem>>)
      %dma_wait3A = arith.constant 0 : i32
      %dma_wait3A_13 = tpu.memref_slice %arg7[%add3A, %dma_wait3A] : memref<32x16xf32, #tpu.memory_space<hbm>> -> memref<1x16xf32, #tpu.memory_space<hbm>>
      %dma_wait3A_14 = tpu.memref_squeeze %dma_wait3A_13 : memref<1x16xf32, #tpu.memory_space<hbm>> -> memref<16xf32, #tpu.memory_space<hbm>>
      %dma_wait3A_15 = arith.constant 0 : i32
      %dma_wait3A_16 = tpu.memref_slice %arg7[%add3A, %dma_wait3A_15] : memref<32x16xf32, #tpu.memory_space<hbm>> -> memref<1x16xf32, #tpu.memory_space<hbm>>
      %dma_wait3A_17 = tpu.memref_squeeze %dma_wait3A_16 : memref<1x16xf32, #tpu.memory_space<hbm>> -> memref<16xf32, #tpu.memory_space<hbm>>
      tpu.wait_dma2 semaphore(%run_scoped3A : memref<!tpu.dma_semaphore, #tpu.memory_space<semaphore_mem>>) src(%arg17 : memref<16xf32, #tpu.memory_space<vmem>>) dst(%dma_wait3A_17 : memref<16xf32, #tpu.memory_space<hbm>>)
      tpu.yield
    }) : () -> ()
    return
  }
}

module attributes {stable_mosaic.version = 14 : i64} {
  func.func @_reduce_body(%arg0: memref<32x16xf32, #tpu.memory_space<vmem>>, %arg1: memref<1x1xf32, #tpu.memory_space<smem>>) attributes {dimension_semantics = [], scalar_prefetch = 0 : i64, scratch_operands = 0 : i64, tpu.core_type = #tpu.core_type<tc>} {
    %get3A = arith.constant 0 : index
    %get3A_0 = arith.constant 0 : index
    %get3A_1 = vector.load %arg0[%get3A, %get3A_0] : memref<32x16xf32, #tpu.memory_space<vmem>>, vector<32x16xf32>
    %reduce_sum3A = vector.shape_cast %get3A_1 : vector<32x16xf32> to vector<1x32x16xf32>
    %reduce_sum3A_2 = arith.constant dense<0.000000e+00> : vector<1xf32>
    %reduce_sum3A_3 = vector.multi_reduction <add>, %reduce_sum3A, %reduce_sum3A_2 [1, 2] : vector<1x32x16xf32> to vector<1xf32>
    %reduce_sum3A_4 = vector.shape_cast %reduce_sum3A_3 : vector<1xf32> to vector<1x1x1xf32>
    %reduce_sum3A_5 = vector.extract %reduce_sum3A_4[0, 0, 0] : f32 from vector<1x1x1xf32>
    %mul3A = arith.constant 6.10351563E-5 : f32
    %mul3A_6 = arith.mulf %reduce_sum3A_5, %mul3A : f32
    %swap3A = arith.constant 0 : index
    %swap3A_7 = arith.constant 0 : index
    %swap3A_8 = memref.load %arg1[%swap3A, %swap3A_7] : memref<1x1xf32, #tpu.memory_space<smem>>
    memref.store %mul3A_6, %arg1[%swap3A, %swap3A_7] : memref<1x1xf32, #tpu.memory_space<smem>>
    return
  }
}

</mosaic_0001>

<sc_bundles>
// kernel: kernel.4.cloned.1.call-start
scs
__scs_entry_jumppad:
0x0: {  	(pc) =	sbr.rel $0x88, $3  }
0x1: {  	(tag) =	ssettag $0x0;
	lr =	simm.s32 $0x1  }
0x2: {  	[smem:$0x3F9C] =	sst lr;
	_ =	strace $0xD0000000  }
0x3: {  	_ = 	snop  }
0x4: {  	_ = 	snop  }
0x5: {  	_ = 	snop  }
0x6: {  	_ = 	snop  }
0x7: {  	_ = 	snop  }
__scs_overlays_trampoline_lowered:
0x8: {  	[smem:$0x3FAB] =	sst s0  }
0x9: {  	[smem:$0x3FAC] =	sst s1  }
0xa: {  	[smem:$0x3FAD] =	sst s2  }
0xb: {  	[smem:$0x3FAE] =	sst s3  }
0xc: {  	[smem:$0x3FAF] =	sst s4  }
0xd: {  	[smem:$0x3FB0] =	sst s5  }
0xe: {  	[smem:$0x3FB1] =	sst s6  }
0xf: {  	[smem:$0x3FB2] =	sst s7  }
0x10: {  	[smem:$0x3FB3] =	sst s8  }
0x11: {  	[smem:$0x3FB4] =	sst s9;
	s0 =	simm.s32 @!p0 $0x0  }
0x12: {  	s1 =	sld [smem:$0x3F9A];
	s0 =	simm.s32 @p0 $0x1  }
0x13: {  	[smem:$0x3FB5] =	sst s0;
	s0 =	simm.s32 @!p1 $0x0  }
0x14: {  	s2 =	sld [smem:$0x3F99];
	s0 =	simm.s32 @p1 $0x1  }
0x15: {  	[smem:$0x3FB6] =	sst s0;
	s0 =	simm.s32 @!p2 $0x0  }
0x16: {  	s3 =	sld [smem:$0x3FDB];
	s0 =	simm.s32 @p2 $0x1  }
0x17: {  	s4 =	simm.s32 $0x1BF5;
	[smem:$0x3FB8] =	sst s0  }
0x18: {  	s0 =	sld [smem:$0x3F9B];
	_ =	swait.ge [sflag:s4], $0x0  }
0x19: {  	s7 =	sld [smem:$0x3F9C]  }
0x1a: {  	s8 =	sadd.s32 $0xFFFFE003, lr  }
0x1b: {  	s9 =	sadd.s32 $0xFFFFFEF7, lr;
	s5 =	simm.s32 $0xFFFFFFFF;
	p2 =	slt.u32 s8, $0xFFFFF086  }
0x1c: {  	p1 =	slt.u32 s9, $0xF7A;
	s5 =	simm.s32 @!p2 $0x0  }
0x1d: {  	s5 =	simm.s32 @p1 $0x1;
	p0 =	seq.s32 s7, s2  }
0x1e: {  	s7 =	smul.u32 @!p0 $0xF7A, s2;
	p2 =	seq.s32 @!p0 s5, $0x0  }
0x1f: {  	s9 =	smul.u32 $0xF7A, s1;
	s8 =	simm.s32 @!p0 $0x1BF5;
	p2 =	por !p2, p0  }
0x20: {  	[sflag:s8] =	ssyncset.s32 @!p0 $0xFFFFF086;
	s6 =	sadd.s32 @!p0 s3, s7;
	s7 =	simm.s32 @!p0 $0x108  }
0x21: {  	s3 =	sadd.s32 s3, s9;
	s6 =	sadd.s32 @!p0 $0x88, s6;
	s7 =	simm.s32 @p2 $0x1082  }
0x22: {  	[simem:s7], [sflag:s8] =	dma.local @!p0 [hbm:s6], $0xF7A  }
0x23: {  	s9 =	sor.u32 $0xD0000000, s2;
	s6 =	simm.s32 $0x108;
	_ =	swait.ge @!p0 [sflag:s8], $0x0  }
0x24: {  	s3 =	sadd.s32 $0x88, s3;
	s6 =	simm.s32 @!p1 $0x1082;
	[sflag:s4] =	ssyncset.s32 $0xFFFFF086  }
0x25: {  	[simem:s6], [sflag:s4] =	dma.local [hbm:s3], $0xF7A  }
0x26: {  	[smem:$0x3F9C] =	sst s1;
	(tag) =	ssettag s2;
	_ =	strace s9  }
0x27: {  	s1 =	sld [smem:$0x3FAC]  }
0x28: {  	s2 =	sld [smem:$0x3FAD]  }
0x29: {  	s4 =	sld [smem:$0x3FAF]  }
0x2a: {  	p0 =	seq.s32 s5, $0x0;
	s5 =	sld [smem:$0x3FB0]  }
0x2b: {  	s6 =	sld [smem:$0x3FB1]  }
0x2c: {  	s7 =	sld [smem:$0x3FB2]  }
0x2d: {  	s3 =	simm.s32 $0x108;
	s8 =	sld [smem:$0x3FB3]  }
0x2e: {  	s3 =	simm.s32 @!p0 $0x1082;
	s9 =	sld [smem:$0x3FB4]  }
0x2f: {  	lr =	sadd.s32 s0, s3;
	s0 =	sld [smem:$0x3FAB]  }
0x30: {  	s3 =	sld [smem:$0x3FAE]  }
0x31: {  	[smem:$0x3FB7] =	sst s10  }
0x32: {  	s10 =	sld [smem:$0x3FB5];
	_ =	sdelay $0x3  }
0x33: {  	p0 =	seq.s32 s10, $0x1;
	s10 =	sld [smem:$0x3FB7];
	_ =	sdelay $0x3  }
0x34: {  	[smem:$0x3FB7] =	sst s10  }
0x35: {  	s10 =	sld [smem:$0x3FB6];
	_ =	sdelay $0x3  }
0x36: {  	p1 =	seq.s32 s10, $0x1;
	s10 =	sld [smem:$0x3FB7];
	_ =	sdelay $0x3  }
0x37: {  	[smem:$0x3FB7] =	sst s10  }
0x38: {  	s10 =	sld [smem:$0x3FB8]  }
0x39: {  	_ = 	snop;
	(pc) =	sbr.ind lr, $3  }
0x3a: {  	_ = 	snop  }
0x3b: {  	_ = 	snop  }
0x3c: {  	p2 =	seq.s32 s10, $0x1;
	s10 =	sld [smem:$0x3FB7]  }
0x3d: {  	_ =	shalt  }
0x3e: {  	_ =	shalt  }
0x3f: {  	_ =	shalt  }
0x40: {  	_ =	shalt  }
0x41: {  	_ =	shalt  }
0x42: {  	_ =	shalt  }
0x43: {  	_ =	shalt  }
0x44: {  	_ =	shalt  }
0x45: {  	_ =	shalt  }
0x46: {  	_ =	shalt  }
0x47: {  	_ =	shalt  }
0x48: {  	_ =	shalt  }
0x49: {  	_ =	shalt  }
0x4a: {  	_ =	shalt  }
0x4b: {  	_ =	shalt  }
0x4c: {  	_ =	shalt  }
0x4d: {  	_ =	shalt  }
0x4e: {  	_ =	shalt  }
0x4f: {  	_ =	shalt  }
0x50: {  	_ =	shalt  }
0x51: {  	_ =	shalt  }
0x52: {  	_ =	shalt  }
0x53: {  	_ =	shalt  }
0x54: {  	_ =	shalt  }
0x55: {  	_ =	shalt  }
0x56: {  	_ =	shalt  }
0x57: {  	_ =	shalt  }
0x58: {  	_ =	shalt  }
0x59: {  	_ =	shalt  }
0x5a: {  	_ =	shalt  }
0x5b: {  	_ =	shalt  }
0x5c: {  	_ =	shalt  }
0x5d: {  	_ =	shalt  }
0x5e: {  	_ =	shalt  }
0x5f: {  	_ =	shalt  }
0x60: {  	_ =	shalt  }
0x61: {  	_ =	shalt  }
0x62: {  	_ =	shalt  }
0x63: {  	_ =	shalt  }
0x64: {  	_ =	shalt  }
0x65: {  	_ =	shalt  }
0x66: {  	_ =	shalt  }
0x67: {  	_ =	shalt  }
0x68: {  	_ =	shalt  }
0x69: {  	_ =	shalt  }
0x6a: {  	_ =	shalt  }
0x6b: {  	_ =	shalt  }
0x6c: {  	_ =	shalt  }
0x6d: {  	_ =	shalt  }
0x6e: {  	_ =	shalt  }
0x6f: {  	_ =	shalt  }
0x70: {  	_ =	shalt  }
0x71: {  	_ =	shalt  }
0x72: {  	_ =	shalt  }
0x73: {  	_ =	shalt  }
0x74: {  	_ =	shalt  }
0x75: {  	_ =	shalt  }
0x76: {  	_ =	shalt  }
0x77: {  	_ =	shalt  }
0x78: {  	_ =	shalt  }
0x79: {  	_ =	shalt  }
0x7a: {  	_ =	shalt  }
0x7b: {  	_ =	shalt  }
0x7c: {  	_ =	shalt  }
0x7d: {  	_ =	shalt  }
0x7e: {  	_ =	shalt  }
0x7f: {  	_ =	shalt  }
0x80: {  	_ =	shalt  }
0x81: {  	_ =	shalt  }
0x82: {  	_ =	shalt  }
0x83: {  	_ =	shalt  }
0x84: {  	_ =	shalt  }
0x85: {  	_ =	shalt  }
0x86: {  	_ =	shalt  }
0x87: {  	_ =	shalt  }
.Lfunc_end0:
.L_simem_size_0:
called_computation_lowered:
.L_overlay_start_0:
0x88: {  	s2 =	sld [smem:$0x3FD9]  }
0x89: {  	s3 =	sld [smem:$0x3FFE];
	_ =	sdelay $0x1  }
0x8a: {  	s1 =	srdreg.scid  }
0x8b: {  	s0 =	sand.u32 $0x1, s1  }
0x8c: {  	s17 =	sshll.u32 s0, $0xA;
	s2 =	sadd.s32 s3, s2  }
0x8d: {  	s2 =	sadd.s32 s2, s17  }
0x8e: {  	[smem:$0x3FC3] =	sst s2  }
0x8f: {  	_ = 	snop  }
0x90: {  	s2 =	sld [smem:$0x3FC9]  }
0x91: {  	s18 =	sld [smem:$0x3FC8]  }
0x92: {  	s4 =	sld [smem:$0x3FC7];
	(tm) =	ssettm $0x1  }
0x93: {  	s5 =	sld [smem:$0x3FFB];
	_ =	sdelay $0x3  }
0x94: {  	_ =	strace s5  }
0x95: {  	s5 =	sld [smem:$0x3FFC];
	_ =	sdelay $0x3  }
0x96: {  	_ =	strace s5  }
0x97: {  	s5 =	sld [smem:$0x3FFD];
	_ =	sdelay $0x3  }
0x98: {  	_ =	strace s5  }
0x99: {  	_ =	strace $0x8FFFFFFF  }
0x9a: {  	s19 =	sld [smem:$0x3FDB];
	_ =	sdelay $0x1  }
0x9b: {  	s6 =	simm.s32 $_scs_section_size  }
0x9c: {  	s7 =	simm.s32 $_size__tile_overlayer_lowered;
	s8 =	simm.s32 $_tile_overlayer_lowered  }
0x9d: {  	s22 =	simm.s32 $0x1BFF;
	s21 =	sshll.u32 s8, $0x1;
	s5 =	sadd.s32 s6, s19  }
0x9e: {  	s9 =	simm.s32 $0x0;
	s20 =	sshll.u32 s7, $0x1;
	s7 =	sadd.s32 s21, s5  }
0x9f: {  	[timem:s9], [sflag:s22] =	dma.local [hbm:s7], s20  }
0xa0: {  	_ =	swait.ge [sflag:s22], s20  }
0xa1: {  	s6 =	ssub.s32 $0x0, s20;
	[sflag:s22] =	ssyncset.done $0x0  }
0xa2: {  	[sflag:s22] =	ssyncadd.s32 s6;
	_ =	sdelay $0x1  }
0xa3: {  	s23 =	simm.s32 $0x1B8B  }
0xa4: {  	_ =	swait.ge [sflag:s23], $0x1  }
0xa5: {  	[sflag:s23] =	ssyncset.done $0x0  }
0xa6: {  	s25 =	simm.s32 $0x1B8E;
	s24 =	sld [smem:$0x3FFE];
	[sflag:s23] =	ssyncadd.s32 $0xFFFFFFFF  }
0xa7: {  	s26 =	simm.s32 $execute0_lowered;
	[smem:$0x3FD2] =	sst s25  }
0xa8: {  	s7 =	sshll.u32 s26, $0x1;
	_ =	strace $0x80000046;
	[dreg:$0x1] =	wrdreg $0xFFFFFFFF  }
0xa9: {  	s28 =	simm.s32 $_size_execute0_lowered;
	s5 =	sadd.s32 s5, s7;
	[dreg:$0x0] =	wrdreg $0x0  }
0xaa: {  	s7 =	sshll.u32 s28, $0x1;
	[dreg:$0x2] =	wrdreg s5  }
0xab: {  	[dreg:$0x3] =	wrdreg s7  }
0xac: {  	[dreg:$0x4] =	wrdreg $0xC0  }
0xad: {  	_ =	task [dreg:s9], $0x5FFFF  }
0xae: {  	[dreg:$0x1] =	wrdreg $0xFFFFFFFF  }
0xaf: {  	[dreg:$0x0] =	wrdreg $0x60  }
0xb0: {  	[dreg:$0x2] =	wrdreg s2  }
0xb1: {  	[dreg:$0x3] =	wrdreg s4  }
0xb2: {  	[dreg:$0x4] =	wrdreg s18  }
0xb3: {  	[dreg:$0x5] =	wrdreg s24  }
0xb4: {  	[dreg:$0x6] =	wrdreg $0x9  }
0xb5: {  	_ =	task.clear_ibuf [dreg:s9], $0x7FFFF;
	_ =	strace $0x90000046  }
0xb6: {  	s29 =	simm.s32 $0x9;
	_ =	strace $0x80000048  }
0xb7: {  	_ =	swait.ge [sflag:s29], $0x1  }
0xb8: {  	[sflag:s29] =	ssyncadd.s32 $0xFFFFFFFF  }
0xb9: {  	_ =	strace $0x90000048  }
0xba: {  	_ =	sfence  }
0xbb: {  	s30 =	sld [smem:$0x0];
	_ =	sdelay $0x2  }
0xbc: {  	s31 =	sshll.u32 s1, $0xD;
	s1 =	sshrl.u32 s1, $0x2  }
0xbd: {  	s3 =	sand.u32 $0x4000, s31;
	s1 =	sadd.s32 s1, s30  }
0xbe: {  	s0 =	sor.u32 s3, s0;
	s1 =	sshll.u32 s1, $0x11  }
0xbf: {  	s0 =	sor.u32 s1, s0  }
0xc0: {  	s0 =	sadd.s32 $0x8F2B, s0  }
0xc1: {  	[sflag:s0] =	ssyncadd.remote.s32 $0x1  }
0xc2: {  	_ =	sfence.sel $0xFFFF  }
0xc3: {  	[dreg:$0x0] =	wrdreg $0xFFFFFFFF;
	(pc) =	sbr.abs _section_cstart, $3  }
0xc4: {  	[dreg:$0x1] =	wrdreg $0xFFFFFFFF  }
0xc5: {  	_ =	task.clear_ibuf [dreg:s9], $0x2FFFF;
	_ =	strace $0x9FFFFFFF  }
0xc6: {  	(tm) =	ssettm $0x7FFFFFFF  }
0xc7: {  	_ =	shalt  }
tec
execute0_lowered:
.L_overlay_start_1:
0x0: {  	(tag) =	ssettag $0x1  }
0x1: {  	s1 =	rddreg [dreg:$0x0]  }
0x2: {  	s2 =	rddreg [dreg:$0x1]  }
0x3: {  	s3 =	rddreg [dreg:$0x2]  }
0x4: {  	s8 =	rddreg [dreg:$0x3]  }
0x5: {  	s0 =	rddreg [dreg:$0x4]  }
0x6: {  	s5 =	simm.s32 $0x0;
	s6 =	srdreg.scid;
	s4 =	stileid.u32  }
0x7: {  	s13 =	simm.s32 $0x1;
	s14 =	simm.s32 $0x14280;
	s15 =	simm.s32 $0x14A80  }
0x8: {  	[smem:$0x7FF] =	sst s5;
	s6 =	sand.u32 $0x1, s6;
	s7 =	sshll.u32 s4, $0x1  }
0x9: {  	s16 =	simm.s32 $0x0;
	_ =	strace $0x80000047;
	s9 =	sor.u32 s6, s7  }
0xa: {  	s10 =	ssub.s32 $0x2, s6;
	s6 =	sadd.s32 $0x4600, s8;
	s11 =	sshll.u32 s9, $0x4  }
0xb: {  	v0 =	vlaneseq.u32;
	s7 =	sadd.s32 $0x600, s8;
	s12 =	sshrl.u32 s10, $0x1;
	s11 =	sadd.s32 s11, s8  }
0xc: {  	v0 =	vmul.u32 $0x10, v0;
	s10 =	ssub.s32 s10, s12;
	s8 =	sshll.u32 s9, $0x2;
	s12 =	simm.s32 $0x100  }
0xd: {  	s9 =	sadd.s32 $0xF46A00, s11;
	s10 =	smax.u32 s10, $0x1;
	s11 =	simm.s32 $0x2  }
.LBB2_1:
0xe: {  	v1 =	vimm.f32 $0.0e+00;
	s17 =	simm.s32 $0x0  }
.LBB2_2:
0xf: {  	s21 =	sadd.s32 s8, s17  }
0x10: {  	s20 =	sshll.u32 s21, $0x5  }
0x11: {  	s18 =	simm.s32 $0x0;
	s19 =	sadd.s32 s1, s20  }
0x12: {  	[tilespmem:s18], [sflag:$0x2] =	stream.linear.gather [hbm4b:s19+s18], $0x80, $0x38;
	[tilespmem:$0x14B00] =	vst v63  }
0x13: {  	_ =	swait.ge [sflag:s11], $0x80  }
0x14: {  	s22 =	sor.u32 $0x10, s20;
	[sflag:s11] =	ssyncset.done $0x0  }
0x15: {  	s23 =	sadd.s32 s1, s22;
	s19 =	simm.s32 $0x80;
	[sflag:s11] =	ssyncadd.s32 $0xFFFFFF80  }
0x16: {  	[tilespmem:s19], [sflag:$0x2] =	stream.linear.gather [hbm4b:s23+s18], $0x80, $0x38;
	[tilespmem:$0x14B00] =	vst v63  }
0x17: {  	_ =	swait.ge [sflag:s11], $0x80  }
0x18: {  	[sflag:s11] =	ssyncset.done $0x0  }
0x19: {  	s20 =	sadd.s32 s2, s20;
	[sflag:s11] =	ssyncadd.s32 $0xFFFFFF80  }
0x1a: {  	[tilespmem:s12], [sflag:$0x2] =	stream.linear.gather [hbm4b:s20+s18], $0x80, $0x38;
	[tilespmem:$0x14B00] =	vst v63  }
0x1b: {  	_ =	swait.ge [sflag:s11], $0x80  }
0x1c: {  	[sflag:s11] =	ssyncset.done $0x0  }
0x1d: {  	s22 =	sadd.s32 s2, s22;
	s20 =	simm.s32 $0x180;
	[sflag:s11] =	ssyncadd.s32 $0xFFFFFF80  }
0x1e: {  	[tilespmem:s20], [sflag:$0x2] =	stream.linear.gather [hbm4b:s22+s18], $0x80, $0x38;
	[tilespmem:$0x14B00] =	vst v63  }
0x1f: {  	_ =	swait.ge [sflag:s11], $0x80  }
0x20: {  	s21 =	sshll.u32 s21, $0x4;
	[sflag:s11] =	ssyncset.done $0x0  }
0x21: {  	s31 =	sadd.s32 s3, s21;
	s21 =	simm.s32 $0x200;
	[sflag:s11] =	ssyncadd.s32 $0xFFFFFF80  }
0x22: {  	[tilespmem:s21], [sflag:$0x2] =	stream.linear.gather [hbm4b:s31+s18], $0x80, $0x38;
	[tilespmem:$0x14B00] =	vst v63  }
0x23: {  	_ =	swait.ge [sflag:s11], $0x80  }
0x24: {  	[sflag:s11] =	ssyncset.done $0x0  }
0x25: {  	[sflag:s11] =	ssyncadd.s32 $0xFFFFFF80  }
.LBB2_3:
0x26: {  	v2 =	vld [tilespmem:s19+$0xFFFFFF80];
	_ =	sdelay $0x1  }
0x27: {  	v3 =	vld [tilespmem:s19+$0x0];
	_ =	sdelay $0x2  }
0x28: {  	v6 =	vshll.u32 v2, $0x4  }
0x29: {  	(v2sf) =	vpush v6, $0x0  }
0x2a: {  	v2 =	vld [tilespmem:s20+$0xFFFFFF80];
	v5 =	vshll.u32 v3, $0x4  }
0x2b: {  	(v2sf) =	vpush v5, $0x0  }
0x2c: {  	v3 =	vld [tilespmem:s20+$0x0];
	_ =	sdelay $0x2  }
0x2d: {  	v4 =	vshll.u32 v2, $0x4  }
0x2e: {  	(v2sf) =	vpush v4, $0x0  }
0x2f: {  	v3 =	vshll.u32 v3, $0x4  }
0x30: {  	v2 =	vld [tilespmem:s21+$0x0];
	(v2sf) =	vpush v3, $0x0;
	_ =	sdelay $0x4  }
0x31: {  	v2 =	vshll.u32 v2, $0x4  }
0x32: {  	s23 =	spop (v2sf);
	(v2sf) =	vpush v2, $0x0;
	_ =	sdelay $0x1  }
0x33: {  	s25 =	spop (v2sf);
	(v2sf) =	vpush v6, $0x1;
	_ =	sdelay $0x4  }
0x34: {  	s28 =	spop (v2sf);
	(v2sf) =	vpush v5, $0x1;
	_ =	sdelay $0x1  }
0x35: {  	s30 =	spop (v2sf);
	(v2sf) =	vpush v4, $0x1;
	_ =	sdelay $0x1  }
0x36: {  	s22 =	sshra.s32 s18, $0x2;
	s23 =	sand.u32 $0x1FFFFFF0, s23  }
0x37: {  	s24 =	sadd.s32 $0x280, s22;
	s23 =	sadd.s32 s6, s23  }
0x38: {  	[tilespmem:s24], [sflag:$0x1] =	stream.linear.gather [hbm4b:s23+s5], $0x80, $0x38;
	[tilespmem:$0x14B00] =	vst v63  }
0x39: {  	s23 =	sand.u32 $0x1FFFFFF0, s25  }
0x3a: {  	s26 =	sadd.s32 $0x4280, s22;
	s23 =	sadd.s32 s6, s23;
	s25 =	spop (v2sf);
	(v2sf) =	vpush v3, $0x1  }
0x3b: {  	[tilespmem:s26], [sflag:$0x1] =	stream.linear.gather [hbm4b:s23+s5], $0x80, $0x38;
	[tilespmem:$0x14B00] =	vst v63  }
0x3c: {  	s23 =	sand.u32 $0x1FFFFFF0, s28;
	s28 =	spop (v2sf);
	(v2sf) =	vpush v2, $0x1;
	_ =	sdelay $0x1  }
0x3d: {  	s29 =	sadd.s32 $0x8280, s22;
	s23 =	sadd.s32 s6, s23  }
0x3e: {  	[tilespmem:s29], [sflag:$0x1] =	stream.linear.gather [hbm4b:s23+s5], $0x80, $0x38;
	[tilespmem:$0x14B00] =	vst v63  }
0x3f: {  	s23 =	sand.u32 $0x1FFFFFF0, s30  }
0x40: {  	s31 =	sadd.s32 $0xC280, s22;
	s23 =	sadd.s32 s6, s23;
	s30 =	spop (v2sf);
	(v2sf) =	vpush v6, $0x2  }
0x41: {  	[tilespmem:s31], [sflag:$0x1] =	stream.linear.gather [hbm4b:s23+s5], $0x80, $0x38;
	[tilespmem:$0x14B00] =	vst v63  }
0x42: {  	s23 =	sand.u32 $0x1FFFFFF0, s25;
	s25 =	spop (v2sf);
	(v2sf) =	vpush v5, $0x2;
	_ =	sdelay $0x2  }
0x43: {  	s26 =	sadd.s32 $0x10280, s22;
	s23 =	sadd.s32 s7, s23  }
0x44: {  	[tilespmem:s26], [sflag:$0x1] =	stream.linear.gather [hbm4b:s23+s5], $0x80, $0x38;
	[tilespmem:$0x14B00] =	vst v63  }
0x45: {  	s23 =	sand.u32 $0x1FFFFFF0, s28  }
0x46: {  	s29 =	sadd.s32 $0x300, s22;
	s23 =	sadd.s32 s6, s23;
	s28 =	spop (v2sf);
	(v2sf) =	vpush v4, $0x2  }
0x47: {  	[tilespmem:s29], [sflag:$0x1] =	stream.linear.gather [hbm4b:s23+s5], $0x80, $0x38;
	[tilespmem:$0x14B00] =	vst v63  }
0x48: {  	s23 =	sand.u32 $0x1FFFFFF0, s30;
	s30 =	spop (v2sf);
	(v2sf) =	vpush v3, $0x2;
	_ =	sdelay $0x1  }
0x49: {  	s31 =	sadd.s32 $0x4300, s22;
	s23 =	sadd.s32 s6, s23  }
0x4a: {  	[tilespmem:s31], [sflag:$0x1] =	stream.linear.gather [hbm4b:s23+s5], $0x80, $0x38;
	[tilespmem:$0x14B00] =	vst v63  }
0x4b: {  	s23 =	sand.u32 $0x1FFFFFF0, s25  }
0x4c: {  	s26 =	sadd.s32 $0x8300, s22;
	s23 =	sadd.s32 s6, s23;
	s25 =	spop (v2sf);
	(v2sf) =	vpush v2, $0x2  }
0x4d: {  	[tilespmem:s26], [sflag:$0x1] =	stream.linear.gather [hbm4b:s23+s5], $0x80, $0x38;
	[tilespmem:$0x14B00] =	vst v63  }
0x4e: {  	s23 =	sand.u32 $0x1FFFFFF0, s28;
	s28 =	spop (v2sf);
	(v2sf) =	vpush v6, $0x3;
	_ =	sdelay $0x2  }
0x4f: {  	s29 =	sadd.s32 $0xC300, s22;
	s23 =	sadd.s32 s6, s23  }
0x50: {  	[tilespmem:s29], [sflag:$0x1] =	stream.linear.gather [hbm4b:s23+s5], $0x80, $0x38;
	[tilespmem:$0x14B00] =	vst v63  }
0x51: {  	s23 =	sand.u32 $0x1FFFFFF0, s30  }
0x52: {  	s31 =	sadd.s32 $0x10300, s22;
	s23 =	sadd.s32 s7, s23;
	s30 =	spop (v2sf);
	(v2sf) =	vpush v5, $0x3  }
0x53: {  	[tilespmem:s31], [sflag:$0x1] =	stream.linear.gather [hbm4b:s23+s5], $0x80, $0x38;
	[tilespmem:$0x14B00] =	vst v63  }
0x54: {  	s23 =	sand.u32 $0x1FFFFFF0, s25;
	s25 =	spop (v2sf);
	(v2sf) =	vpush v4, $0x3;
	_ =	sdelay $0x1  }
0x55: {  	s26 =	sadd.s32 $0x380, s22;
	s23 =	sadd.s32 s6, s23  }
0x56: {  	[tilespmem:s26], [sflag:$0x1] =	stream.linear.gather [hbm4b:s23+s5], $0x80, $0x38;
	[tilespmem:$0x14B00] =	vst v63  }
0x57: {  	s23 =	sand.u32 $0x1FFFFFF0, s28  }
0x58: {  	s29 =	sadd.s32 $0x4380, s22;
	s23 =	sadd.s32 s6, s23;
	s28 =	spop (v2sf);
	(v2sf) =	vpush v3, $0x3  }
0x59: {  	[tilespmem:s29], [sflag:$0x1] =	stream.linear.gather [hbm4b:s23+s5], $0x80, $0x38;
	[tilespmem:$0x14B00] =	vst v63  }
0x5a: {  	s23 =	sand.u32 $0x1FFFFFF0, s30;
	s30 =	spop (v2sf);
	(v2sf) =	vpush v2, $0x3;
	_ =	sdelay $0x2  }
0x5b: {  	s31 =	sadd.s32 $0x8380, s22;
	s23 =	sadd.s32 s6, s23  }
0x5c: {  	[tilespmem:s31], [sflag:$0x1] =	stream.linear.gather [hbm4b:s23+s5], $0x80, $0x38;
	[tilespmem:$0x14B00] =	vst v63  }
0x5d: {  	s23 =	sand.u32 $0x1FFFFFF0, s25  }
0x5e: {  	s26 =	sadd.s32 $0xC380, s22;
	s23 =	sadd.s32 s6, s23;
	s25 =	spop (v2sf);
	(v2sf) =	vpush v6, $0x4  }
0x5f: {  	[tilespmem:s26], [sflag:$0x1] =	stream.linear.gather [hbm4b:s23+s5], $0x80, $0x38;
	[tilespmem:$0x14B00] =	vst v63  }
0x60: {  	s23 =	sand.u32 $0x1FFFFFF0, s28;
	s28 =	spop (v2sf);
	(v2sf) =	vpush v5, $0x4;
	_ =	sdelay $0x1  }
0x61: {  	s29 =	sadd.s32 $0x10380, s22;
	s23 =	sadd.s32 s7, s23  }
0x62: {  	[tilespmem:s29], [sflag:$0x1] =	stream.linear.gather [hbm4b:s23+s5], $0x80, $0x38;
	[tilespmem:$0x14B00] =	vst v63  }
0x63: {  	s23 =	sand.u32 $0x1FFFFFF0, s30  }
0x64: {  	s31 =	sadd.s32 $0x400, s22;
	s23 =	sadd.s32 s6, s23;
	s30 =	spop (v2sf);
	(v2sf) =	vpush v4, $0x4  }
0x65: {  	[tilespmem:s31], [sflag:$0x1] =	stream.linear.gather [hbm4b:s23+s5], $0x80, $0x38;
	[tilespmem:$0x14B00] =	vst v63  }
0x66: {  	s23 =	sand.u32 $0x1FFFFFF0, s25;
	s25 =	spop (v2sf);
	(v2sf) =	vpush v3, $0x4;
	_ =	sdelay $0x2  }
0x67: {  	s26 =	sadd.s32 $0x4400, s22;
	s23 =	sadd.s32 s6, s23  }
0x68: {  	[tilespmem:s26], [sflag:$0x1] =	stream.linear.gather [hbm4b:s23+s5], $0x80, $0x38;
	[tilespmem:$0x14B00] =	vst v63  }
0x69: {  	s23 =	sand.u32 $0x1FFFFFF0, s28  }
0x6a: {  	s29 =	sadd.s32 $0x8400, s22;
	s23 =	sadd.s32 s6, s23;
	s28 =	spop (v2sf);
	(v2sf) =	vpush v2, $0x4  }
0x6b: {  	[tilespmem:s29], [sflag:$0x1] =	stream.linear.gather [hbm4b:s23+s5], $0x80, $0x38;
	[tilespmem:$0x14B00] =	vst v63  }
0x6c: {  	s23 =	sand.u32 $0x1FFFFFF0, s30;
	s30 =	spop (v2sf);
	(v2sf) =	vpush v6, $0x5;
	_ =	sdelay $0x1  }
0x6d: {  	s31 =	sadd.s32 $0xC400, s22;
	s23 =	sadd.s32 s6, s23  }
0x6e: {  	[tilespmem:s31], [sflag:$0x1] =	stream.linear.gather [hbm4b:s23+s5], $0x80, $0x38;
	[tilespmem:$0x14B00] =	vst v63  }
0x6f: {  	s23 =	sand.u32 $0x1FFFFFF0, s25  }
0x70: {  	s26 =	sadd.s32 $0x10400, s22;
	s23 =	sadd.s32 s7, s23;
	s25 =	spop (v2sf);
	(v2sf) =	vpush v5, $0x5  }
0x71: {  	[tilespmem:s26], [sflag:$0x1] =	stream.linear.gather [hbm4b:s23+s5], $0x80, $0x38;
	[tilespmem:$0x14B00] =	vst v63  }
0x72: {  	s23 =	sand.u32 $0x1FFFFFF0, s28;
	s28 =	spop (v2sf);
	(v2sf) =	vpush v4, $0x5;
	_ =	sdelay $0x2  }
0x73: {  	s29 =	sadd.s32 $0x480, s22;
	s23 =	sadd.s32 s6, s23  }
0x74: {  	[tilespmem:s29], [sflag:$0x1] =	stream.linear.gather [hbm4b:s23+s5], $0x80, $0x38;
	[tilespmem:$0x14B00] =	vst v63  }
0x75: {  	s23 =	sand.u32 $0x1FFFFFF0, s30  }
0x76: {  	s31 =	sadd.s32 $0x4480, s22;
	s23 =	sadd.s32 s6, s23;
	s30 =	spop (v2sf);
	(v2sf) =	vpush v3, $0x5  }
0x77: {  	[tilespmem:s31], [sflag:$0x1] =	stream.linear.gather [hbm4b:s23+s5], $0x80, $0x38;
	[tilespmem:$0x14B00] =	vst v63  }
0x78: {  	s23 =	sand.u32 $0x1FFFFFF0, s25;
	s25 =	spop (v2sf);
	(v2sf) =	vpush v2, $0x5;
	_ =	sdelay $0x1  }
0x79: {  	s26 =	sadd.s32 $0x8480, s22;
	s23 =	sadd.s32 s6, s23  }
0x7a: {  	[tilespmem:s26], [sflag:$0x1] =	stream.linear.gather [hbm4b:s23+s5], $0x80, $0x38;
	[tilespmem:$0x14B00] =	vst v63  }
0x7b: {  	s23 =	sand.u32 $0x1FFFFFF0, s28  }
0x7c: {  	s29 =	sadd.s32 $0xC480, s22;
	s23 =	sadd.s32 s6, s23;
	s28 =	spop (v2sf);
	(v2sf) =	vpush v6, $0x6  }
0x7d: {  	[tilespmem:s29], [sflag:$0x1] =	stream.linear.gather [hbm4b:s23+s5], $0x80, $0x38;
	[tilespmem:$0x14B00] =	vst v63  }
0x7e: {  	s23 =	sand.u32 $0x1FFFFFF0, s30;
	s30 =	spop (v2sf);
	(v2sf) =	vpush v5, $0x6;
	_ =	sdelay $0x2  }
0x7f: {  	s31 =	sadd.s32 $0x10480, s22;
	s23 =	sadd.s32 s7, s23  }
0x80: {  	[tilespmem:s31], [sflag:$0x1] =	stream.linear.gather [hbm4b:s23+s5], $0x80, $0x38;
	[tilespmem:$0x14B00] =	vst v63  }
0x81: {  	s23 =	sand.u32 $0x1FFFFFF0, s25  }
0x82: {  	s26 =	sadd.s32 $0x500, s22;
	s23 =	sadd.s32 s6, s23;
	s25 =	spop (v2sf);
	(v2sf) =	vpush v4, $0x6  }
0x83: {  	[tilespmem:s26], [sflag:$0x1] =	stream.linear.gather [hbm4b:s23+s5], $0x80, $0x38;
	[tilespmem:$0x14B00] =	vst v63  }
0x84: {  	s23 =	sand.u32 $0x1FFFFFF0, s28;
	s28 =	spop (v2sf);
	(v2sf) =	vpush v3, $0x6;
	_ =	sdelay $0x1  }
0x85: {  	s29 =	sadd.s32 $0x4500, s22;
	s23 =	sadd.s32 s6, s23  }
0x86: {  	[tilespmem:s29], [sflag:$0x1] =	stream.linear.gather [hbm4b:s23+s5], $0x80, $0x38;
	[tilespmem:$0x14B00] =	vst v63  }
0x87: {  	s23 =	sand.u32 $0x1FFFFFF0, s30  }
0x88: {  	s31 =	sadd.s32 $0x8500, s22;
	s23 =	sadd.s32 s6, s23;
	s30 =	spop (v2sf);
	(v2sf) =	vpush v2, $0x6  }
0x89: {  	[tilespmem:s31], [sflag:$0x1] =	stream.linear.gather [hbm4b:s23+s5], $0x80, $0x38;
	[tilespmem:$0x14B00] =	vst v63  }
0x8a: {  	s23 =	sand.u32 $0x1FFFFFF0, s25;
	s25 =	spop (v2sf);
	(v2sf) =	vpush v6, $0x7;
	_ =	sdelay $0x2  }
0x8b: {  	s26 =	sadd.s32 $0xC500, s22;
	s23 =	sadd.s32 s6, s23  }
0x8c: {  	[tilespmem:s26], [sflag:$0x1] =	stream.linear.gather [hbm4b:s23+s5], $0x80, $0x38;
	[tilespmem:$0x14B00] =	vst v63  }
0x8d: {  	s23 =	sand.u32 $0x1FFFFFF0, s28  }
0x8e: {  	s29 =	sadd.s32 $0x10500, s22;
	s23 =	sadd.s32 s7, s23;
	s28 =	spop (v2sf);
	(v2sf) =	vpush v5, $0x7  }
0x8f: {  	[tilespmem:s29], [sflag:$0x1] =	stream.linear.gather [hbm4b:s23+s5], $0x80, $0x38;
	[tilespmem:$0x14B00] =	vst v63  }
0x90: {  	s23 =	sand.u32 $0x1FFFFFF0, s30;
	s30 =	spop (v2sf);
	(v2sf) =	vpush v4, $0x7;
	_ =	sdelay $0x1  }
0x91: {  	s31 =	sadd.s32 $0x580, s22;
	s23 =	sadd.s32 s6, s23  }
0x92: {  	[tilespmem:s31], [sflag:$0x1] =	stream.linear.gather [hbm4b:s23+s5], $0x80, $0x38;
	[tilespmem:$0x14B00] =	vst v63  }
0x93: {  	s23 =	sand.u32 $0x1FFFFFF0, s25  }
0x94: {  	s26 =	sadd.s32 $0x4580, s22;
	s23 =	sadd.s32 s6, s23;
	s25 =	spop (v2sf);
	(v2sf) =	vpush v3, $0x7  }
0x95: {  	[tilespmem:s26], [sflag:$0x1] =	stream.linear.gather [hbm4b:s23+s5], $0x80, $0x38;
	[tilespmem:$0x14B00] =	vst v63  }
0x96: {  	s23 =	sand.u32 $0x1FFFFFF0, s28;
	s28 =	spop (v2sf);
	(v2sf) =	vpush v2, $0x7;
	_ =	sdelay $0x2  }
0x97: {  	s29 =	sadd.s32 $0x8580, s22;
	s23 =	sadd.s32 s6, s23  }
0x98: {  	[tilespmem:s29], [sflag:$0x1] =	stream.linear.gather [hbm4b:s23+s5], $0x80, $0x38;
	[tilespmem:$0x14B00] =	vst v63  }
0x99: {  	s23 =	sand.u32 $0x1FFFFFF0, s30  }
0x9a: {  	s31 =	sadd.s32 $0xC580, s22;
	s23 =	sadd.s32 s6, s23;
	s30 =	spop (v2sf);
	(v2sf) =	vpush v6, $0x8  }
0x9b: {  	[tilespmem:s31], [sflag:$0x1] =	stream.linear.gather [hbm4b:s23+s5], $0x80, $0x38;
	[tilespmem:$0x14B00] =	vst v63  }
0x9c: {  	s23 =	sand.u32 $0x1FFFFFF0, s25;
	s25 =	spop (v2sf);
	(v2sf) =	vpush v5, $0x8;
	_ =	sdelay $0x1  }
0x9d: {  	s26 =	sadd.s32 $0x10580, s22;
	s23 =	sadd.s32 s7, s23  }
0x9e: {  	[tilespmem:s26], [sflag:$0x1] =	stream.linear.gather [hbm4b:s23+s5], $0x80, $0x38;
	[tilespmem:$0x14B00] =	vst v63  }
0x9f: {  	s23 =	sand.u32 $0x1FFFFFF0, s28  }
0xa0: {  	s29 =	sadd.s32 $0x600, s22;
	s23 =	sadd.s32 s6, s23;
	s28 =	spop (v2sf);
	(v2sf) =	vpush v4, $0x8  }
0xa1: {  	[tilespmem:s29], [sflag:$0x1] =	stream.linear.gather [hbm4b:s23+s5], $0x80, $0x38;
	[tilespmem:$0x14B00] =	vst v63  }
0xa2: {  	s23 =	sand.u32 $0x1FFFFFF0, s30;
	s30 =	spop (v2sf);
	(v2sf) =	vpush v3, $0x8;
	_ =	sdelay $0x2  }
0xa3: {  	s31 =	sadd.s32 $0x4600, s22;
	s23 =	sadd.s32 s6, s23  }
0xa4: {  	[tilespmem:s31], [sflag:$0x1] =	stream.linear.gather [hbm4b:s23+s5], $0x80, $0x38;
	[tilespmem:$0x14B00] =	vst v63  }
0xa5: {  	s23 =	sand.u32 $0x1FFFFFF0, s25  }
0xa6: {  	s26 =	sadd.s32 $0x8600, s22;
	s23 =	sadd.s32 s6, s23;
	s25 =	spop (v2sf);
	(v2sf) =	vpush v2, $0x8  }
0xa7: {  	[tilespmem:s26], [sflag:$0x1] =	stream.linear.gather [hbm4b:s23+s5], $0x80, $0x38;
	[tilespmem:$0x14B00] =	vst v63  }
0xa8: {  	s23 =	sand.u32 $0x1FFFFFF0, s28;
	s28 =	spop (v2sf);
	(v2sf) =	vpush v6, $0x9;
	_ =	sdelay $0x1  }
0xa9: {  	s29 =	sadd.s32 $0xC600, s22;
	s23 =	sadd.s32 s6, s23  }
0xaa: {  	[tilespmem:s29], [sflag:$0x1] =	stream.linear.gather [hbm4b:s23+s5], $0x80, $0x38;
	[tilespmem:$0x14B00] =	vst v63  }
0xab: {  	s23 =	sand.u32 $0x1FFFFFF0, s30  }
0xac: {  	s31 =	sadd.s32 $0x10600, s22;
	s23 =	sadd.s32 s7, s23;
	s30 =	spop (v2sf);
	(v2sf) =	vpush v5, $0x9  }
0xad: {  	[tilespmem:s31], [sflag:$0x1] =	stream.linear.gather [hbm4b:s23+s5], $0x80, $0x38;
	[tilespmem:$0x14B00] =	vst v63  }
0xae: {  	s23 =	sand.u32 $0x1FFFFFF0, s25;
	s25 =	spop (v2sf);
	(v2sf) =	vpush v4, $0x9;
	_ =	sdelay $0x2  }
0xaf: {  	s26 =	sadd.s32 $0x680, s22;
	s23 =	sadd.s32 s6, s23  }
0xb0: {  	[tilespmem:s26], [sflag:$0x1] =	stream.linear.gather [hbm4b:s23+s5], $0x80, $0x38;
	[tilespmem:$0x14B00] =	vst v63  }
0xb1: {  	s23 =	sand.u32 $0x1FFFFFF0, s28  }
0xb2: {  	s29 =	sadd.s32 $0x4680, s22;
	s23 =	sadd.s32 s6, s23;
	s28 =	spop (v2sf);
	(v2sf) =	vpush v3, $0x9  }
0xb3: {  	[tilespmem:s29], [sflag:$0x1] =	stream.linear.gather [hbm4b:s23+s5], $0x80, $0x38;
	[tilespmem:$0x14B00] =	vst v63  }
0xb4: {  	s23 =	sand.u32 $0x1FFFFFF0, s30;
	s30 =	spop (v2sf);
	(v2sf) =	vpush v2, $0x9;
	_ =	sdelay $0x1  }
0xb5: {  	s31 =	sadd.s32 $0x8680, s22;
	s23 =	sadd.s32 s6, s23  }
0xb6: {  	[tilespmem:s31], [sflag:$0x1] =	stream.linear.gather [hbm4b:s23+s5], $0x80, $0x38;
	[tilespmem:$0x14B00] =	vst v63  }
0xb7: {  	s23 =	sand.u32 $0x1FFFFFF0, s25  }
0xb8: {  	s26 =	sadd.s32 $0xC680, s22;
	s23 =	sadd.s32 s6, s23;
	s25 =	spop (v2sf);
	(v2sf) =	vpush v6, $0xA  }
0xb9: {  	[tilespmem:s26], [sflag:$0x1] =	stream.linear.gather [hbm4b:s23+s5], $0x80, $0x38;
	[tilespmem:$0x14B00] =	vst v63  }
0xba: {  	s23 =	sand.u32 $0x1FFFFFF0, s28;
	s28 =	spop (v2sf);
	(v2sf) =	vpush v5, $0xA;
	_ =	sdelay $0x2  }
0xbb: {  	s29 =	sadd.s32 $0x10680, s22;
	s23 =	sadd.s32 s7, s23  }
0xbc: {  	[tilespmem:s29], [sflag:$0x1] =	stream.linear.gather [hbm4b:s23+s5], $0x80, $0x38;
	[tilespmem:$0x14B00] =	vst v63  }
0xbd: {  	s23 =	sand.u32 $0x1FFFFFF0, s30  }
0xbe: {  	s31 =	sadd.s32 $0x700, s22;
	s23 =	sadd.s32 s6, s23;
	s30 =	spop (v2sf);
	(v2sf) =	vpush v4, $0xA  }
0xbf: {  	[tilespmem:s31], [sflag:$0x1] =	stream.linear.gather [hbm4b:s23+s5], $0x80, $0x38;
	[tilespmem:$0x14B00] =	vst v63  }
0xc0: {  	s23 =	sand.u32 $0x1FFFFFF0, s25;
	s25 =	spop (v2sf);
	(v2sf) =	vpush v3, $0xA;
	_ =	sdelay $0x1  }
0xc1: {  	s26 =	sadd.s32 $0x4700, s22;
	s23 =	sadd.s32 s6, s23  }
0xc2: {  	[tilespmem:s26], [sflag:$0x1] =	stream.linear.gather [hbm4b:s23+s5], $0x80, $0x38;
	[tilespmem:$0x14B00] =	vst v63  }
0xc3: {  	s23 =	sand.u32 $0x1FFFFFF0, s28  }
0xc4: {  	s29 =	sadd.s32 $0x8700, s22;
	s23 =	sadd.s32 s6, s23;
	s28 =	spop (v2sf);
	(v2sf) =	vpush v2, $0xA  }
0xc5: {  	[tilespmem:s29], [sflag:$0x1] =	stream.linear.gather [hbm4b:s23+s5], $0x80, $0x38;
	[tilespmem:$0x14B00] =	vst v63  }
0xc6: {  	s23 =	sand.u32 $0x1FFFFFF0, s30;
	s30 =	spop (v2sf);
	(v2sf) =	vpush v6, $0xB;
	_ =	sdelay $0x2  }
0xc7: {  	s31 =	sadd.s32 $0xC700, s22;
	s23 =	sadd.s32 s6, s23  }
0xc8: {  	[tilespmem:s31], [sflag:$0x1] =	stream.linear.gather [hbm4b:s23+s5], $0x80, $0x38;
	[tilespmem:$0x14B00] =	vst v63  }
0xc9: {  	s23 =	sand.u32 $0x1FFFFFF0, s25  }
0xca: {  	s26 =	sadd.s32 $0x10700, s22;
	s23 =	sadd.s32 s7, s23;
	s25 =	spop (v2sf);
	(v2sf) =	vpush v5, $0xB  }
0xcb: {  	[tilespmem:s26], [sflag:$0x1] =	stream.linear.gather [hbm4b:s23+s5], $0x80, $0x38;
	[tilespmem:$0x14B00] =	vst v63  }
0xcc: {  	s23 =	sand.u32 $0x1FFFFFF0, s28;
	s28 =	spop (v2sf);
	(v2sf) =	vpush v4, $0xB;
	_ =	sdelay $0x1  }
0xcd: {  	s29 =	sadd.s32 $0x780, s22;
	s23 =	sadd.s32 s6, s23  }
0xce: {  	[tilespmem:s29], [sflag:$0x1] =	stream.linear.gather [hbm4b:s23+s5], $0x80, $0x38;
	[tilespmem:$0x14B00] =	vst v63  }
0xcf: {  	s23 =	sand.u32 $0x1FFFFFF0, s30  }
0xd0: {  	s31 =	sadd.s32 $0x4780, s22;
	s23 =	sadd.s32 s6, s23;
	s30 =	spop (v2sf);
	(v2sf) =	vpush v3, $0xB  }
0xd1: {  	[tilespmem:s31], [sflag:$0x1] =	stream.linear.gather [hbm4b:s23+s5], $0x80, $0x38;
	[tilespmem:$0x14B00] =	vst v63  }
0xd2: {  	s23 =	sand.u32 $0x1FFFFFF0, s25;
	s25 =	spop (v2sf);
	(v2sf) =	vpush v2, $0xB;
	_ =	sdelay $0x2  }
0xd3: {  	s26 =	sadd.s32 $0x8780, s22;
	s23 =	sadd.s32 s6, s23  }
0xd4: {  	[tilespmem:s26], [sflag:$0x1] =	stream.linear.gather [hbm4b:s23+s5], $0x80, $0x38;
	[tilespmem:$0x14B00] =	vst v63  }
0xd5: {  	s23 =	sand.u32 $0x1FFFFFF0, s28  }
0xd6: {  	s29 =	sadd.s32 $0xC780, s22;
	s23 =	sadd.s32 s6, s23;
	s28 =	spop (v2sf);
	(v2sf) =	vpush v6, $0xC  }
0xd7: {  	[tilespmem:s29], [sflag:$0x1] =	stream.linear.gather [hbm4b:s23+s5], $0x80, $0x38;
	[tilespmem:$0x14B00] =	vst v63  }
0xd8: {  	s23 =	sand.u32 $0x1FFFFFF0, s30;
	s30 =	spop (v2sf);
	(v2sf) =	vpush v5, $0xC;
	_ =	sdelay $0x1  }
0xd9: {  	s31 =	sadd.s32 $0x10780, s22;
	s23 =	sadd.s32 s7, s23  }
0xda: {  	[tilespmem:s31], [sflag:$0x1] =	stream.linear.gather [hbm4b:s23+s5], $0x80, $0x38;
	[tilespmem:$0x14B00] =	vst v63  }
0xdb: {  	s23 =	sand.u32 $0x1FFFFFF0, s25  }
0xdc: {  	s26 =	sadd.s32 $0x800, s22;
	s23 =	sadd.s32 s6, s23;
	s25 =	spop (v2sf);
	(v2sf) =	vpush v4, $0xC  }
0xdd: {  	[tilespmem:s26], [sflag:$0x1] =	stream.linear.gather [hbm4b:s23+s5], $0x80, $0x38;
	[tilespmem:$0x14B00] =	vst v63  }
0xde: {  	s23 =	sand.u32 $0x1FFFFFF0, s28;
	s28 =	spop (v2sf);
	(v2sf) =	vpush v3, $0xC  }
0xdf: {  	s29 =	sadd.s32 $0x4800, s22;
	s23 =	sadd.s32 s6, s23  }
0xe0: {  	[tilespmem:s29], [sflag:$0x1] =	stream.linear.gather [hbm4b:s23+s5], $0x80, $0x38;
	[tilespmem:$0x14B00] =	vst v63  }
0xe1: {  	s23 =	sand.u32 $0x1FFFFFF0, s30  }
0xe2: {  	s31 =	sadd.s32 $0x8800, s22;
	s23 =	sadd.s32 s6, s23  }
0xe3: {  	[tilespmem:s31], [sflag:$0x1] =	stream.linear.gather [hbm4b:s23+s5], $0x80, $0x38;
	[tilespmem:$0x14B00] =	vst v63  }
0xe4: {  	s30 =	spop (v2sf);
	(v2sf) =	vpush v2, $0xC  }
0xe5: {  	s23 =	sand.u32 $0x1FFFFFF0, s25  }
0xe6: {  	s26 =	sadd.s32 $0xC800, s22;
	s23 =	sadd.s32 s6, s23;
	s25 =	spop (v2sf);
	(v2sf) =	vpush v6, $0xD  }
0xe7: {  	[tilespmem:s26], [sflag:$0x1] =	stream.linear.gather [hbm4b:s23+s5], $0x80, $0x38;
	[tilespmem:$0x14B00] =	vst v63  }
0xe8: {  	s23 =	sand.u32 $0x1FFFFFF0, s28  }
0xe9: {  	s29 =	sadd.s32 $0x10800, s22;
	s23 =	sadd.s32 s7, s23  }
0xea: {  	[tilespmem:s29], [sflag:$0x1] =	stream.linear.gather [hbm4b:s23+s5], $0x80, $0x38;
	[tilespmem:$0x14B00] =	vst v63  }
0xeb: {  	s28 =	spop (v2sf);
	(v2sf) =	vpush v5, $0xD  }
0xec: {  	s23 =	sand.u32 $0x1FFFFFF0, s30  }
0xed: {  	s31 =	sadd.s32 $0x880, s22;
	s23 =	sadd.s32 s6, s23;
	s30 =	spop (v2sf);
	(v2sf) =	vpush v4, $0xD  }
0xee: {  	[tilespmem:s31], [sflag:$0x1] =	stream.linear.gather [hbm4b:s23+s5], $0x80, $0x38;
	[tilespmem:$0x14B00] =	vst v63  }
0xef: {  	s23 =	sand.u32 $0x1FFFFFF0, s25  }
0xf0: {  	s26 =	sadd.s32 $0x4880, s22;
	s23 =	sadd.s32 s6, s23  }
0xf1: {  	[tilespmem:s26], [sflag:$0x1] =	stream.linear.gather [hbm4b:s23+s5], $0x80, $0x38;
	[tilespmem:$0x14B00] =	vst v63  }
0xf2: {  	s23 =	sand.u32 $0x1FFFFFF0, s28  }
0xf3: {  	s29 =	sadd.s32 $0x8880, s22;
	s23 =	sadd.s32 s6, s23;
	s25 =	spop (v2sf);
	(v2sf) =	vpush v3, $0xD  }
0xf4: {  	[tilespmem:s29], [sflag:$0x1] =	stream.linear.gather [hbm4b:s23+s5], $0x80, $0x38;
	[tilespmem:$0x14B00] =	vst v63  }
0xf5: {  	s28 =	spop (v2sf);
	(v2sf) =	vpush v2, $0xD  }
0xf6: {  	s23 =	sand.u32 $0x1FFFFFF0, s30  }
0xf7: {  	s31 =	sadd.s32 $0xC880, s22;
	s23 =	sadd.s32 s6, s23  }
0xf8: {  	[tilespmem:s31], [sflag:$0x1] =	stream.linear.gather [hbm4b:s23+s5], $0x80, $0x38;
	[tilespmem:$0x14B00] =	vst v63  }
0xf9: {  	s23 =	sand.u32 $0x1FFFFFF0, s25  }
0xfa: {  	s26 =	sadd.s32 $0x10880, s22;
	s23 =	sadd.s32 s7, s23;
	s30 =	spop (v2sf);
	(v2sf) =	vpush v6, $0xE  }
0xfb: {  	[tilespmem:s26], [sflag:$0x1] =	stream.linear.gather [hbm4b:s23+s5], $0x80, $0x38;
	[tilespmem:$0x14B00] =	vst v63  }
0xfc: {  	s23 =	sand.u32 $0x1FFFFFF0, s28;
	s25 =	spop (v2sf);
	(v2sf) =	vpush v5, $0xE  }
0xfd: {  	s29 =	sadd.s32 $0x900, s22;
	s23 =	sadd.s32 s6, s23  }
0xfe: {  	[tilespmem:s29], [sflag:$0x1] =	stream.linear.gather [hbm4b:s23+s5], $0x80, $0x38;
	[tilespmem:$0x14B00] =	vst v63  }
0xff: {  	s23 =	sand.u32 $0x1FFFFFF0, s30  }
0x100: {  	s31 =	sadd.s32 $0x4900, s22;
	s23 =	sadd.s32 s6, s23  }
0x101: {  	[tilespmem:s31], [sflag:$0x1] =	stream.linear.gather [hbm4b:s23+s5], $0x80, $0x38;
	[tilespmem:$0x14B00] =	vst v63  }
0x102: {  	s28 =	spop (v2sf);
	(v2sf) =	vpush v4, $0xE  }
0x103: {  	s23 =	sand.u32 $0x1FFFFFF0, s25  }
0x104: {  	s26 =	sadd.s32 $0x8900, s22;
	s23 =	sadd.s32 s6, s23;
	s30 =	spop (v2sf);
	(v2sf) =	vpush v3, $0xE  }
0x105: {  	[tilespmem:s26], [sflag:$0x1] =	stream.linear.gather [hbm4b:s23+s5], $0x80, $0x38;
	[tilespmem:$0x14B00] =	vst v63  }
0x106: {  	s23 =	sand.u32 $0x1FFFFFF0, s28  }
0x107: {  	s29 =	sadd.s32 $0xC900, s22;
	s23 =	sadd.s32 s6, s23  }
0x108: {  	[tilespmem:s29], [sflag:$0x1] =	stream.linear.gather [hbm4b:s23+s5], $0x80, $0x38;
	[tilespmem:$0x14B00] =	vst v63  }
0x109: {  	s25 =	spop (v2sf);
	(v2sf) =	vpush v2, $0xE  }
0x10a: {  	s23 =	sand.u32 $0x1FFFFFF0, s30  }
0x10b: {  	s31 =	sadd.s32 $0x10900, s22;
	s23 =	sadd.s32 s7, s23;
	s28 =	spop (v2sf);
	(v2sf) =	vpush v6, $0xF  }
0x10c: {  	[tilespmem:s31], [sflag:$0x1] =	stream.linear.gather [hbm4b:s23+s5], $0x80, $0x38;
	[tilespmem:$0x14B00] =	vst v63  }
0x10d: {  	s23 =	sand.u32 $0x1FFFFFF0, s25  }
0x10e: {  	s26 =	sadd.s32 $0x980, s22;
	s23 =	sadd.s32 s6, s23  }
0x10f: {  	[tilespmem:s26], [sflag:$0x1] =	stream.linear.gather [hbm4b:s23+s5], $0x80, $0x38;
	[tilespmem:$0x14B00] =	vst v63  }
0x110: {  	s23 =	sand.u32 $0x1FFFFFF0, s28  }
0x111: {  	s29 =	sadd.s32 $0x4980, s22;
	s23 =	sadd.s32 s6, s23;
	s30 =	spop (v2sf);
	(v2sf) =	vpush v5, $0xF  }
0x112: {  	[tilespmem:s29], [sflag:$0x1] =	stream.linear.gather [hbm4b:s23+s5], $0x80, $0x38;
	[tilespmem:$0x14B00] =	vst v63  }
0x113: {  	s25 =	spop (v2sf);
	(v2sf) =	vpush v4, $0xF  }
0x114: {  	s23 =	sand.u32 $0x1FFFFFF0, s30  }
0x115: {  	s31 =	sadd.s32 $0x8980, s22;
	s23 =	sadd.s32 s6, s23  }
0x116: {  	[tilespmem:s31], [sflag:$0x1] =	stream.linear.gather [hbm4b:s23+s5], $0x80, $0x38;
	[tilespmem:$0x14B00] =	vst v63  }
0x117: {  	s23 =	sand.u32 $0x1FFFFFF0, s25  }
0x118: {  	s26 =	sadd.s32 $0xC980, s22;
	s23 =	sadd.s32 s6, s23;
	s28 =	spop (v2sf);
	(v2sf) =	vpush v3, $0xF  }
0x119: {  	[tilespmem:s26], [sflag:$0x1] =	stream.linear.gather [hbm4b:s23+s5], $0x80, $0x38;
	[tilespmem:$0x14B00] =	vst v63  }
0x11a: {  	s23 =	sand.u32 $0x1FFFFFF0, s28;
	s30 =	spop (v2sf);
	(v2sf) =	vpush v2, $0xF  }
0x11b: {  	s29 =	sadd.s32 $0x10980, s22;
	s23 =	sadd.s32 s7, s23  }
0x11c: {  	[tilespmem:s29], [sflag:$0x1] =	stream.linear.gather [hbm4b:s23+s5], $0x80, $0x38;
	[tilespmem:$0x14B00] =	vst v63  }
0x11d: {  	s23 =	sand.u32 $0x1FFFFFF0, s30  }
0x11e: {  	s31 =	sadd.s32 $0xA00, s22;
	s23 =	sadd.s32 s6, s23  }
0x11f: {  	[tilespmem:s31], [sflag:$0x1] =	stream.linear.gather [hbm4b:s23+s5], $0x80, $0x38;
	[tilespmem:$0x14B00] =	vst v63  }
0x120: {  	s24 =	spop (v2sf)  }
0x121: {  	s23 =	sand.u32 $0x1FFFFFF0, s24  }
0x122: {  	s25 =	sadd.s32 $0x4A00, s22;
	s26 =	spop (v2sf);
	s23 =	sadd.s32 s6, s23  }
0x123: {  	[tilespmem:s25], [sflag:$0x1] =	stream.linear.gather [hbm4b:s23+s5], $0x80, $0x38;
	[tilespmem:$0x14B00] =	vst v63  }
0x124: {  	s23 =	sand.u32 $0x1FFFFFF0, s26  }
0x125: {  	s28 =	sadd.s32 $0x8A00, s22;
	s23 =	sadd.s32 s6, s23  }
0x126: {  	[tilespmem:s28], [sflag:$0x1] =	stream.linear.gather [hbm4b:s23+s5], $0x80, $0x38;
	[tilespmem:$0x14B00] =	vst v63  }
0x127: {  	p0 =	sne.s32 s18, $0xE000;
	s29 =	spop (v2sf)  }
0x128: {  	s19 =	sadd.s32 $0x10, s19;
	s30 =	sadd.s32 $0xCA00, s22;
	s23 =	sand.u32 $0x1FFFFFF0, s29  }
.Ltmp0:
0x129: {  	s31 =	spop (v2sf);
	s23 =	sadd.s32 s6, s23;
	(pc) =	sbr.rel @p0 .LBB2_3-.Ltmp0, $4  }
0x12a: {  	[tilespmem:s30], [sflag:$0x1] =	stream.linear.gather [hbm4b:s23+s5], $0x80, $0x38;
	[tilespmem:$0x14B00] =	vst v63  }
0x12b: {  	s18 =	sadd.s32 $0x2000, s18;
	s20 =	sadd.s32 $0x10, s20;
	s23 =	sand.u32 $0x1FFFFFF0, s31  }
0x12c: {  	s21 =	sadd.s32 $0x10, s21;
	s22 =	sadd.s32 $0x10A00, s22;
	s23 =	sadd.s32 s7, s23  }
0x12d: {  	[tilespmem:s22], [sflag:$0x1] =	stream.linear.gather [hbm4b:s23+s5], $0x80, $0x38;
	[tilespmem:$0x14B00] =	vst v63  }
0x12e: {  	_ =	swait.ge [sflag:s13], $0x4000  }
0x12f: {  	[sflag:s13] =	ssyncset.done $0x0  }
0x130: {  	[sflag:s13] =	ssyncadd.s32 $0xFFFFC000  }
0x131: {  	_ =	swait.ge [sflag:s13], $0x4000  }
0x132: {  	[sflag:s13] =	ssyncset.done $0x0  }
0x133: {  	[sflag:s13] =	ssyncadd.s32 $0xFFFFC000  }
0x134: {  	_ =	swait.ge [sflag:s13], $0x4000  }
0x135: {  	[sflag:s13] =	ssyncset.done $0x0  }
0x136: {  	[sflag:s13] =	ssyncadd.s32 $0xFFFFC000  }
0x137: {  	_ =	swait.ge [sflag:s13], $0x4000  }
0x138: {  	[sflag:s13] =	ssyncset.done $0x0  }
0x139: {  	[sflag:s13] =	ssyncadd.s32 $0xFFFFC000  }
0x13a: {  	_ =	swait.ge [sflag:s13], $0x4000  }
0x13b: {  	[sflag:s13] =	ssyncset.done $0x0  }
0x13c: {  	s18 =	simm.s32 $0x0;
	[sflag:s13] =	ssyncadd.s32 $0xFFFFC000  }
0x13d: {  	v2 =	vld [tilespmem:s18+$0x8280]  }
0x13e: {  	v3 =	vld [tilespmem:s18+$0xC280]  }
0x13f: {  	v4 =	vld [tilespmem:s18+$0x4280]  }
0x140: {  	v5 =	vld [tilespmem:s18+$0x280]  }
0x141: {  	v6 =	vld [tilespmem:s18+$0x8290]  }
0x142: {  	v7 =	vld [tilespmem:s18+$0xC290]  }
0x143: {  	v8 =	vld [tilespmem:s18+$0x290]  }
0x144: {  	v9 =	vld [tilespmem:s18+$0x4290]  }
0x145: {  	v10 =	vld [tilespmem:s18+$0x82A0]  }
0x146: {  	v11 =	vld [tilespmem:s18+$0xC2A0]  }
0x147: {  	v12 =	vld [tilespmem:s18+$0x2A0]  }
0x148: {  	v13 =	vld [tilespmem:s18+$0x42A0]  }
0x149: {  	v14 =	vld [tilespmem:s18+$0x82B0]  }
0x14a: {  	v15 =	vld [tilespmem:s18+$0xC2B0]  }
0x14b: {  	v16 =	vld [tilespmem:s18+$0x2B0]  }
0x14c: {  	v17 =	vld [tilespmem:s18+$0x42B0]  }
0x14d: {  	v18 =	vld [tilespmem:s18+$0x10280]  }
0x14e: {  	v2 =	vmul.f32 v3, v2;
	v3 =	vmul.f32 v4, v5;
	v4 =	vld [tilespmem:s18+$0x10290]  }
0x14f: {  	v5 =	vmul.f32 v7, v6;
	v6 =	vmul.f32 v9, v8;
	v7 =	vld [tilespmem:s18+$0x102A0]  }
0x150: {  	v8 =	vmul.f32 v11, v10;
	v9 =	vmul.f32 v13, v12;
	v10 =	vld [tilespmem:s18+$0x102B0]  }
0x151: {  	v11 =	vmul.f32 v15, v14;
	v12 =	vmul.f32 v17, v16  }
0x152: {  	v2 =	vsub.f32 v2, v3;
	v3 =	vsub.f32 v5, v6  }
0x153: {  	v5 =	vsub.f32 v8, v9;
	v6 =	vsub.f32 v11, v12  }
0x154: {  	v2 =	vmul.f32 v2, v18;
	v3 =	vmul.f32 v3, v4  }
0x155: {  	v4 =	vmul.f32 v5, v7;
	v5 =	vmul.f32 v6, v10;
	_ =	sdelay $0x1  }
0x156: {  	v2 =	vadd.f32 v3, v2;
	v3 =	vadd.f32 v5, v4;
	_ =	sdelay $0x1  }
0x157: {  	v2 =	vadd.f32 v3, v2  }
0x158: {  	s18 =	simm.s32 $0x14280  }
0x159: {  	s19 =	simm.s32 $0x80;
	[tilespmem:s18+$0x0] =	vst v2  }
0x15a: {  	v2 =	vld [tilespmem:s19+$0x8280]  }
0x15b: {  	v3 =	vld [tilespmem:s19+$0xC280]  }
0x15c: {  	v4 =	vld [tilespmem:s19+$0x4280]  }
0x15d: {  	v6 =	vld [tilespmem:s19+$0x280]  }
0x15e: {  	v5 =	vld [tilespmem:s19+$0x8290]  }
0x15f: {  	v7 =	vld [tilespmem:s19+$0xC290]  }
0x160: {  	v8 =	vld [tilespmem:s19+$0x290]  }
0x161: {  	v10 =	vld [tilespmem:s19+$0x4290]  }
0x162: {  	v9 =	vld [tilespmem:s19+$0x82A0]  }
0x163: {  	v11 =	vld [tilespmem:s19+$0xC2A0]  }
0x164: {  	v12 =	vld [tilespmem:s19+$0x2A0]  }
0x165: {  	v14 =	vld [tilespmem:s19+$0x42A0]  }
0x166: {  	v13 =	vld [tilespmem:s19+$0x82B0]  }
0x167: {  	v15 =	vld [tilespmem:s19+$0xC2B0]  }
0x168: {  	s20 =	simm.s32 $0x400;
	v16 =	vld [tilespmem:s19+$0x2B0]  }
.LBB2_5:
0x169: {  	p0 =	sne.s32 s20, $0xFE00;
	v17 =	vld [tilespmem:s19+$0x42B0]  }
0x16a: {  	v18 =	vld [tilespmem:s19+$0x10280]  }
0x16b: {  	v2 =	vmul.f32 v3, v2;
	v3 =	vmul.f32 v4, v6;
	v4 =	vld [tilespmem:s19+$0x10290]  }
0x16c: {  	v5 =	vmul.f32 v7, v5;
	v6 =	vmul.f32 v10, v8;
	v7 =	vld [tilespmem:s19+$0x102A0]  }
0x16d: {  	v8 =	vmul.f32 v11, v9;
	v9 =	vmul.f32 v14, v12;
	v10 =	vld [tilespmem:s19+$0x102B0]  }
0x16e: {  	v11 =	vmul.f32 v15, v13;
	v12 =	vmul.f32 v17, v16  }
0x16f: {  	v2 =	vsub.f32 v2, v3;
	v3 =	vsub.f32 v5, v6  }
0x170: {  	v5 =	vsub.f32 v8, v9;
	v6 =	vsub.f32 v11, v12  }
0x171: {  	v2 =	vmul.f32 v2, v18;
	v3 =	vmul.f32 v3, v4  }
0x172: {  	v4 =	vmul.f32 v5, v7;
	v5 =	vmul.f32 v6, v10;
	_ =	sdelay $0x1  }
0x173: {  	v2 =	vadd.f32 v3, v2;
	v3 =	vadd.f32 v5, v4;
	_ =	sdelay $0x1  }
0x174: {  	v2 =	vadd.f32 v3, v2  }
0x175: {  	s18 =	sadd.s32 $0x10, s18  }
0x176: {  	s19 =	sshra.s32 s20, $0x2;
	[tilespmem:s18+$0x0] =	vst v2  }
0x177: {  	v2 =	vld [tilespmem:s19+$0x8280]  }
0x178: {  	v3 =	vld [tilespmem:s19+$0xC280]  }
0x179: {  	v4 =	vld [tilespmem:s19+$0x4280]  }
0x17a: {  	v6 =	vld [tilespmem:s19+$0x280]  }
0x17b: {  	v5 =	vld [tilespmem:s19+$0x8290]  }
0x17c: {  	v7 =	vld [tilespmem:s19+$0xC290]  }
0x17d: {  	v8 =	vld [tilespmem:s19+$0x290]  }
0x17e: {  	v10 =	vld [tilespmem:s19+$0x4290]  }
0x17f: {  	v9 =	vld [tilespmem:s19+$0x82A0]  }
0x180: {  	v11 =	vld [tilespmem:s19+$0xC2A0]  }
.Ltmp1:
0x181: {  	v12 =	vld [tilespmem:s19+$0x2A0];
	(pc) =	sbr.rel @p0 .LBB2_5-.Ltmp1, $4  }
0x182: {  	v14 =	vld [tilespmem:s19+$0x42A0]  }
0x183: {  	v13 =	vld [tilespmem:s19+$0x82B0]  }
0x184: {  	v15 =	vld [tilespmem:s19+$0xC2B0]  }
0x185: {  	s20 =	sadd.s32 $0x200, s20;
	v16 =	vld [tilespmem:s19+$0x2B0]  }
0x186: {  	v17 =	vld [tilespmem:s19+$0x42B0]  }
0x187: {  	v18 =	vld [tilespmem:s19+$0x10280]  }
0x188: {  	v2 =	vmul.f32 v3, v2;
	v3 =	vmul.f32 v4, v6;
	v4 =	vld [tilespmem:s19+$0x10290]  }
0x189: {  	v5 =	vmul.f32 v7, v5;
	v6 =	vmul.f32 v10, v8;
	v7 =	vld [tilespmem:s19+$0x102A0]  }
0x18a: {  	v8 =	vmul.f32 v11, v9;
	v10 =	vld [tilespmem:s19+$0x102B0];
	v9 =	vmul.f32 v14, v12  }
0x18b: {  	v11 =	vmul.f32 v15, v13;
	v12 =	vmul.f32 v17, v16  }
0x18c: {  	v2 =	vsub.f32 v2, v3;
	v3 =	vsub.f32 v5, v6  }
0x18d: {  	v5 =	vsub.f32 v8, v9;
	v6 =	vsub.f32 v11, v12  }
0x18e: {  	v2 =	vmul.f32 v2, v18;
	v3 =	vmul.f32 v3, v4  }
0x18f: {  	v4 =	vmul.f32 v5, v7;
	v5 =	vmul.f32 v6, v10  }
0x190: {  	s25 =	simm.s32 $0xF  }
0x191: {  	s20 =	simm.s32 $0x0;
	v2 =	vadd.f32 v3, v2;
	v3 =	vadd.f32 v5, v4;
	v4 =	vor.u32 s25, v0  }
0x192: {  	s28 =	simm.s32 $0x2;
	v5 =	vor.u32 s20, v0  }
0x193: {  	s30 =	simm.s32 $0x4;
	v6 =	vor.u32 s28, v0;
	v2 =	vadd.f32 v3, v2  }
0x194: {  	s26 =	simm.s32 $0x1;
	s18 =	sadd.s32 $0x10, s18;
	v7 =	vor.u32 s30, v0  }
0x195: {  	s29 =	simm.s32 $0x3;
	v3 =	vor.u32 s26, v0;
	[tilespmem:s18+$0x0] =	vst v2  }
0x196: {  	s23 =	simm.s32 $0xA;
	v2 =	vor.u32 s29, v0;
	v8 =	vld.idx.msk [tilespmem:v4+s14+$0x0], $0xffff  }
0x197: {  	v13 =	vor.u32 s23, v0;
	s20 =	simm.s32 $0x7;
	v4 =	vld.idx.msk [tilespmem:v5+s14+$0x0], $0xffff  }
0x198: {  	s22 =	simm.s32 $0x9;
	v10 =	vor.u32 s20, v0;
	v6 =	vld.idx.msk [tilespmem:v6+s14+$0x0], $0xffff  }
0x199: {  	s19 =	simm.s32 $0x6;
	v12 =	vld.idx.msk [tilespmem:v7+s14+$0x0], $0xffff;
	v7 =	vor.u32 s22, v0  }
0x19a: {  	s21 =	simm.s32 $0x8;
	v9 =	vld.idx.msk [tilespmem:v3+s14+$0x0], $0xffff;
	v3 =	vor.u32 s19, v0  }
0x19b: {  	s25 =	simm.s32 $0xC;
	v11 =	vld.idx.msk [tilespmem:v2+s14+$0x0], $0xffff;
	v2 =	vor.u32 s21, v0  }
0x19c: {  	s31 =	simm.s32 $0x5;
	v15 =	vor.u32 s25, v0;
	v13 =	vld.idx.msk [tilespmem:v13+s14+$0x0], $0xffff  }
0x19d: {  	s28 =	simm.s32 $0xE;
	v5 =	vor.u32 s31, v0;
	v10 =	vld.idx.msk [tilespmem:v10+s14+$0x0], $0xffff  }
0x19e: {  	s24 =	simm.s32 $0xB;
	v17 =	vld.idx.msk [tilespmem:v7+s14+$0x0], $0xffff;
	v7 =	vor.u32 s28, v0  }
0x19f: {  	s26 =	simm.s32 $0xD;
	v14 =	vld.idx.msk [tilespmem:v3+s14+$0x0], $0xffff;
	v3 =	vor.u32 s24, v0  }
0x1a0: {  	s29 =	simm.s32 $0x10F;
	v16 =	vld.idx.msk [tilespmem:v2+s14+$0x0], $0xffff;
	v2 =	vor.u32 s26, v0  }
0x1a1: {  	s30 =	simm.s32 $0x100;
	v18 =	vor.u32 s29, v0;
	v15 =	vld.idx.msk [tilespmem:v15+s14+$0x0], $0xffff  }
0x1a2: {  	v19 =	vor.u32 s30, v0;
	s19 =	simm.s32 $0x102;
	v5 =	vld.idx.msk [tilespmem:v5+s14+$0x0], $0xffff  }
0x1a3: {  	s20 =	simm.s32 $0x103;
	v21 =	vor.u32 s19, v0;
	v24 =	vld.idx.msk [tilespmem:v7+s14+$0x0], $0xffff  }
0x1a4: {  	v23 =	vor.u32 s20, v0;
	s21 =	simm.s32 $0x104;
	v20 =	vld.idx.msk [tilespmem:v3+s14+$0x0], $0xffff  }
0x1a5: {  	s22 =	simm.s32 $0x105;
	v25 =	vor.u32 s21, v0;
	v22 =	vld.idx.msk [tilespmem:v2+s14+$0x0], $0xffff  }
0x1a6: {  	s23 =	simm.s32 $0x106;
	v2 =	vld.idx.msk [tilespmem:v18+s14+$0x0], $0xffff;
	v18 =	vor.u32 s22, v0  }
0x1a7: {  	s25 =	simm.s32 $0x108;
	v9 =	vadd.f32 v9, v4;
	v7 =	vld.idx.msk [tilespmem:v19+s14+$0x0], $0xffff;
	v19 =	vor.u32 s23, v0  }
0x1a8: {  	v63 =	vor.u32 s25, v0;
	s31 =	simm.s32 $0x101;
	v4 =	vld.idx.msk [tilespmem:v21+s14+$0x0], $0xffff;
	v11 =	vadd.f32 v11, v6;
	v12 =	vadd.f32 v5, v12  }
0x1a9: {  	s24 =	simm.s32 $0x107;
	v5 =	vld.idx.msk [tilespmem:v23+s14+$0x0], $0xffff;
	v3 =	vor.u32 s31, v0;
	v10 =	vadd.f32 v10, v14;
	v14 =	vadd.f32 v17, v16  }
0x1aa: {  	v62 =	vor.u32 s24, v0;
	s26 =	simm.s32 $0x109;
	v6 =	vld.idx.msk [tilespmem:v25+s14+$0x0], $0xffff;
	v16 =	vadd.f32 v8, v24;
	v13 =	vadd.f32 v20, v13  }
0x1ab: {  	s28 =	simm.s32 $0x10A;
	v15 =	vadd.f32 v22, v15;
	v8 =	vld.idx.msk [tilespmem:v18+s14+$0x0], $0xffff;
	v18 =	vadd.f32 v10, v12;
	v12 =	vor.u32 s26, v0  }
0x1ac: {  	s29 =	simm.s32 $0x10B;
	v17 =	vadd.f32 v11, v9;
	v9 =	vld.idx.msk [tilespmem:v19+s14+$0x0], $0xffff;
	v19 =	vadd.f32 v13, v14;
	v13 =	vor.u32 s28, v0  }
0x1ad: {  	s30 =	simm.s32 $0x10C;
	v11 =	vld.idx.msk [tilespmem:v63+s14+$0x0], $0xffff;
	v14 =	vor.u32 s29, v0;
	v20 =	vadd.f32 v16, v15  }
0x1ae: {  	s31 =	simm.s32 $0x10D;
	v3 =	vld.idx.msk [tilespmem:v3+s14+$0x0], $0xffff;
	v15 =	vor.u32 s30, v0  }
0x1af: {  	s18 =	simm.s32 $0x20F;
	s19 =	simm.s32 $0x10E;
	v10 =	vld.idx.msk [tilespmem:v62+s14+$0x0], $0xffff;
	v16 =	vor.u32 s31, v0;
	v17 =	vadd.f32 v18, v17;
	v18 =	vadd.f32 v20, v19  }
.LBB2_7:
0x1b0: {  	p0 =	sne.s32 s18, $0x70F;
	v12 =	vld.idx.msk [tilespmem:v12+s14+$0x0], $0xffff;
	v19 =	vor.u32 s19, v0  }
0x1b1: {  	s19 =	sadd.s32 $0xFFFFFFF1, s18;
	v20 =	vor.u32 s18, v0;
	v13 =	vld.idx.msk [tilespmem:v13+s14+$0x0], $0xffff;
	v17 =	vadd.f32 v18, v17  }
0x1b2: {  	v18 =	vor.u32 s19, v0;
	s19 =	sadd.s32 $0xFFFFFFF2, s18;
	v14 =	vld.idx.msk [tilespmem:v14+s14+$0x0], $0xffff  }
0x1b3: {  	v21 =	vor.u32 s19, v0;
	s19 =	sadd.s32 $0xFFFFFFF3, s18;
	v15 =	vld.idx.msk [tilespmem:v15+s14+$0x0], $0xffff;
	v17 =	vadd.f32 $1.000000000e+00, v17  }
0x1b4: {  	v22 =	vor.u32 s19, v0;
	s19 =	sadd.s32 $0xFFFFFFF4, s18;
	v16 =	vld.idx.msk [tilespmem:v16+s14+$0x0], $0xffff  }
0x1b5: {  	v23 =	vor.u32 s19, v0;
	s19 =	sadd.s32 $0xFFFFFFF5, s18;
	v19 =	vld.idx.msk [tilespmem:v19+s14+$0x0], $0xffff;
	v17 =	vmax.f32 v17, $0.0e+00  }
0x1b6: {  	v24 =	vor.u32 s19, v0;
	s19 =	sadd.s32 $0xFFFFFFF6, s18;
	v20 =	vld.idx.msk [tilespmem:v20+s14+$0x0], $0xffff;
	v1 =	vadd.f32 v17, v1  }
0x1b7: {  	v17 =	vld.idx.msk [tilespmem:v18+s14+$0x0], $0xffff;
	v18 =	vor.u32 s19, v0;
	s19 =	sadd.s32 $0xFFFFFFF7, s18  }
0x1b8: {  	v7 =	vadd.f32 v3, v7;
	v25 =	vor.u32 s19, v0;
	s19 =	sadd.s32 $0xFFFFFFF8, s18;
	v3 =	vld.idx.msk [tilespmem:v21+s14+$0x0], $0xffff;
	v21 =	vadd.f32 v5, v4  }
0x1b9: {  	v26 =	vadd.f32 v8, v6;
	v9 =	vadd.f32 v10, v9;
	v4 =	vld.idx.msk [tilespmem:v22+s14+$0x0], $0xffff;
	v22 =	vor.u32 s19, v0;
	s19 =	sadd.s32 $0xFFFFFFF9, s18  }
0x1ba: {  	v10 =	vadd.f32 v12, v11;
	v11 =	vadd.f32 v14, v13;
	v5 =	vld.idx.msk [tilespmem:v23+s14+$0x0], $0xffff;
	v23 =	vor.u32 s19, v0;
	s19 =	sadd.s32 $0xFFFFFFFA, s18  }
.Ltmp2:
0x1bb: {  	v15 =	vadd.f32 v16, v15;
	v16 =	vadd.f32 v2, v19;
	v6 =	vld.idx.msk [tilespmem:v24+s14+$0x0], $0xffff;
	v12 =	vor.u32 s19, v0;
	s19 =	sadd.s32 $0xFFFFFFFB, s18;
	(pc) =	sbr.rel @p0 .LBB2_7-.Ltmp2, $4  }
0x1bc: {  	v19 =	vadd.f32 v9, v26;
	v2 =	vmovc v20;
	v8 =	vld.idx.msk [tilespmem:v18+s14+$0x0], $0xffff;
	v13 =	vor.u32 s19, v0;
	s19 =	sadd.s32 $0xFFFFFFFC, s18;
	v18 =	vadd.f32 v21, v7  }
0x1bd: {  	v20 =	vadd.f32 v11, v10;
	v21 =	vadd.f32 v16, v15;
	v7 =	vmovc v17;
	v9 =	vld.idx.msk [tilespmem:v25+s14+$0x0], $0xffff;
	v14 =	vor.u32 s19, v0;
	s19 =	sadd.s32 $0xFFFFFFFD, s18  }
0x1be: {  	v10 =	vld.idx.msk [tilespmem:v22+s14+$0x0], $0xffff;
	v15 =	vor.u32 s19, v0;
	s19 =	sadd.s32 $0xFFFFFFFE, s18  }
0x1bf: {  	v17 =	vadd.f32 v19, v18;
	v18 =	vadd.f32 v21, v20;
	v11 =	vld.idx.msk [tilespmem:v23+s14+$0x0], $0xffff;
	v16 =	vor.u32 s19, v0;
	s19 =	sadd.s32 $0xFFFFFFFF, s18;
	s18 =	sadd.s32 $0x100, s18  }
0x1c0: {  	_ =	sdelay $0x3  }
0x1c1: {  	v12 =	vld.idx.msk [tilespmem:v12+s14+$0x0], $0xffff;
	v19 =	vor.u32 s19, v0  }
0x1c2: {  	v13 =	vld.idx.msk [tilespmem:v13+s14+$0x0], $0xffff  }
0x1c3: {  	v14 =	vld.idx.msk [tilespmem:v14+s14+$0x0], $0xffff  }
0x1c4: {  	v15 =	vld.idx.msk [tilespmem:v15+s14+$0x0], $0xffff  }
0x1c5: {  	v16 =	vld.idx.msk [tilespmem:v16+s14+$0x0], $0xffff  }
0x1c6: {  	v19 =	vld.idx.msk [tilespmem:v19+s14+$0x0], $0xffff;
	_ =	sdelay $0x1  }
0x1c7: {  	v3 =	vadd.f32 v3, v7;
	v4 =	vadd.f32 v5, v4  }
0x1c8: {  	v55 =	vadd.f32 v8, v6;
	v56 =	vadd.f32 v10, v9  }
0x1c9: {  	v57 =	vadd.f32 v12, v11;
	v58 =	vadd.f32 v14, v13  }
0x1ca: {  	v59 =	vadd.f32 v16, v15;
	v2 =	vadd.f32 v2, v19  }
0x1cb: {  	v3 =	vadd.f32 v4, v3;
	v60 =	vadd.f32 v56, v55  }
0x1cc: {  	v61 =	vadd.f32 v58, v57;
	v2 =	vadd.f32 v2, v59  }
0x1cd: {  	v62 =	vadd.f32 v18, v17  }
0x1ce: {  	v3 =	vadd.f32 v60, v3;
	v2 =	vadd.f32 v2, v61  }
0x1cf: {  	s17 =	sadd.s32 $0x1, s17  }
0x1d0: {  	p0 =	sne.s32 s17, $0x4;
	v63 =	vadd.f32 $1.000000000e+00, v62;
	v2 =	vadd.f32 v2, v3  }
.Ltmp3:
0x1d1: {  	_ = 	snop;
	(pc) =	sbr.rel @p0 .LBB2_2-.Ltmp3, $4  }
0x1d2: {  	v3 =	vmax.f32 v63, $0.0e+00;
	v2 =	vadd.f32 $1.000000000e+00, v2  }
0x1d3: {  	v1 =	vadd.f32 v3, v1  }
0x1d4: {  	v2 =	vmax.f32 v2, $0.0e+00  }
0x1d5: {  	v1 =	vadd.f32 v2, v1  }
0x1d6: {  	s16 =	sadd.s32 $0x1, s16  }
0x1d7: {  	p0 =	sne.s32 s16, s10  }
.Ltmp4:
0x1d8: {  	[tilespmem:$0x14A80] =	vst v1;
	(pc) =	sbr.rel @p0 .LBB2_1-.Ltmp4, $4  }
0x1d9: {  	[hbm4b:s9+s5] =	stream.linear.scatter [tilespmem:s15], [sflag:$0x2], $0x80, $0x38;
	[tilespmem:$0x14B00] =	vst v63  }
0x1da: {  	_ =	swait.ge [sflag:s11], $0x80  }
0x1db: {  	[sflag:s11] =	ssyncset.done $0x0  }
0x1dc: {  	[sflag:s11] =	ssyncadd.s32 $0xFFFFFF80  }
0x1dd: {  	_ =	sfence.sel $0x180000  }
0x1de: {  	[bflag:$0x0] =	sbarrier.arrive $0xFFFF  }
0x1df: {  	p0 =	sne.s32 s4, $0x0;
	_ =	strace $0x90000047  }
0x1e0: {  	s0 =	sadd.s32 @!p0 $0x100000, s0;
	[bflag:$0x2] =	sbarrier.arrive $0xFFFF  }
0x1e1: {  	[sflag:s0] =	ssyncadd.tile.s32 @!p0 $0x1;
	_ =	shalt  }
.Lfunc_end2:
_tile_overlayer_lowered:
.L_overlay_start_2:
0x1e2: {  	(tag) =	ssettag $0x2  }
0x1e3: {  	s0 =	rddreg [dreg:$0x0];
	s2 =	stileid.u32  }
0x1e4: {  	s1 =	rddreg [dreg:$0x1];
	p0 =	sne.s32 s2, $0x0  }
0x1e5: {  	s3 =	rddreg [dreg:$0x2];
	[bflag:$0x3] =	sbarrier.arrive $0xFFFF;
	s2 =	simm.s32 @!p0 $0x1C02  }
0x1e6: {  	[timem:s3], [sflag:s2] =	dma.local @!p0 [hbm:s0], s1  }
0x1e7: {  	s0 =	simm.s32 @!p0 $0x2  }
0x1e8: {  	_ =	swait.ge @!p0 [sflag:s0], s1  }
0x1e9: {  	s1 =	ssub.s32 @!p0 $0x0, s1;
	[sflag:s0] =	ssyncset.done @!p0 $0x0  }
0x1ea: {  	[sflag:s0] =	ssyncadd.s32 @!p0 s1  }
0x1eb: {  	[bflag:$0x3] =	sbarrier.arrive $0xFFFF  }
0x1ec: {  	_ =	shalt  }

</sc_bundles>
